<compile_context>
chip_gen: v7x
topology: tpu7x:2x2x1
jax: 0.10.2.dev20260603
libtpu: 0.0.44.dev20260713+nightly
codegen_flags: <defaults>
</compile_context>

<pallas_src>
import functools

import jax
import jax.numpy as jnp
from jax import lax
from jax.experimental import pallas as pl
from jax.experimental.pallas import tpu as pltpu
from jax.experimental.pallas import tpu_sc as plsc

_B, _IN, _N = 8, 64, 2048
_M = 512
_OUT = 128
_C = _IN + 3


_CP = 72


def _fps_body(x_ref, far0_ref, cidx_ref):
    iota_n = lax.broadcasted_iota(jnp.int32, (_B, _N), 1)
    iota_1 = lax.broadcasted_iota(jnp.int32, (1, _N), 1)
    iota_m = lax.broadcasted_iota(jnp.int32, (_B, _M), 1)
    far0 = far0_ref[...]
    dist0 = jnp.full((_B, _N), 1e10, dtype=jnp.float32)
    cacc0 = jnp.zeros((_B, _M), dtype=jnp.int32)

    def step(i, st):
        dist, far, cacc = st
        cacc = jnp.where(iota_m == i, far, cacc)
        rows = []
        for b in range(_B):
            ohb = (iota_1 == far[b:b + 1, :]).astype(jnp.float32)
            dacc = jnp.zeros((8, _N), dtype=jnp.float32)
            for t in range(_CP // 8):
                tile = x_ref[b, 8 * t:8 * t + 8, :]
                selt = jnp.sum(tile * ohb, axis=1, keepdims=True)
                diff = tile - selt
                dacc = dacc + diff * diff
            rows.append(jnp.sum(dacc, axis=0, keepdims=True))
        d = jnp.concatenate(rows, axis=0)
        dist = jnp.minimum(dist, d)
        mx = jnp.max(dist, axis=1, keepdims=True)
        cand = jnp.where(dist == mx, iota_n, _N)
        far = jnp.min(cand, axis=1, keepdims=True)
        return dist, far, cacc

    _, _, cacc = lax.fori_loop(0, _M, step, (dist0, far0, cacc0))
    cidx_ref[...] = cacc


_DP = 128


def _sc_gather(table, idx):
    info = plsc.get_sparse_core_info()
    nc, ns = info.num_cores, info.num_subcores
    nw = nc * ns
    rows_total = _B * _M
    per_w = rows_total // nw
    mesh = plsc.VectorSubcoreMesh(core_axis_name="c", subcore_axis_name="s")

    @functools.partial(
        pl.kernel, mesh=mesh,
        out_type=jax.ShapeDtypeStruct((rows_total, _DP), jnp.float32),
        scratch_types=[
            pltpu.VMEM((per_w,), jnp.int32),
            pltpu.VMEM((per_w, _DP), jnp.float32),
            pltpu.SemaphoreType.DMA,
        ],
    )
    def gather_kernel(table_hbm, idx_hbm, out_hbm, idx_v, rows_v, sem):
        wid = lax.axis_index("s") * nc + lax.axis_index("c")
        base = wid * per_w
        pltpu.sync_copy(idx_hbm.at[pl.ds(base, per_w)], idx_v)
        pltpu.async_copy(table_hbm.at[idx_v], rows_v, sem).wait()
        pltpu.sync_copy(rows_v, out_hbm.at[pl.ds(base, per_w)])

    return gather_kernel(table, idx)


def _fwd_body(x_ref, cent_ref, wq_ref, wk_ref, wv_ref, wout_ref, w1_ref,
              b1_ref, bnw_ref, bnb_ref, w2_ref, b2_ref, out_ref, h_scr):
    f32 = jnp.float32
    scale = 1.0 / (_OUT ** 0.5)

    s1 = jnp.zeros((_OUT, 1), dtype=f32)
    for b in range(_B):
        xb = x_ref[b]
        cent = cent_ref[b][:, 0:_C]
        q = lax.dot_general(wq_ref[...], cent,
                            (((1,), (1,)), ((), ())))
        k = jax.lax.dot(wk_ref[...], xb)
        v = jax.lax.dot(wv_ref[...], xb)
        logits = lax.dot_general(q, k, (((0,), (0,)), ((), ()))) * scale
        probs = jax.nn.softmax(logits, axis=-1)
        att = lax.dot_general(v, probs, (((1,), (1,)), ((), ())))
        att = jax.lax.dot(wout_ref[...], att)
        h = jax.lax.dot(w1_ref[...], att) + b1_ref[...]
        h_scr[b] = h
        s1 = s1 + jnp.sum(h, axis=1, keepdims=True)

    mean = s1 * (1.0 / (_B * _M))
    s2 = jnp.zeros((_OUT, 1), dtype=f32)
    for b in range(_B):
        dh = h_scr[b] - mean
        s2 = s2 + jnp.sum(dh * dh, axis=1, keepdims=True)
    var = s2 * (1.0 / (_B * _M))
    inv = 1.0 / jnp.sqrt(var + 1e-5)

    for b in range(_B):
        hn = (h_scr[b] - mean) * inv
        hn = hn * bnw_ref[...] + bnb_ref[...]
        hn = jnp.where(hn >= 0, hn, 0.2 * hn)
        out_ref[b] = jax.lax.dot(w2_ref[...], hn) + b2_ref[...]


def kernel(x, xt, Wq, Wk, Wv, Wout, w1, b1, bn_w, bn_b, w2, b2):
    xcat = jnp.concatenate([x, xt], axis=1)
    far0 = jax.random.randint(jax.random.key(42), (_B,), 0, _N).astype(
        jnp.int32).reshape(_B, 1)

    vmem = pl.BlockSpec(memory_space=pltpu.VMEM)
    xpad = jnp.concatenate(
        [xcat, jnp.zeros((_B, _CP - _C, _N), dtype=xcat.dtype)], axis=1)
    cidx = pl.pallas_call(
        _fps_body,
        out_shape=jax.ShapeDtypeStruct((_B, _M), jnp.int32),
        in_specs=[vmem, vmem],
        out_specs=vmem,
    )(xpad, far0)

    xrows = jnp.concatenate(
        [jnp.transpose(xcat, (0, 2, 1)),
         jnp.zeros((_B, _N, _DP - _C), dtype=xcat.dtype)],
        axis=2).reshape(_B * _N, _DP)
    flat_idx = (cidx + (jnp.arange(_B, dtype=jnp.int32) * _N)[:, None]
                ).reshape(_B * _M)
    cent_rows = _sc_gather(xrows, flat_idx).reshape(_B, _M, _DP)

    out = pl.pallas_call(
        _fwd_body,
        out_shape=jax.ShapeDtypeStruct((_B, _OUT, _M), jnp.float32),
        in_specs=[vmem] * 12,
        out_specs=vmem,
        scratch_shapes=[pltpu.VMEM((_B, _OUT, _M), jnp.float32)],
    )(xcat, cent_rows, Wq, Wk, Wv, Wout, w1,
      b1.reshape(_OUT, 1), bn_w.reshape(_OUT, 1), bn_b.reshape(_OUT, 1),
      w2, b2.reshape(_OUT, 1))
    return (out, cidx)

# --- scband reference (transcript-rebuilt; emitter-appended) ---
"""Pipeline reference for scband-down-sample-73967926771953 (READ-ONLY COPY).

The authoritative reference and input builder live on the scoring server;
editing this copy changes nothing except your own understanding.
"""

import jax, jax.numpy as jnp
import numpy as np

B, IN_SIZE, N = 8, 64, 2048
OUT_SIZE = 128
N_CENTROIDS = 512
C = IN_SIZE + 3


def setup_inputs(seed: int = 0):
    key = jax.random.key(seed)
    ks = jax.random.split(key, 14)
    s = 0.05
    inp = {}
    inp['x'] = jax.random.normal(ks[0], (B, IN_SIZE, N), dtype=jnp.float32)
    inp['xt'] = jax.random.normal(ks[1], (B, 3, N), dtype=jnp.float32)
    inp['Wq'] = jax.random.normal(ks[2], (OUT_SIZE, C), dtype=jnp.float32) * s
    inp['Wk'] = jax.random.normal(ks[3], (OUT_SIZE, C), dtype=jnp.float32) * s
    inp['Wv'] = jax.random.normal(ks[4], (OUT_SIZE, C), dtype=jnp.float32) * s
    inp['Wout'] = jax.random.normal(ks[5], (OUT_SIZE, OUT_SIZE), dtype=jnp.float32) * s
    inp['w1'] = jax.random.normal(ks[6], (OUT_SIZE, OUT_SIZE), dtype=jnp.float32) * s
    inp['b1'] = jax.random.normal(ks[7], (OUT_SIZE,), dtype=jnp.float32) * s
    inp['bn_w'] = jnp.ones((OUT_SIZE,), dtype=jnp.float32)
    inp['bn_b'] = jnp.zeros((OUT_SIZE,), dtype=jnp.float32)
    inp['w2'] = jax.random.normal(ks[8], (OUT_SIZE, OUT_SIZE), dtype=jnp.float32) * s
    inp['b2'] = jax.random.normal(ks[9], (OUT_SIZE,), dtype=jnp.float32) * s
    return inp


def _fps(xcat, n_centroids):
    b, c, n = xcat.shape
    key = jax.random.key(42)
    farthest = jax.random.randint(key, (b,), 0, n)
    distance = jnp.full((b, n), 1e10, dtype=jnp.float32)
    centroids = jnp.zeros((b, n_centroids), dtype=jnp.int32)

    def body(i, state):
        cent, dist_acc, far = state
        cent = cent.at[:, i].set(far.astype(jnp.int32))
        sel = jnp.take_along_axis(xcat, far[:, None, None], axis=2)  # [B, C, 1]
        d = jnp.sum((xcat - sel) ** 2, axis=1)  # [B, N]
        dist_acc = jnp.minimum(dist_acc, d)
        far = jnp.argmax(dist_acc, axis=-1)
        return (cent, dist_acc, far)

    centroids, _, _ = jax.lax.fori_loop(0, n_centroids, body, (centroids, distance, farthest))
    return centroids


def _forward(x, xt, Wq, Wk, Wv, Wout, w1, b1, bn_w, bn_b, w2, b2, cidx):
    xcat = jnp.concatenate([x, xt], axis=1)  # [B, C, N]
    b, c, n = xcat.shape
    m = cidx.shape[1]
    idx = jnp.broadcast_to(cidx[:, None, :], (b, c, m))
    cent = jnp.take_along_axis(xcat, idx, axis=2)  # [B, C, M]
    # Attention1d (num_heads=1)
    q = jnp.einsum('oc,bcm->bom', Wq, cent)
    k = jnp.einsum('oc,bcn->bon', Wk, xcat)
    v = jnp.einsum('oc,bcn->bon', Wv, xcat)
    logits = jnp.einsum('bom,bon->bmn', q, k) / (OUT_SIZE ** 0.5)
    probs = jax.nn.softmax(logits, axis=-1)
    att = jnp.einsum('bmn,bon->bom', probs, v)  # [B, OUT, M]
    att = jnp.einsum('po,bom->bpm', Wout, att)
    # MLP: conv1 -> BN (train-mode batch stats) -> LeakyReLU(0.2) -> conv2
    h = jnp.einsum('oc,bcm->bom', w1, att) + b1[None, :, None]
    mean = jnp.mean(h, axis=(0, 2))
    var = jnp.var(h, axis=(0, 2))
    h = (h - mean[None, :, None]) / jnp.sqrt(var[None, :, None] + 1e-5)
    h = h * bn_w[None, :, None] + bn_b[None, :, None]
    h = jnp.where(h >= 0, h, 0.2 * h)
    out = jnp.einsum('oc,bcm->bom', w2, h) + b2[None, :, None]
    return out


def reference(x, xt, Wq, Wk, Wv, Wout, w1, b1, bn_w, bn_b, w2, b2):
    xcat = jnp.concatenate([x, xt], axis=1)
    cidx = _fps(xcat, N_CENTROIDS)
    out = _forward(x, xt, Wq, Wk, Wv, Wout, w1, b1, bn_w, bn_b, w2, b2, cidx)
    return (out, cidx)

if __name__ == "__main__":
    import jax
    _d = setup_inputs()
    print(jax.jit(kernel)(*tuple(_d.values())))

</pallas_src>

<mosaic_0001>
#map = affine_map<(d0, d1) -> (0, 0)>
#map1 = affine_map<(d0, d1) -> (0)>
module attributes {stable_mosaic.version = 14 : i64} {
  func.func @gather_kernel(%arg0: i32, %arg1: i32, %arg2: memref<16384x128xf32, #tpu.memory_space<hbm>>, %arg3: memref<4096xi32, #tpu.memory_space<hbm>>, %arg4: memref<4096x128xf32, #tpu.memory_space<hbm>>, %arg5: memref<128xi32, #tpu.memory_space<vmem>>, %arg6: memref<128x128xf32, #tpu.memory_space<vmem>>, %arg7: memref<!tpu.dma_semaphore, #tpu.memory_space<semaphore_mem>>) attributes {dimension_semantics = [#tpu.dimension_semantics<core_parallel>, #tpu.dimension_semantics<subcore_parallel>], iteration_bounds = array<i64: 2, 16>, scalar_prefetch = 0 : i64, scratch_operands = 3 : i64, tpu.core_type = #tpu.core_type<sc_vector_subcore>, window_params = [{transform_indices = #map}, {transform_indices = #map1}, {transform_indices = #map}]} {
    %mul3A = arith.constant 2 : i32
    %mul3A_0 = arith.muli %arg1, %mul3A : i32
    %add3A = arith.addi %mul3A_0, %arg0 : i32
    %mul3A_1 = arith.constant 128 : i32
    %mul3A_2 = arith.muli %add3A, %mul3A_1 : i32
    "tpu.region"() ({
      %run_scoped3A = tpu.sem_alloc : memref<!tpu.dma_semaphore, #tpu.memory_space<semaphore_mem>>
      %dma_start3A_7 = tpu.memref_slice %arg3[%mul3A_2] : memref<4096xi32, #tpu.memory_space<hbm>> -> memref<128xi32, #tpu.memory_space<hbm>>
      %dma_start3A_8 = tpu.memref_slice %arg3[%mul3A_2] : memref<4096xi32, #tpu.memory_space<hbm>> -> memref<128xi32, #tpu.memory_space<hbm>>
      tpu.enqueue_dma source(%dma_start3A_8 : memref<128xi32, #tpu.memory_space<hbm>>) target(%arg5 : memref<128xi32, #tpu.memory_space<vmem>>) target_semaphore(%run_scoped3A : memref<!tpu.dma_semaphore, #tpu.memory_space<semaphore_mem>>)
      %dma_wait3A_9 = tpu.memref_slice %arg3[%mul3A_2] : memref<4096xi32, #tpu.memory_space<hbm>> -> memref<128xi32, #tpu.memory_space<hbm>>
      %dma_wait3A_10 = tpu.memref_slice %arg3[%mul3A_2] : memref<4096xi32, #tpu.memory_space<hbm>> -> memref<128xi32, #tpu.memory_space<hbm>>
      tpu.wait_dma2 semaphore(%run_scoped3A : memref<!tpu.dma_semaphore, #tpu.memory_space<semaphore_mem>>) src(%dma_wait3A_10 : memref<128xi32, #tpu.memory_space<hbm>>) dst(%arg5 : memref<128xi32, #tpu.memory_space<vmem>>)
      tpu.yield
    }) : () -> ()
    %dma_start3A = arith.constant 0 : i32
    %dma_start3A_3 = arith.constant 0 : i32
    %dma_start3A_4 = tpu.memref_slice %arg2[%dma_start3A, %dma_start3A_3] : memref<16384x128xf32, #tpu.memory_space<hbm>> -> memref<16384x128xf32, #tpu.memory_space<hbm>>
    tpu.enqueue_indirect_dma source(%dma_start3A_4 : memref<16384x128xf32, #tpu.memory_space<hbm>>) target(%arg6 : memref<128x128xf32, #tpu.memory_space<vmem>>) offsets(%arg5 : memref<128xi32, #tpu.memory_space<vmem>>) semaphore(%arg7 : memref<!tpu.dma_semaphore, #tpu.memory_space<semaphore_mem>>)
    %dma_wait3A = arith.constant 0 : i32
    %dma_wait3A_5 = arith.constant 0 : i32
    %dma_wait3A_6 = tpu.memref_slice %arg2[%dma_wait3A, %dma_wait3A_5] : memref<16384x128xf32, #tpu.memory_space<hbm>> -> memref<16384x128xf32, #tpu.memory_space<hbm>>
    tpu.wait_indirect_dma semaphore(%arg7 : memref<!tpu.dma_semaphore, #tpu.memory_space<semaphore_mem>>) src(%dma_wait3A_6 : memref<16384x128xf32, #tpu.memory_space<hbm>>) dst(%arg6 : memref<128x128xf32, #tpu.memory_space<vmem>>)
    "tpu.region"() ({
      %run_scoped3A = tpu.sem_alloc : memref<!tpu.dma_semaphore, #tpu.memory_space<semaphore_mem>>
      %dma_start3A_7 = arith.constant 0 : i32
      %dma_start3A_8 = tpu.memref_slice %arg4[%mul3A_2, %dma_start3A_7] : memref<4096x128xf32, #tpu.memory_space<hbm>> -> memref<128x128xf32, #tpu.memory_space<hbm>>
      %dma_start3A_9 = arith.constant 0 : i32
      %dma_start3A_10 = tpu.memref_slice %arg4[%mul3A_2, %dma_start3A_9] : memref<4096x128xf32, #tpu.memory_space<hbm>> -> memref<128x128xf32, #tpu.memory_space<hbm>>
      tpu.enqueue_dma source(%arg6 : memref<128x128xf32, #tpu.memory_space<vmem>>) target(%dma_start3A_10 : memref<128x128xf32, #tpu.memory_space<hbm>>) target_semaphore(%run_scoped3A : memref<!tpu.dma_semaphore, #tpu.memory_space<semaphore_mem>>)
      %dma_wait3A_11 = arith.constant 0 : i32
      %dma_wait3A_12 = tpu.memref_slice %arg4[%mul3A_2, %dma_wait3A_11] : memref<4096x128xf32, #tpu.memory_space<hbm>> -> memref<128x128xf32, #tpu.memory_space<hbm>>
      %dma_wait3A_13 = arith.constant 0 : i32
      %dma_wait3A_14 = tpu.memref_slice %arg4[%mul3A_2, %dma_wait3A_13] : memref<4096x128xf32, #tpu.memory_space<hbm>> -> memref<128x128xf32, #tpu.memory_space<hbm>>
      tpu.wait_dma2 semaphore(%run_scoped3A : memref<!tpu.dma_semaphore, #tpu.memory_space<semaphore_mem>>) src(%arg6 : memref<128x128xf32, #tpu.memory_space<vmem>>) dst(%dma_wait3A_14 : memref<128x128xf32, #tpu.memory_space<hbm>>)
      tpu.yield
    }) : () -> ()
    return
  }
}

module attributes {stable_mosaic.version = 14 : i64} {
  func.func @_fps_body(%arg0: memref<8x72x2048xf32, #tpu.memory_space<vmem>>, %arg1: memref<8x1xi32, #tpu.memory_space<vmem>>, %arg2: memref<8x512xi32, #tpu.memory_space<vmem>>) attributes {dimension_semantics = [], scalar_prefetch = 0 : i64, scratch_operands = 0 : i64, tpu.core_type = #tpu.core_type<tc>} {
    %iota3A = tpu.iota {dimensions = array<i32: 1>} : vector<8x2048xi32>
    %iota3A_0 = tpu.iota {dimensions = array<i32: 1>} : vector<1x2048xi32>
    %iota3A_1 = tpu.iota {dimensions = array<i32: 1>} : vector<8x512xi32>
    %get3A = arith.constant 0 : index
    %get3A_2 = arith.constant 0 : index
    %get3A_3 = vector.load %arg1[%get3A, %get3A_2] : memref<8x1xi32, #tpu.memory_space<vmem>>, vector<8x1xi32>
    %broadcast_in_dim3A = arith.constant 1.000000e+10 : f32
    %broadcast_in_dim3A_4 = vector.broadcast %broadcast_in_dim3A : f32 to vector<8x2048xf32>
    %broadcast_in_dim3A_5 = arith.constant 0 : i32
    %broadcast_in_dim3A_6 = vector.broadcast %broadcast_in_dim3A_5 : i32 to vector<8x512xi32>
    %scan3A = arith.constant 0 : i32
    %scan3A_7 = arith.constant 512 : i32
    %scan3A_8 = arith.addi %scan3A, %scan3A_7 : i32
    %scan3A_9 = arith.constant 1 : i32
    %scan3A_10:3 = scf.for %scan3A_14 = %scan3A to %scan3A_8 step %scan3A_9 iter_args(%scan3A_15 = %broadcast_in_dim3A_4, %scan3A_16 = %get3A_3, %scan3A_17 = %broadcast_in_dim3A_6) -> (vector<8x2048xf32>, vector<8x1xi32>, vector<8x512xi32>)  : i32 {
      %eq3A = vector.broadcast %scan3A_14 : i32 to vector<8x512xi32>
      %eq3A_18 = arith.cmpi eq, %iota3A_1, %eq3A : vector<8x512xi32>
      %broadcast_in_dim3A_19 = vector.shape_cast %scan3A_16 : vector<8x1xi32> to vector<8x1xi32>
      %broadcast_in_dim3A_20 = vector.broadcast %broadcast_in_dim3A_19 : vector<8x1xi32> to vector<8x512xi32>
      %select_n3A = arith.select %eq3A_18, %broadcast_in_dim3A_20, %scan3A_17 : vector<8x512xi1>, vector<8x512xi32>
      %slice3A = vector.extract_strided_slice %scan3A_16 {offsets = [0, 0], sizes = [1, 1], strides = [1, 1]} : vector<8x1xi32> to vector<1x1xi32>
      %eq3A_21 = vector.broadcast %slice3A : vector<1x1xi32> to vector<1x2048xi32>
      %eq3A_22 = arith.cmpi eq, %iota3A_0, %eq3A_21 : vector<1x2048xi32>
      %convert_element_type3A = arith.extui %eq3A_22 : vector<1x2048xi1> to vector<1x2048xi32>
      %convert_element_type3A_23 = arith.sitofp %convert_element_type3A : vector<1x2048xi32> to vector<1x2048xf32>
      %broadcast_in_dim3A_24 = arith.constant 0.000000e+00 : f32
      %broadcast_in_dim3A_25 = vector.broadcast %broadcast_in_dim3A_24 : f32 to vector<8x2048xf32>
      %get3A_26 = arith.constant 0 : index
      %get3A_27 = arith.constant 0 : index
      %get3A_28 = arith.constant 0 : index
      %get3A_29 = vector.load %arg0[%get3A_26, %get3A_27, %get3A_28] : memref<8x72x2048xf32, #tpu.memory_space<vmem>>, vector<1x8x2048xf32>
      %get3A_30 = vector.shape_cast %get3A_29 : vector<1x8x2048xf32> to vector<8x2048xf32>
      %mul3A = vector.broadcast %convert_element_type3A_23 : vector<1x2048xf32> to vector<8x2048xf32>
      %mul3A_31 = arith.mulf %get3A_30, %mul3A : vector<8x2048xf32>
      %reduce_sum3A = arith.constant dense<0.000000e+00> : vector<8xf32>
      %reduce_sum3A_32 = vector.multi_reduction <add>, %mul3A_31, %reduce_sum3A [1] : vector<8x2048xf32> to vector<8xf32>
      %broadcast_in_dim3A_33 = vector.shape_cast %reduce_sum3A_32 : vector<8xf32> to vector<8x1xf32>
      %sub3A = vector.broadcast %broadcast_in_dim3A_33 : vector<8x1xf32> to vector<8x2048xf32>
      %sub3A_34 = arith.subf %get3A_30, %sub3A : vector<8x2048xf32>
      %mul3A_35 = arith.mulf %sub3A_34, %sub3A_34 : vector<8x2048xf32>
      %add3A = arith.addf %broadcast_in_dim3A_25, %mul3A_35 : vector<8x2048xf32>
      %get3A_36 = arith.constant 0 : index
      %get3A_37 = arith.constant 8 : index
      %get3A_38 = arith.constant 0 : index
      %get3A_39 = vector.load %arg0[%get3A_36, %get3A_37, %get3A_38] : memref<8x72x2048xf32, #tpu.memory_space<vmem>>, vector<1x8x2048xf32>
      %get3A_40 = vector.shape_cast %get3A_39 : vector<1x8x2048xf32> to vector<8x2048xf32>
      %mul3A_41 = vector.broadcast %convert_element_type3A_23 : vector<1x2048xf32> to vector<8x2048xf32>
      %mul3A_42 = arith.mulf %get3A_40, %mul3A_41 : vector<8x2048xf32>
      %reduce_sum3A_43 = arith.constant dense<0.000000e+00> : vector<8xf32>
      %reduce_sum3A_44 = vector.multi_reduction <add>, %mul3A_42, %reduce_sum3A_43 [1] : vector<8x2048xf32> to vector<8xf32>
      %broadcast_in_dim3A_45 = vector.shape_cast %reduce_sum3A_44 : vector<8xf32> to vector<8x1xf32>
      %sub3A_46 = vector.broadcast %broadcast_in_dim3A_45 : vector<8x1xf32> to vector<8x2048xf32>
      %sub3A_47 = arith.subf %get3A_40, %sub3A_46 : vector<8x2048xf32>
      %mul3A_48 = arith.mulf %sub3A_47, %sub3A_47 : vector<8x2048xf32>
      %add3A_49 = arith.addf %add3A, %mul3A_48 : vector<8x2048xf32>
      %get3A_50 = arith.constant 0 : index
      %get3A_51 = arith.constant 16 : index
      %get3A_52 = arith.constant 0 : index
      %get3A_53 = vector.load %arg0[%get3A_50, %get3A_51, %get3A_52] : memref<8x72x2048xf32, #tpu.memory_space<vmem>>, vector<1x8x2048xf32>
      %get3A_54 = vector.shape_cast %get3A_53 : vector<1x8x2048xf32> to vector<8x2048xf32>
      %mul3A_55 = vector.broadcast %convert_element_type3A_23 : vector<1x2048xf32> to vector<8x2048xf32>
      %mul3A_56 = arith.mulf %get3A_54, %mul3A_55 : vector<8x2048xf32>
      %reduce_sum3A_57 = arith.constant dense<0.000000e+00> : vector<8xf32>
      %reduce_sum3A_58 = vector.multi_reduction <add>, %mul3A_56, %reduce_sum3A_57 [1] : vector<8x2048xf32> to vector<8xf32>
      %broadcast_in_dim3A_59 = vector.shape_cast %reduce_sum3A_58 : vector<8xf32> to vector<8x1xf32>
      %sub3A_60 = vector.broadcast %broadcast_in_dim3A_59 : vector<8x1xf32> to vector<8x2048xf32>
      %sub3A_61 = arith.subf %get3A_54, %sub3A_60 : vector<8x2048xf32>
      %mul3A_62 = arith.mulf %sub3A_61, %sub3A_61 : vector<8x2048xf32>
      %add3A_63 = arith.addf %add3A_49, %mul3A_62 : vector<8x2048xf32>
      %get3A_64 = arith.constant 0 : index
      %get3A_65 = arith.constant 24 : index
      %get3A_66 = arith.constant 0 : index
      %get3A_67 = vector.load %arg0[%get3A_64, %get3A_65, %get3A_66] : memref<8x72x2048xf32, #tpu.memory_space<vmem>>, vector<1x8x2048xf32>
      %get3A_68 = vector.shape_cast %get3A_67 : vector<1x8x2048xf32> to vector<8x2048xf32>
      %mul3A_69 = vector.broadcast %convert_element_type3A_23 : vector<1x2048xf32> to vector<8x2048xf32>
      %mul3A_70 = arith.mulf %get3A_68, %mul3A_69 : vector<8x2048xf32>
      %reduce_sum3A_71 = arith.constant dense<0.000000e+00> : vector<8xf32>
      %reduce_sum3A_72 = vector.multi_reduction <add>, %mul3A_70, %reduce_sum3A_71 [1] : vector<8x2048xf32> to vector<8xf32>
      %broadcast_in_dim3A_73 = vector.shape_cast %reduce_sum3A_72 : vector<8xf32> to vector<8x1xf32>
      %sub3A_74 = vector.broadcast %broadcast_in_dim3A_73 : vector<8x1xf32> to vector<8x2048xf32>
      %sub3A_75 = arith.subf %get3A_68, %sub3A_74 : vector<8x2048xf32>
      %mul3A_76 = arith.mulf %sub3A_75, %sub3A_75 : vector<8x2048xf32>
      %add3A_77 = arith.addf %add3A_63, %mul3A_76 : vector<8x2048xf32>
      %get3A_78 = arith.constant 0 : index
      %get3A_79 = arith.constant 32 : index
      %get3A_80 = arith.constant 0 : index
      %get3A_81 = vector.load %arg0[%get3A_78, %get3A_79, %get3A_80] : memref<8x72x2048xf32, #tpu.memory_space<vmem>>, vector<1x8x2048xf32>
      %get3A_82 = vector.shape_cast %get3A_81 : vector<1x8x2048xf32> to vector<8x2048xf32>
      %mul3A_83 = vector.broadcast %convert_element_type3A_23 : vector<1x2048xf32> to vector<8x2048xf32>
      %mul3A_84 = arith.mulf %get3A_82, %mul3A_83 : vector<8x2048xf32>
      %reduce_sum3A_85 = arith.constant dense<0.000000e+00> : vector<8xf32>
      %reduce_sum3A_86 = vector.multi_reduction <add>, %mul3A_84, %reduce_sum3A_85 [1] : vector<8x2048xf32> to vector<8xf32>
      %broadcast_in_dim3A_87 = vector.shape_cast %reduce_sum3A_86 : vector<8xf32> to vector<8x1xf32>
      %sub3A_88 = vector.broadcast %broadcast_in_dim3A_87 : vector<8x1xf32> to vector<8x2048xf32>
      %sub3A_89 = arith.subf %get3A_82, %sub3A_88 : vector<8x2048xf32>
      %mul3A_90 = arith.mulf %sub3A_89, %sub3A_89 : vector<8x2048xf32>
      %add3A_91 = arith.addf %add3A_77, %mul3A_90 : vector<8x2048xf32>
      %get3A_92 = arith.constant 0 : index
      %get3A_93 = arith.constant 40 : index
      %get3A_94 = arith.constant 0 : index
      %get3A_95 = vector.load %arg0[%get3A_92, %get3A_93, %get3A_94] : memref<8x72x2048xf32, #tpu.memory_space<vmem>>, vector<1x8x2048xf32>
      %get3A_96 = vector.shape_cast %get3A_95 : vector<1x8x2048xf32> to vector<8x2048xf32>
      %mul3A_97 = vector.broadcast %convert_element_type3A_23 : vector<1x2048xf32> to vector<8x2048xf32>
      %mul3A_98 = arith.mulf %get3A_96, %mul3A_97 : vector<8x2048xf32>
      %reduce_sum3A_99 = arith.constant dense<0.000000e+00> : vector<8xf32>
      %reduce_sum3A_100 = vector.multi_reduction <add>, %mul3A_98, %reduce_sum3A_99 [1] : vector<8x2048xf32> to vector<8xf32>
      %broadcast_in_dim3A_101 = vector.shape_cast %reduce_sum3A_100 : vector<8xf32> to vector<8x1xf32>
      %sub3A_102 = vector.broadcast %broadcast_in_dim3A_101 : vector<8x1xf32> to vector<8x2048xf32>
      %sub3A_103 = arith.subf %get3A_96, %sub3A_102 : vector<8x2048xf32>
      %mul3A_104 = arith.mulf %sub3A_103, %sub3A_103 : vector<8x2048xf32>
      %add3A_105 = arith.addf %add3A_91, %mul3A_104 : vector<8x2048xf32>
      %get3A_106 = arith.constant 0 : index
      %get3A_107 = arith.constant 48 : index
      %get3A_108 = arith.constant 0 : index
      %get3A_109 = vector.load %arg0[%get3A_106, %get3A_107, %get3A_108] : memref<8x72x2048xf32, #tpu.memory_space<vmem>>, vector<1x8x2048xf32>
      %get3A_110 = vector.shape_cast %get3A_109 : vector<1x8x2048xf32> to vector<8x2048xf32>
      %mul3A_111 = vector.broadcast %convert_element_type3A_23 : vector<1x2048xf32> to vector<8x2048xf32>
      %mul3A_112 = arith.mulf %get3A_110, %mul3A_111 : vector<8x2048xf32>
      %reduce_sum3A_113 = arith.constant dense<0.000000e+00> : vector<8xf32>
      %reduce_sum3A_114 = vector.multi_reduction <add>, %mul3A_112, %reduce_sum3A_113 [1] : vector<8x2048xf32> to vector<8xf32>
      %broadcast_in_dim3A_115 = vector.shape_cast %reduce_sum3A_114 : vector<8xf32> to vector<8x1xf32>
      %sub3A_116 = vector.broadcast %broadcast_in_dim3A_115 : vector<8x1xf32> to vector<8x2048xf32>
      %sub3A_117 = arith.subf %get3A_110, %sub3A_116 : vector<8x2048xf32>
      %mul3A_118 = arith.mulf %sub3A_117, %sub3A_117 : vector<8x2048xf32>
      %add3A_119 = arith.addf %add3A_105, %mul3A_118 : vector<8x2048xf32>
      %get3A_120 = arith.constant 0 : index
      %get3A_121 = arith.constant 56 : index
      %get3A_122 = arith.constant 0 : index
      %get3A_123 = vector.load %arg0[%get3A_120, %get3A_121, %get3A_122] : memref<8x72x2048xf32, #tpu.memory_space<vmem>>, vector<1x8x2048xf32>
      %get3A_124 = vector.shape_cast %get3A_123 : vector<1x8x2048xf32> to vector<8x2048xf32>
      %mul3A_125 = vector.broadcast %convert_element_type3A_23 : vector<1x2048xf32> to vector<8x2048xf32>
      %mul3A_126 = arith.mulf %get3A_124, %mul3A_125 : vector<8x2048xf32>
      %reduce_sum3A_127 = arith.constant dense<0.000000e+00> : vector<8xf32>
      %reduce_sum3A_128 = vector.multi_reduction <add>, %mul3A_126, %reduce_sum3A_127 [1] : vector<8x2048xf32> to vector<8xf32>
      %broadcast_in_dim3A_129 = vector.shape_cast %reduce_sum3A_128 : vector<8xf32> to vector<8x1xf32>
      %sub3A_130 = vector.broadcast %broadcast_in_dim3A_129 : vector<8x1xf32> to vector<8x2048xf32>
      %sub3A_131 = arith.subf %get3A_124, %sub3A_130 : vector<8x2048xf32>
      %mul3A_132 = arith.mulf %sub3A_131, %sub3A_131 : vector<8x2048xf32>
      %add3A_133 = arith.addf %add3A_119, %mul3A_132 : vector<8x2048xf32>
      %get3A_134 = arith.constant 0 : index
      %get3A_135 = arith.constant 64 : index
      %get3A_136 = arith.constant 0 : index
      %get3A_137 = vector.load %arg0[%get3A_134, %get3A_135, %get3A_136] : memref<8x72x2048xf32, #tpu.memory_space<vmem>>, vector<1x8x2048xf32>
      %get3A_138 = vector.shape_cast %get3A_137 : vector<1x8x2048xf32> to vector<8x2048xf32>
      %mul3A_139 = vector.broadcast %convert_element_type3A_23 : vector<1x2048xf32> to vector<8x2048xf32>
      %mul3A_140 = arith.mulf %get3A_138, %mul3A_139 : vector<8x2048xf32>
      %reduce_sum3A_141 = arith.constant dense<0.000000e+00> : vector<8xf32>
      %reduce_sum3A_142 = vector.multi_reduction <add>, %mul3A_140, %reduce_sum3A_141 [1] : vector<8x2048xf32> to vector<8xf32>
      %broadcast_in_dim3A_143 = vector.shape_cast %reduce_sum3A_142 : vector<8xf32> to vector<8x1xf32>
      %sub3A_144 = vector.broadcast %broadcast_in_dim3A_143 : vector<8x1xf32> to vector<8x2048xf32>
      %sub3A_145 = arith.subf %get3A_138, %sub3A_144 : vector<8x2048xf32>
      %mul3A_146 = arith.mulf %sub3A_145, %sub3A_145 : vector<8x2048xf32>
      %add3A_147 = arith.addf %add3A_133, %mul3A_146 : vector<8x2048xf32>
      %reduce_sum3A_148 = arith.constant dense<0.000000e+00> : vector<2048xf32>
      %reduce_sum3A_149 = vector.multi_reduction <add>, %add3A_147, %reduce_sum3A_148 [0] : vector<8x2048xf32> to vector<2048xf32>
      %broadcast_in_dim3A_150 = vector.shape_cast %reduce_sum3A_149 : vector<2048xf32> to vector<1x2048xf32>
      %slice3A_151 = vector.extract_strided_slice %scan3A_16 {offsets = [1, 0], sizes = [1, 1], strides = [1, 1]} : vector<8x1xi32> to vector<1x1xi32>
      %eq3A_152 = vector.broadcast %slice3A_151 : vector<1x1xi32> to vector<1x2048xi32>
      %eq3A_153 = arith.cmpi eq, %iota3A_0, %eq3A_152 : vector<1x2048xi32>
      %convert_element_type3A_154 = arith.extui %eq3A_153 : vector<1x2048xi1> to vector<1x2048xi32>
      %convert_element_type3A_155 = arith.sitofp %convert_element_type3A_154 : vector<1x2048xi32> to vector<1x2048xf32>
      %broadcast_in_dim3A_156 = arith.constant 0.000000e+00 : f32
      %broadcast_in_dim3A_157 = vector.broadcast %broadcast_in_dim3A_156 : f32 to vector<8x2048xf32>
      %get3A_158 = arith.constant 1 : index
      %get3A_159 = arith.constant 0 : index
      %get3A_160 = arith.constant 0 : index
      %get3A_161 = vector.load %arg0[%get3A_158, %get3A_159, %get3A_160] : memref<8x72x2048xf32, #tpu.memory_space<vmem>>, vector<1x8x2048xf32>
      %get3A_162 = vector.shape_cast %get3A_161 : vector<1x8x2048xf32> to vector<8x2048xf32>
      %mul3A_163 = vector.broadcast %convert_element_type3A_155 : vector<1x2048xf32> to vector<8x2048xf32>
      %mul3A_164 = arith.mulf %get3A_162, %mul3A_163 : vector<8x2048xf32>
      %reduce_sum3A_165 = arith.constant dense<0.000000e+00> : vector<8xf32>
      %reduce_sum3A_166 = vector.multi_reduction <add>, %mul3A_164, %reduce_sum3A_165 [1] : vector<8x2048xf32> to vector<8xf32>
      %broadcast_in_dim3A_167 = vector.shape_cast %reduce_sum3A_166 : vector<8xf32> to vector<8x1xf32>
      %sub3A_168 = vector.broadcast %broadcast_in_dim3A_167 : vector<8x1xf32> to vector<8x2048xf32>
      %sub3A_169 = arith.subf %get3A_162, %sub3A_168 : vector<8x2048xf32>
      %mul3A_170 = arith.mulf %sub3A_169, %sub3A_169 : vector<8x2048xf32>
      %add3A_171 = arith.addf %broadcast_in_dim3A_157, %mul3A_170 : vector<8x2048xf32>
      %get3A_172 = arith.constant 1 : index
      %get3A_173 = arith.constant 8 : index
      %get3A_174 = arith.constant 0 : index
      %get3A_175 = vector.load %arg0[%get3A_172, %get3A_173, %get3A_174] : memref<8x72x2048xf32, #tpu.memory_space<vmem>>, vector<1x8x2048xf32>
      %get3A_176 = vector.shape_cast %get3A_175 : vector<1x8x2048xf32> to vector<8x2048xf32>
      %mul3A_177 = vector.broadcast %convert_element_type3A_155 : vector<1x2048xf32> to vector<8x2048xf32>
      %mul3A_178 = arith.mulf %get3A_176, %mul3A_177 : vector<8x2048xf32>
      %reduce_sum3A_179 = arith.constant dense<0.000000e+00> : vector<8xf32>
      %reduce_sum3A_180 = vector.multi_reduction <add>, %mul3A_178, %reduce_sum3A_179 [1] : vector<8x2048xf32> to vector<8xf32>
      %broadcast_in_dim3A_181 = vector.shape_cast %reduce_sum3A_180 : vector<8xf32> to vector<8x1xf32>
      %sub3A_182 = vector.broadcast %broadcast_in_dim3A_181 : vector<8x1xf32> to vector<8x2048xf32>
      %sub3A_183 = arith.subf %get3A_176, %sub3A_182 : vector<8x2048xf32>
      %mul3A_184 = arith.mulf %sub3A_183, %sub3A_183 : vector<8x2048xf32>
      %add3A_185 = arith.addf %add3A_171, %mul3A_184 : vector<8x2048xf32>
      %get3A_186 = arith.constant 1 : index
      %get3A_187 = arith.constant 16 : index
      %get3A_188 = arith.constant 0 : index
      %get3A_189 = vector.load %arg0[%get3A_186, %get3A_187, %get3A_188] : memref<8x72x2048xf32, #tpu.memory_space<vmem>>, vector<1x8x2048xf32>
      %get3A_190 = vector.shape_cast %get3A_189 : vector<1x8x2048xf32> to vector<8x2048xf32>
      %mul3A_191 = vector.broadcast %convert_element_type3A_155 : vector<1x2048xf32> to vector<8x2048xf32>
      %mul3A_192 = arith.mulf %get3A_190, %mul3A_191 : vector<8x2048xf32>
      %reduce_sum3A_193 = arith.constant dense<0.000000e+00> : vector<8xf32>
      %reduce_sum3A_194 = vector.multi_reduction <add>, %mul3A_192, %reduce_sum3A_193 [1] : vector<8x2048xf32> to vector<8xf32>
      %broadcast_in_dim3A_195 = vector.shape_cast %reduce_sum3A_194 : vector<8xf32> to vector<8x1xf32>
      %sub3A_196 = vector.broadcast %broadcast_in_dim3A_195 : vector<8x1xf32> to vector<8x2048xf32>
      %sub3A_197 = arith.subf %get3A_190, %sub3A_196 : vector<8x2048xf32>
      %mul3A_198 = arith.mulf %sub3A_197, %sub3A_197 : vector<8x2048xf32>
      %add3A_199 = arith.addf %add3A_185, %mul3A_198 : vector<8x2048xf32>
      %get3A_200 = arith.constant 1 : index
      %get3A_201 = arith.constant 24 : index
      %get3A_202 = arith.constant 0 : index
      %get3A_203 = vector.load %arg0[%get3A_200, %get3A_201, %get3A_202] : memref<8x72x2048xf32, #tpu.memory_space<vmem>>, vector<1x8x2048xf32>
      %get3A_204 = vector.shape_cast %get3A_203 : vector<1x8x2048xf32> to vector<8x2048xf32>
      %mul3A_205 = vector.broadcast %convert_element_type3A_155 : vector<1x2048xf32> to vector<8x2048xf32>
      %mul3A_206 = arith.mulf %get3A_204, %mul3A_205 : vector<8x2048xf32>
      %reduce_sum3A_207 = arith.constant dense<0.000000e+00> : vector<8xf32>
      %reduce_sum3A_208 = vector.multi_reduction <add>, %mul3A_206, %reduce_sum3A_207 [1] : vector<8x2048xf32> to vector<8xf32>
      %broadcast_in_dim3A_209 = vector.shape_cast %reduce_sum3A_208 : vector<8xf32> to vector<8x1xf32>
      %sub3A_210 = vector.broadcast %broadcast_in_dim3A_209 : vector<8x1xf32> to vector<8x2048xf32>
      %sub3A_211 = arith.subf %get3A_204, %sub3A_210 : vector<8x2048xf32>
      %mul3A_212 = arith.mulf %sub3A_211, %sub3A_211 : vector<8x2048xf32>
      %add3A_213 = arith.addf %add3A_199, %mul3A_212 : vector<8x2048xf32>
      %get3A_214 = arith.constant 1 : index
      %get3A_215 = arith.constant 32 : index
      %get3A_216 = arith.constant 0 : index
      %get3A_217 = vector.load %arg0[%get3A_214, %get3A_215, %get3A_216] : memref<8x72x2048xf32, #tpu.memory_space<vmem>>, vector<1x8x2048xf32>
      %get3A_218 = vector.shape_cast %get3A_217 : vector<1x8x2048xf32> to vector<8x2048xf32>
      %mul3A_219 = vector.broadcast %convert_element_type3A_155 : vector<1x2048xf32> to vector<8x2048xf32>
      %mul3A_220 = arith.mulf %get3A_218, %mul3A_219 : vector<8x2048xf32>
      %reduce_sum3A_221 = arith.constant dense<0.000000e+00> : vector<8xf32>
      %reduce_sum3A_222 = vector.multi_reduction <add>, %mul3A_220, %reduce_sum3A_221 [1] : vector<8x2048xf32> to vector<8xf32>
      %broadcast_in_dim3A_223 = vector.shape_cast %reduce_sum3A_222 : vector<8xf32> to vector<8x1xf32>
      %sub3A_224 = vector.broadcast %broadcast_in_dim3A_223 : vector<8x1xf32> to vector<8x2048xf32>
      %sub3A_225 = arith.subf %get3A_218, %sub3A_224 : vector<8x2048xf32>
      %mul3A_226 = arith.mulf %sub3A_225, %sub3A_225 : vector<8x2048xf32>
      %add3A_227 = arith.addf %add3A_213, %mul3A_226 : vector<8x2048xf32>
      %get3A_228 = arith.constant 1 : index
      %get3A_229 = arith.constant 40 : index
      %get3A_230 = arith.constant 0 : index
      %get3A_231 = vector.load %arg0[%get3A_228, %get3A_229, %get3A_230] : memref<8x72x2048xf32, #tpu.memory_space<vmem>>, vector<1x8x2048xf32>
      %get3A_232 = vector.shape_cast %get3A_231 : vector<1x8x2048xf32> to vector<8x2048xf32>
      %mul3A_233 = vector.broadcast %convert_element_type3A_155 : vector<1x2048xf32> to vector<8x2048xf32>
      %mul3A_234 = arith.mulf %get3A_232, %mul3A_233 : vector<8x2048xf32>
      %reduce_sum3A_235 = arith.constant dense<0.000000e+00> : vector<8xf32>
      %reduce_sum3A_236 = vector.multi_reduction <add>, %mul3A_234, %reduce_sum3A_235 [1] : vector<8x2048xf32> to vector<8xf32>
      %broadcast_in_dim3A_237 = vector.shape_cast %reduce_sum3A_236 : vector<8xf32> to vector<8x1xf32>
      %sub3A_238 = vector.broadcast %broadcast_in_dim3A_237 : vector<8x1xf32> to vector<8x2048xf32>
      %sub3A_239 = arith.subf %get3A_232, %sub3A_238 : vector<8x2048xf32>
      %mul3A_240 = arith.mulf %sub3A_239, %sub3A_239 : vector<8x2048xf32>
      %add3A_241 = arith.addf %add3A_227, %mul3A_240 : vector<8x2048xf32>
      %get3A_242 = arith.constant 1 : index
      %get3A_243 = arith.constant 48 : index
      %get3A_244 = arith.constant 0 : index
      %get3A_245 = vector.load %arg0[%get3A_242, %get3A_243, %get3A_244] : memref<8x72x2048xf32, #tpu.memory_space<vmem>>, vector<1x8x2048xf32>
      %get3A_246 = vector.shape_cast %get3A_245 : vector<1x8x2048xf32> to vector<8x2048xf32>
      %mul3A_247 = vector.broadcast %convert_element_type3A_155 : vector<1x2048xf32> to vector<8x2048xf32>
      %mul3A_248 = arith.mulf %get3A_246, %mul3A_247 : vector<8x2048xf32>
      %reduce_sum3A_249 = arith.constant dense<0.000000e+00> : vector<8xf32>
      %reduce_sum3A_250 = vector.multi_reduction <add>, %mul3A_248, %reduce_sum3A_249 [1] : vector<8x2048xf32> to vector<8xf32>
      %broadcast_in_dim3A_251 = vector.shape_cast %reduce_sum3A_250 : vector<8xf32> to vector<8x1xf32>
      %sub3A_252 = vector.broadcast %broadcast_in_dim3A_251 : vector<8x1xf32> to vector<8x2048xf32>
      %sub3A_253 = arith.subf %get3A_246, %sub3A_252 : vector<8x2048xf32>
      %mul3A_254 = arith.mulf %sub3A_253, %sub3A_253 : vector<8x2048xf32>
      %add3A_255 = arith.addf %add3A_241, %mul3A_254 : vector<8x2048xf32>
      %get3A_256 = arith.constant 1 : index
      %get3A_257 = arith.constant 56 : index
      %get3A_258 = arith.constant 0 : index
      %get3A_259 = vector.load %arg0[%get3A_256, %get3A_257, %get3A_258] : memref<8x72x2048xf32, #tpu.memory_space<vmem>>, vector<1x8x2048xf32>
      %get3A_260 = vector.shape_cast %get3A_259 : vector<1x8x2048xf32> to vector<8x2048xf32>
      %mul3A_261 = vector.broadcast %convert_element_type3A_155 : vector<1x2048xf32> to vector<8x2048xf32>
      %mul3A_262 = arith.mulf %get3A_260, %mul3A_261 : vector<8x2048xf32>
      %reduce_sum3A_263 = arith.constant dense<0.000000e+00> : vector<8xf32>
      %reduce_sum3A_264 = vector.multi_reduction <add>, %mul3A_262, %reduce_sum3A_263 [1] : vector<8x2048xf32> to vector<8xf32>
      %broadcast_in_dim3A_265 = vector.shape_cast %reduce_sum3A_264 : vector<8xf32> to vector<8x1xf32>
      %sub3A_266 = vector.broadcast %broadcast_in_dim3A_265 : vector<8x1xf32> to vector<8x2048xf32>
      %sub3A_267 = arith.subf %get3A_260, %sub3A_266 : vector<8x2048xf32>
      %mul3A_268 = arith.mulf %sub3A_267, %sub3A_267 : vector<8x2048xf32>
      %add3A_269 = arith.addf %add3A_255, %mul3A_268 : vector<8x2048xf32>
      %get3A_270 = arith.constant 1 : index
      %get3A_271 = arith.constant 64 : index
      %get3A_272 = arith.constant 0 : index
      %get3A_273 = vector.load %arg0[%get3A_270, %get3A_271, %get3A_272] : memref<8x72x2048xf32, #tpu.memory_space<vmem>>, vector<1x8x2048xf32>
      %get3A_274 = vector.shape_cast %get3A_273 : vector<1x8x2048xf32> to vector<8x2048xf32>
      %mul3A_275 = vector.broadcast %convert_element_type3A_155 : vector<1x2048xf32> to vector<8x2048xf32>
      %mul3A_276 = arith.mulf %get3A_274, %mul3A_275 : vector<8x2048xf32>
      %reduce_sum3A_277 = arith.constant dense<0.000000e+00> : vector<8xf32>
      %reduce_sum3A_278 = vector.multi_reduction <add>, %mul3A_276, %reduce_sum3A_277 [1] : vector<8x2048xf32> to vector<8xf32>
      %broadcast_in_dim3A_279 = vector.shape_cast %reduce_sum3A_278 : vector<8xf32> to vector<8x1xf32>
      %sub3A_280 = vector.broadcast %broadcast_in_dim3A_279 : vector<8x1xf32> to vector<8x2048xf32>
      %sub3A_281 = arith.subf %get3A_274, %sub3A_280 : vector<8x2048xf32>
      %mul3A_282 = arith.mulf %sub3A_281, %sub3A_281 : vector<8x2048xf32>
      %add3A_283 = arith.addf %add3A_269, %mul3A_282 : vector<8x2048xf32>
      %reduce_sum3A_284 = arith.constant dense<0.000000e+00> : vector<2048xf32>
      %reduce_sum3A_285 = vector.multi_reduction <add>, %add3A_283, %reduce_sum3A_284 [0] : vector<8x2048xf32> to vector<2048xf32>
      %broadcast_in_dim3A_286 = vector.shape_cast %reduce_sum3A_285 : vector<2048xf32> to vector<1x2048xf32>
      %slice3A_287 = vector.extract_strided_slice %scan3A_16 {offsets = [2, 0], sizes = [1, 1], strides = [1, 1]} : vector<8x1xi32> to vector<1x1xi32>
      %eq3A_288 = vector.broadcast %slice3A_287 : vector<1x1xi32> to vector<1x2048xi32>
      %eq3A_289 = arith.cmpi eq, %iota3A_0, %eq3A_288 : vector<1x2048xi32>
      %convert_element_type3A_290 = arith.extui %eq3A_289 : vector<1x2048xi1> to vector<1x2048xi32>
      %convert_element_type3A_291 = arith.sitofp %convert_element_type3A_290 : vector<1x2048xi32> to vector<1x2048xf32>
      %broadcast_in_dim3A_292 = arith.constant 0.000000e+00 : f32
      %broadcast_in_dim3A_293 = vector.broadcast %broadcast_in_dim3A_292 : f32 to vector<8x2048xf32>
      %get3A_294 = arith.constant 2 : index
      %get3A_295 = arith.constant 0 : index
      %get3A_296 = arith.constant 0 : index
      %get3A_297 = vector.load %arg0[%get3A_294, %get3A_295, %get3A_296] : memref<8x72x2048xf32, #tpu.memory_space<vmem>>, vector<1x8x2048xf32>
      %get3A_298 = vector.shape_cast %get3A_297 : vector<1x8x2048xf32> to vector<8x2048xf32>
      %mul3A_299 = vector.broadcast %convert_element_type3A_291 : vector<1x2048xf32> to vector<8x2048xf32>
      %mul3A_300 = arith.mulf %get3A_298, %mul3A_299 : vector<8x2048xf32>
      %reduce_sum3A_301 = arith.constant dense<0.000000e+00> : vector<8xf32>
      %reduce_sum3A_302 = vector.multi_reduction <add>, %mul3A_300, %reduce_sum3A_301 [1] : vector<8x2048xf32> to vector<8xf32>
      %broadcast_in_dim3A_303 = vector.shape_cast %reduce_sum3A_302 : vector<8xf32> to vector<8x1xf32>
      %sub3A_304 = vector.broadcast %broadcast_in_dim3A_303 : vector<8x1xf32> to vector<8x2048xf32>
      %sub3A_305 = arith.subf %get3A_298, %sub3A_304 : vector<8x2048xf32>
      %mul3A_306 = arith.mulf %sub3A_305, %sub3A_305 : vector<8x2048xf32>
      %add3A_307 = arith.addf %broadcast_in_dim3A_293, %mul3A_306 : vector<8x2048xf32>
      %get3A_308 = arith.constant 2 : index
      %get3A_309 = arith.constant 8 : index
      %get3A_310 = arith.constant 0 : index
      %get3A_311 = vector.load %arg0[%get3A_308, %get3A_309, %get3A_310] : memref<8x72x2048xf32, #tpu.memory_space<vmem>>, vector<1x8x2048xf32>
      %get3A_312 = vector.shape_cast %get3A_311 : vector<1x8x2048xf32> to vector<8x2048xf32>
      %mul3A_313 = vector.broadcast %convert_element_type3A_291 : vector<1x2048xf32> to vector<8x2048xf32>
      %mul3A_314 = arith.mulf %get3A_312, %mul3A_313 : vector<8x2048xf32>
      %reduce_sum3A_315 = arith.constant dense<0.000000e+00> : vector<8xf32>
      %reduce_sum3A_316 = vector.multi_reduction <add>, %mul3A_314, %reduce_sum3A_315 [1] : vector<8x2048xf32> to vector<8xf32>
      %broadcast_in_dim3A_317 = vector.shape_cast %reduce_sum3A_316 : vector<8xf32> to vector<8x1xf32>
      %sub3A_318 = vector.broadcast %broadcast_in_dim3A_317 : vector<8x1xf32> to vector<8x2048xf32>
      %sub3A_319 = arith.subf %get3A_312, %sub3A_318 : vector<8x2048xf32>
      %mul3A_320 = arith.mulf %sub3A_319, %sub3A_319 : vector<8x2048xf32>
      %add3A_321 = arith.addf %add3A_307, %mul3A_320 : vector<8x2048xf32>
      %get3A_322 = arith.constant 2 : index
      %get3A_323 = arith.constant 16 : index
      %get3A_324 = arith.constant 0 : index
      %get3A_325 = vector.load %arg0[%get3A_322, %get3A_323, %get3A_324] : memref<8x72x2048xf32, #tpu.memory_space<vmem>>, vector<1x8x2048xf32>
      %get3A_326 = vector.shape_cast %get3A_325 : vector<1x8x2048xf32> to vector<8x2048xf32>
      %mul3A_327 = vector.broadcast %convert_element_type3A_291 : vector<1x2048xf32> to vector<8x2048xf32>
      %mul3A_328 = arith.mulf %get3A_326, %mul3A_327 : vector<8x2048xf32>
      %reduce_sum3A_329 = arith.constant dense<0.000000e+00> : vector<8xf32>
      %reduce_sum3A_330 = vector.multi_reduction <add>, %mul3A_328, %reduce_sum3A_329 [1] : vector<8x2048xf32> to vector<8xf32>
      %broadcast_in_dim3A_331 = vector.shape_cast %reduce_sum3A_330 : vector<8xf32> to vector<8x1xf32>
      %sub3A_332 = vector.broadcast %broadcast_in_dim3A_331 : vector<8x1xf32> to vector<8x2048xf32>
      %sub3A_333 = arith.subf %get3A_326, %sub3A_332 : vector<8x2048xf32>
      %mul3A_334 = arith.mulf %sub3A_333, %sub3A_333 : vector<8x2048xf32>
      %add3A_335 = arith.addf %add3A_321, %mul3A_334 : vector<8x2048xf32>
      %get3A_336 = arith.constant 2 : index
      %get3A_337 = arith.constant 24 : index
      %get3A_338 = arith.constant 0 : index
      %get3A_339 = vector.load %arg0[%get3A_336, %get3A_337, %get3A_338] : memref<8x72x2048xf32, #tpu.memory_space<vmem>>, vector<1x8x2048xf32>
      %get3A_340 = vector.shape_cast %get3A_339 : vector<1x8x2048xf32> to vector<8x2048xf32>
      %mul3A_341 = vector.broadcast %convert_element_type3A_291 : vector<1x2048xf32> to vector<8x2048xf32>
      %mul3A_342 = arith.mulf %get3A_340, %mul3A_341 : vector<8x2048xf32>
      %reduce_sum3A_343 = arith.constant dense<0.000000e+00> : vector<8xf32>
      %reduce_sum3A_344 = vector.multi_reduction <add>, %mul3A_342, %reduce_sum3A_343 [1] : vector<8x2048xf32> to vector<8xf32>
      %broadcast_in_dim3A_345 = vector.shape_cast %reduce_sum3A_344 : vector<8xf32> to vector<8x1xf32>
      %sub3A_346 = vector.broadcast %broadcast_in_dim3A_345 : vector<8x1xf32> to vector<8x2048xf32>
      %sub3A_347 = arith.subf %get3A_340, %sub3A_346 : vector<8x2048xf32>
      %mul3A_348 = arith.mulf %sub3A_347, %sub3A_347 : vector<8x2048xf32>
      %add3A_349 = arith.addf %add3A_335, %mul3A_348 : vector<8x2048xf32>
      %get3A_350 = arith.constant 2 : index
      %get3A_351 = arith.constant 32 : index
      %get3A_352 = arith.constant 0 : index
      %get3A_353 = vector.load %arg0[%get3A_350, %get3A_351, %get3A_352] : memref<8x72x2048xf32, #tpu.memory_space<vmem>>, vector<1x8x2048xf32>
      %get3A_354 = vector.shape_cast %get3A_353 : vector<1x8x2048xf32> to vector<8x2048xf32>
      %mul3A_355 = vector.broadcast %convert_element_type3A_291 : vector<1x2048xf32> to vector<8x2048xf32>
      %mul3A_356 = arith.mulf %get3A_354, %mul3A_355 : vector<8x2048xf32>
      %reduce_sum3A_357 = arith.constant dense<0.000000e+00> : vector<8xf32>
      %reduce_sum3A_358 = vector.multi_reduction <add>, %mul3A_356, %reduce_sum3A_357 [1] : vector<8x2048xf32> to vector<8xf32>
      %broadcast_in_dim3A_359 = vector.shape_cast %reduce_sum3A_358 : vector<8xf32> to vector<8x1xf32>
      %sub3A_360 = vector.broadcast %broadcast_in_dim3A_359 : vector<8x1xf32> to vector<8x2048xf32>
      %sub3A_361 = arith.subf %get3A_354, %sub3A_360 : vector<8x2048xf32>
      %mul3A_362 = arith.mulf %sub3A_361, %sub3A_361 : vector<8x2048xf32>
      %add3A_363 = arith.addf %add3A_349, %mul3A_362 : vector<8x2048xf32>
      %get3A_364 = arith.constant 2 : index
      %get3A_365 = arith.constant 40 : index
      %get3A_366 = arith.constant 0 : index
      %get3A_367 = vector.load %arg0[%get3A_364, %get3A_365, %get3A_366] : memref<8x72x2048xf32, #tpu.memory_space<vmem>>, vector<1x8x2048xf32>
      %get3A_368 = vector.shape_cast %get3A_367 : vector<1x8x2048xf32> to vector<8x2048xf32>
      %mul3A_369 = vector.broadcast %convert_element_type3A_291 : vector<1x2048xf32> to vector<8x2048xf32>
      %mul3A_370 = arith.mulf %get3A_368, %mul3A_369 : vector<8x2048xf32>
      %reduce_sum3A_371 = arith.constant dense<0.000000e+00> : vector<8xf32>
      %reduce_sum3A_372 = vector.multi_reduction <add>, %mul3A_370, %reduce_sum3A_371 [1] : vector<8x2048xf32> to vector<8xf32>
      %broadcast_in_dim3A_373 = vector.shape_cast %reduce_sum3A_372 : vector<8xf32> to vector<8x1xf32>
      %sub3A_374 = vector.broadcast %broadcast_in_dim3A_373 : vector<8x1xf32> to vector<8x2048xf32>
      %sub3A_375 = arith.subf %get3A_368, %sub3A_374 : vector<8x2048xf32>
      %mul3A_376 = arith.mulf %sub3A_375, %sub3A_375 : vector<8x2048xf32>
      %add3A_377 = arith.addf %add3A_363, %mul3A_376 : vector<8x2048xf32>
      %get3A_378 = arith.constant 2 : index
      %get3A_379 = arith.constant 48 : index
      %get3A_380 = arith.constant 0 : index
      %get3A_381 = vector.load %arg0[%get3A_378, %get3A_379, %get3A_380] : memref<8x72x2048xf32, #tpu.memory_space<vmem>>, vector<1x8x2048xf32>
      %get3A_382 = vector.shape_cast %get3A_381 : vector<1x8x2048xf32> to vector<8x2048xf32>
      %mul3A_383 = vector.broadcast %convert_element_type3A_291 : vector<1x2048xf32> to vector<8x2048xf32>
      %mul3A_384 = arith.mulf %get3A_382, %mul3A_383 : vector<8x2048xf32>
      %reduce_sum3A_385 = arith.constant dense<0.000000e+00> : vector<8xf32>
      %reduce_sum3A_386 = vector.multi_reduction <add>, %mul3A_384, %reduce_sum3A_385 [1] : vector<8x2048xf32> to vector<8xf32>
      %broadcast_in_dim3A_387 = vector.shape_cast %reduce_sum3A_386 : vector<8xf32> to vector<8x1xf32>
      %sub3A_388 = vector.broadcast %broadcast_in_dim3A_387 : vector<8x1xf32> to vector<8x2048xf32>
      %sub3A_389 = arith.subf %get3A_382, %sub3A_388 : vector<8x2048xf32>
      %mul3A_390 = arith.mulf %sub3A_389, %sub3A_389 : vector<8x2048xf32>
      %add3A_391 = arith.addf %add3A_377, %mul3A_390 : vector<8x2048xf32>
      %get3A_392 = arith.constant 2 : index
      %get3A_393 = arith.constant 56 : index
      %get3A_394 = arith.constant 0 : index
      %get3A_395 = vector.load %arg0[%get3A_392, %get3A_393, %get3A_394] : memref<8x72x2048xf32, #tpu.memory_space<vmem>>, vector<1x8x2048xf32>
      %get3A_396 = vector.shape_cast %get3A_395 : vector<1x8x2048xf32> to vector<8x2048xf32>
      %mul3A_397 = vector.broadcast %convert_element_type3A_291 : vector<1x2048xf32> to vector<8x2048xf32>
      %mul3A_398 = arith.mulf %get3A_396, %mul3A_397 : vector<8x2048xf32>
      %reduce_sum3A_399 = arith.constant dense<0.000000e+00> : vector<8xf32>
      %reduce_sum3A_400 = vector.multi_reduction <add>, %mul3A_398, %reduce_sum3A_399 [1] : vector<8x2048xf32> to vector<8xf32>
      %broadcast_in_dim3A_401 = vector.shape_cast %reduce_sum3A_400 : vector<8xf32> to vector<8x1xf32>
      %sub3A_402 = vector.broadcast %broadcast_in_dim3A_401 : vector<8x1xf32> to vector<8x2048xf32>
      %sub3A_403 = arith.subf %get3A_396, %sub3A_402 : vector<8x2048xf32>
      %mul3A_404 = arith.mulf %sub3A_403, %sub3A_403 : vector<8x2048xf32>
      %add3A_405 = arith.addf %add3A_391, %mul3A_404 : vector<8x2048xf32>
      %get3A_406 = arith.constant 2 : index
      %get3A_407 = arith.constant 64 : index
      %get3A_408 = arith.constant 0 : index
      %get3A_409 = vector.load %arg0[%get3A_406, %get3A_407, %get3A_408] : memref<8x72x2048xf32, #tpu.memory_space<vmem>>, vector<1x8x2048xf32>
      %get3A_410 = vector.shape_cast %get3A_409 : vector<1x8x2048xf32> to vector<8x2048xf32>
      %mul3A_411 = vector.broadcast %convert_element_type3A_291 : vector<1x2048xf32> to vector<8x2048xf32>
      %mul3A_412 = arith.mulf %get3A_410, %mul3A_411 : vector<8x2048xf32>
      %reduce_sum3A_413 = arith.constant dense<0.000000e+00> : vector<8xf32>
      %reduce_sum3A_414 = vector.multi_reduction <add>, %mul3A_412, %reduce_sum3A_413 [1] : vector<8x2048xf32> to vector<8xf32>
      %broadcast_in_dim3A_415 = vector.shape_cast %reduce_sum3A_414 : vector<8xf32> to vector<8x1xf32>
      %sub3A_416 = vector.broadcast %broadcast_in_dim3A_415 : vector<8x1xf32> to vector<8x2048xf32>
      %sub3A_417 = arith.subf %get3A_410, %sub3A_416 : vector<8x2048xf32>
      %mul3A_418 = arith.mulf %sub3A_417, %sub3A_417 : vector<8x2048xf32>
      %add3A_419 = arith.addf %add3A_405, %mul3A_418 : vector<8x2048xf32>
      %reduce_sum3A_420 = arith.constant dense<0.000000e+00> : vector<2048xf32>
      %reduce_sum3A_421 = vector.multi_reduction <add>, %add3A_419, %reduce_sum3A_420 [0] : vector<8x2048xf32> to vector<2048xf32>
      %broadcast_in_dim3A_422 = vector.shape_cast %reduce_sum3A_421 : vector<2048xf32> to vector<1x2048xf32>
      %slice3A_423 = vector.extract_strided_slice %scan3A_16 {offsets = [3, 0], sizes = [1, 1], strides = [1, 1]} : vector<8x1xi32> to vector<1x1xi32>
      %eq3A_424 = vector.broadcast %slice3A_423 : vector<1x1xi32> to vector<1x2048xi32>
      %eq3A_425 = arith.cmpi eq, %iota3A_0, %eq3A_424 : vector<1x2048xi32>
      %convert_element_type3A_426 = arith.extui %eq3A_425 : vector<1x2048xi1> to vector<1x2048xi32>
      %convert_element_type3A_427 = arith.sitofp %convert_element_type3A_426 : vector<1x2048xi32> to vector<1x2048xf32>
      %broadcast_in_dim3A_428 = arith.constant 0.000000e+00 : f32
      %broadcast_in_dim3A_429 = vector.broadcast %broadcast_in_dim3A_428 : f32 to vector<8x2048xf32>
      %get3A_430 = arith.constant 3 : index
      %get3A_431 = arith.constant 0 : index
      %get3A_432 = arith.constant 0 : index
      %get3A_433 = vector.load %arg0[%get3A_430, %get3A_431, %get3A_432] : memref<8x72x2048xf32, #tpu.memory_space<vmem>>, vector<1x8x2048xf32>
      %get3A_434 = vector.shape_cast %get3A_433 : vector<1x8x2048xf32> to vector<8x2048xf32>
      %mul3A_435 = vector.broadcast %convert_element_type3A_427 : vector<1x2048xf32> to vector<8x2048xf32>
      %mul3A_436 = arith.mulf %get3A_434, %mul3A_435 : vector<8x2048xf32>
      %reduce_sum3A_437 = arith.constant dense<0.000000e+00> : vector<8xf32>
      %reduce_sum3A_438 = vector.multi_reduction <add>, %mul3A_436, %reduce_sum3A_437 [1] : vector<8x2048xf32> to vector<8xf32>
      %broadcast_in_dim3A_439 = vector.shape_cast %reduce_sum3A_438 : vector<8xf32> to vector<8x1xf32>
      %sub3A_440 = vector.broadcast %broadcast_in_dim3A_439 : vector<8x1xf32> to vector<8x2048xf32>
      %sub3A_441 = arith.subf %get3A_434, %sub3A_440 : vector<8x2048xf32>
      %mul3A_442 = arith.mulf %sub3A_441, %sub3A_441 : vector<8x2048xf32>
      %add3A_443 = arith.addf %broadcast_in_dim3A_429, %mul3A_442 : vector<8x2048xf32>
      %get3A_444 = arith.constant 3 : index
      %get3A_445 = arith.constant 8 : index
      %get3A_446 = arith.constant 0 : index
      %get3A_447 = vector.load %arg0[%get3A_444, %get3A_445, %get3A_446] : memref<8x72x2048xf32, #tpu.memory_space<vmem>>, vector<1x8x2048xf32>
      %get3A_448 = vector.shape_cast %get3A_447 : vector<1x8x2048xf32> to vector<8x2048xf32>
      %mul3A_449 = vector.broadcast %convert_element_type3A_427 : vector<1x2048xf32> to vector<8x2048xf32>
      %mul3A_450 = arith.mulf %get3A_448, %mul3A_449 : vector<8x2048xf32>
      %reduce_sum3A_451 = arith.constant dense<0.000000e+00> : vector<8xf32>
      %reduce_sum3A_452 = vector.multi_reduction <add>, %mul3A_450, %reduce_sum3A_451 [1] : vector<8x2048xf32> to vector<8xf32>
      %broadcast_in_dim3A_453 = vector.shape_cast %reduce_sum3A_452 : vector<8xf32> to vector<8x1xf32>
      %sub3A_454 = vector.broadcast %broadcast_in_dim3A_453 : vector<8x1xf32> to vector<8x2048xf32>
      %sub3A_455 = arith.subf %get3A_448, %sub3A_454 : vector<8x2048xf32>
      %mul3A_456 = arith.mulf %sub3A_455, %sub3A_455 : vector<8x2048xf32>
      %add3A_457 = arith.addf %add3A_443, %mul3A_456 : vector<8x2048xf32>
      %get3A_458 = arith.constant 3 : index
      %get3A_459 = arith.constant 16 : index
      %get3A_460 = arith.constant 0 : index
      %get3A_461 = vector.load %arg0[%get3A_458, %get3A_459, %get3A_460] : memref<8x72x2048xf32, #tpu.memory_space<vmem>>, vector<1x8x2048xf32>
      %get3A_462 = vector.shape_cast %get3A_461 : vector<1x8x2048xf32> to vector<8x2048xf32>
      %mul3A_463 = vector.broadcast %convert_element_type3A_427 : vector<1x2048xf32> to vector<8x2048xf32>
      %mul3A_464 = arith.mulf %get3A_462, %mul3A_463 : vector<8x2048xf32>
      %reduce_sum3A_465 = arith.constant dense<0.000000e+00> : vector<8xf32>
      %reduce_sum3A_466 = vector.multi_reduction <add>, %mul3A_464, %reduce_sum3A_465 [1] : vector<8x2048xf32> to vector<8xf32>
      %broadcast_in_dim3A_467 = vector.shape_cast %reduce_sum3A_466 : vector<8xf32> to vector<8x1xf32>
      %sub3A_468 = vector.broadcast %broadcast_in_dim3A_467 : vector<8x1xf32> to vector<8x2048xf32>
      %sub3A_469 = arith.subf %get3A_462, %sub3A_468 : vector<8x2048xf32>
      %mul3A_470 = arith.mulf %sub3A_469, %sub3A_469 : vector<8x2048xf32>
      %add3A_471 = arith.addf %add3A_457, %mul3A_470 : vector<8x2048xf32>
      %get3A_472 = arith.constant 3 : index
      %get3A_473 = arith.constant 24 : index
      %get3A_474 = arith.constant 0 : index
      %get3A_475 = vector.load %arg0[%get3A_472, %get3A_473, %get3A_474] : memref<8x72x2048xf32, #tpu.memory_space<vmem>>, vector<1x8x2048xf32>
      %get3A_476 = vector.shape_cast %get3A_475 : vector<1x8x2048xf32> to vector<8x2048xf32>
      %mul3A_477 = vector.broadcast %convert_element_type3A_427 : vector<1x2048xf32> to vector<8x2048xf32>
      %mul3A_478 = arith.mulf %get3A_476, %mul3A_477 : vector<8x2048xf32>
      %reduce_sum3A_479 = arith.constant dense<0.000000e+00> : vector<8xf32>
      %reduce_sum3A_480 = vector.multi_reduction <add>, %mul3A_478, %reduce_sum3A_479 [1] : vector<8x2048xf32> to vector<8xf32>
      %broadcast_in_dim3A_481 = vector.shape_cast %reduce_sum3A_480 : vector<8xf32> to vector<8x1xf32>
      %sub3A_482 = vector.broadcast %broadcast_in_dim3A_481 : vector<8x1xf32> to vector<8x2048xf32>
      %sub3A_483 = arith.subf %get3A_476, %sub3A_482 : vector<8x2048xf32>
      %mul3A_484 = arith.mulf %sub3A_483, %sub3A_483 : vector<8x2048xf32>
      %add3A_485 = arith.addf %add3A_471, %mul3A_484 : vector<8x2048xf32>
      %get3A_486 = arith.constant 3 : index
      %get3A_487 = arith.constant 32 : index
      %get3A_488 = arith.constant 0 : index
      %get3A_489 = vector.load %arg0[%get3A_486, %get3A_487, %get3A_488] : memref<8x72x2048xf32, #tpu.memory_space<vmem>>, vector<1x8x2048xf32>
      %get3A_490 = vector.shape_cast %get3A_489 : vector<1x8x2048xf32> to vector<8x2048xf32>
      %mul3A_491 = vector.broadcast %convert_element_type3A_427 : vector<1x2048xf32> to vector<8x2048xf32>
      %mul3A_492 = arith.mulf %get3A_490, %mul3A_491 : vector<8x2048xf32>
      %reduce_sum3A_493 = arith.constant dense<0.000000e+00> : vector<8xf32>
      %reduce_sum3A_494 = vector.multi_reduction <add>, %mul3A_492, %reduce_sum3A_493 [1] : vector<8x2048xf32> to vector<8xf32>
      %broadcast_in_dim3A_495 = vector.shape_cast %reduce_sum3A_494 : vector<8xf32> to vector<8x1xf32>
      %sub3A_496 = vector.broadcast %broadcast_in_dim3A_495 : vector<8x1xf32> to vector<8x2048xf32>
      %sub3A_497 = arith.subf %get3A_490, %sub3A_496 : vector<8x2048xf32>
      %mul3A_498 = arith.mulf %sub3A_497, %sub3A_497 : vector<8x2048xf32>
      %add3A_499 = arith.addf %add3A_485, %mul3A_498 : vector<8x2048xf32>
      %get3A_500 = arith.constant 3 : index
      %get3A_501 = arith.constant 40 : index
      %get3A_502 = arith.constant 0 : index
      %get3A_503 = vector.load %arg0[%get3A_500, %get3A_501, %get3A_502] : memref<8x72x2048xf32, #tpu.memory_space<vmem>>, vector<1x8x2048xf32>
      %get3A_504 = vector.shape_cast %get3A_503 : vector<1x8x2048xf32> to vector<8x2048xf32>
      %mul3A_505 = vector.broadcast %convert_element_type3A_427 : vector<1x2048xf32> to vector<8x2048xf32>
      %mul3A_506 = arith.mulf %get3A_504, %mul3A_505 : vector<8x2048xf32>
      %reduce_sum3A_507 = arith.constant dense<0.000000e+00> : vector<8xf32>
      %reduce_sum3A_508 = vector.multi_reduction <add>, %mul3A_506, %reduce_sum3A_507 [1] : vector<8x2048xf32> to vector<8xf32>
      %broadcast_in_dim3A_509 = vector.shape_cast %reduce_sum3A_508 : vector<8xf32> to vector<8x1xf32>
      %sub3A_510 = vector.broadcast %broadcast_in_dim3A_509 : vector<8x1xf32> to vector<8x2048xf32>
      %sub3A_511 = arith.subf %get3A_504, %sub3A_510 : vector<8x2048xf32>
      %mul3A_512 = arith.mulf %sub3A_511, %sub3A_511 : vector<8x2048xf32>
      %add3A_513 = arith.addf %add3A_499, %mul3A_512 : vector<8x2048xf32>
      %get3A_514 = arith.constant 3 : index
      %get3A_515 = arith.constant 48 : index
      %get3A_516 = arith.constant 0 : index
      %get3A_517 = vector.load %arg0[%get3A_514, %get3A_515, %get3A_516] : memref<8x72x2048xf32, #tpu.memory_space<vmem>>, vector<1x8x2048xf32>
      %get3A_518 = vector.shape_cast %get3A_517 : vector<1x8x2048xf32> to vector<8x2048xf32>
      %mul3A_519 = vector.broadcast %convert_element_type3A_427 : vector<1x2048xf32> to vector<8x2048xf32>
      %mul3A_520 = arith.mulf %get3A_518, %mul3A_519 : vector<8x2048xf32>
      %reduce_sum3A_521 = arith.constant dense<0.000000e+00> : vector<8xf32>
      %reduce_sum3A_522 = vector.multi_reduction <add>, %mul3A_520, %reduce_sum3A_521 [1] : vector<8x2048xf32> to vector<8xf32>
      %broadcast_in_dim3A_523 = vector.shape_cast %reduce_sum3A_522 : vector<8xf32> to vector<8x1xf32>
      %sub3A_524 = vector.broadcast %broadcast_in_dim3A_523 : vector<8x1xf32> to vector<8x2048xf32>
      %sub3A_525 = arith.subf %get3A_518, %sub3A_524 : vector<8x2048xf32>
      %mul3A_526 = arith.mulf %sub3A_525, %sub3A_525 : vector<8x2048xf32>
      %add3A_527 = arith.addf %add3A_513, %mul3A_526 : vector<8x2048xf32>
      %get3A_528 = arith.constant 3 : index
      %get3A_529 = arith.constant 56 : index
      %get3A_530 = arith.constant 0 : index
      %get3A_531 = vector.load %arg0[%get3A_528, %get3A_529, %get3A_530] : memref<8x72x2048xf32, #tpu.memory_space<vmem>>, vector<1x8x2048xf32>
      %get3A_532 = vector.shape_cast %get3A_531 : vector<1x8x2048xf32> to vector<8x2048xf32>
      %mul3A_533 = vector.broadcast %convert_element_type3A_427 : vector<1x2048xf32> to vector<8x2048xf32>
      %mul3A_534 = arith.mulf %get3A_532, %mul3A_533 : vector<8x2048xf32>
      %reduce_sum3A_535 = arith.constant dense<0.000000e+00> : vector<8xf32>
      %reduce_sum3A_536 = vector.multi_reduction <add>, %mul3A_534, %reduce_sum3A_535 [1] : vector<8x2048xf32> to vector<8xf32>
      %broadcast_in_dim3A_537 = vector.shape_cast %reduce_sum3A_536 : vector<8xf32> to vector<8x1xf32>
      %sub3A_538 = vector.broadcast %broadcast_in_dim3A_537 : vector<8x1xf32> to vector<8x2048xf32>
      %sub3A_539 = arith.subf %get3A_532, %sub3A_538 : vector<8x2048xf32>
      %mul3A_540 = arith.mulf %sub3A_539, %sub3A_539 : vector<8x2048xf32>
      %add3A_541 = arith.addf %add3A_527, %mul3A_540 : vector<8x2048xf32>
      %get3A_542 = arith.constant 3 : index
      %get3A_543 = arith.constant 64 : index
      %get3A_544 = arith.constant 0 : index
      %get3A_545 = vector.load %arg0[%get3A_542, %get3A_543, %get3A_544] : memref<8x72x2048xf32, #tpu.memory_space<vmem>>, vector<1x8x2048xf32>
      %get3A_546 = vector.shape_cast %get3A_545 : vector<1x8x2048xf32> to vector<8x2048xf32>
      %mul3A_547 = vector.broadcast %convert_element_type3A_427 : vector<1x2048xf32> to vector<8x2048xf32>
      %mul3A_548 = arith.mulf %get3A_546, %mul3A_547 : vector<8x2048xf32>
      %reduce_sum3A_549 = arith.constant dense<0.000000e+00> : vector<8xf32>
      %reduce_sum3A_550 = vector.multi_reduction <add>, %mul3A_548, %reduce_sum3A_549 [1] : vector<8x2048xf32> to vector<8xf32>
      %broadcast_in_dim3A_551 = vector.shape_cast %reduce_sum3A_550 : vector<8xf32> to vector<8x1xf32>
      %sub3A_552 = vector.broadcast %broadcast_in_dim3A_551 : vector<8x1xf32> to vector<8x2048xf32>
      %sub3A_553 = arith.subf %get3A_546, %sub3A_552 : vector<8x2048xf32>
      %mul3A_554 = arith.mulf %sub3A_553, %sub3A_553 : vector<8x2048xf32>
      %add3A_555 = arith.addf %add3A_541, %mul3A_554 : vector<8x2048xf32>
      %reduce_sum3A_556 = arith.constant dense<0.000000e+00> : vector<2048xf32>
      %reduce_sum3A_557 = vector.multi_reduction <add>, %add3A_555, %reduce_sum3A_556 [0] : vector<8x2048xf32> to vector<2048xf32>
      %broadcast_in_dim3A_558 = vector.shape_cast %reduce_sum3A_557 : vector<2048xf32> to vector<1x2048xf32>
      %slice3A_559 = vector.extract_strided_slice %scan3A_16 {offsets = [4, 0], sizes = [1, 1], strides = [1, 1]} : vector<8x1xi32> to vector<1x1xi32>
      %eq3A_560 = vector.broadcast %slice3A_559 : vector<1x1xi32> to vector<1x2048xi32>
      %eq3A_561 = arith.cmpi eq, %iota3A_0, %eq3A_560 : vector<1x2048xi32>
      %convert_element_type3A_562 = arith.extui %eq3A_561 : vector<1x2048xi1> to vector<1x2048xi32>
      %convert_element_type3A_563 = arith.sitofp %convert_element_type3A_562 : vector<1x2048xi32> to vector<1x2048xf32>
      %broadcast_in_dim3A_564 = arith.constant 0.000000e+00 : f32
      %broadcast_in_dim3A_565 = vector.broadcast %broadcast_in_dim3A_564 : f32 to vector<8x2048xf32>
      %get3A_566 = arith.constant 4 : index
      %get3A_567 = arith.constant 0 : index
      %get3A_568 = arith.constant 0 : index
      %get3A_569 = vector.load %arg0[%get3A_566, %get3A_567, %get3A_568] : memref<8x72x2048xf32, #tpu.memory_space<vmem>>, vector<1x8x2048xf32>
      %get3A_570 = vector.shape_cast %get3A_569 : vector<1x8x2048xf32> to vector<8x2048xf32>
      %mul3A_571 = vector.broadcast %convert_element_type3A_563 : vector<1x2048xf32> to vector<8x2048xf32>
      %mul3A_572 = arith.mulf %get3A_570, %mul3A_571 : vector<8x2048xf32>
      %reduce_sum3A_573 = arith.constant dense<0.000000e+00> : vector<8xf32>
      %reduce_sum3A_574 = vector.multi_reduction <add>, %mul3A_572, %reduce_sum3A_573 [1] : vector<8x2048xf32> to vector<8xf32>
      %broadcast_in_dim3A_575 = vector.shape_cast %reduce_sum3A_574 : vector<8xf32> to vector<8x1xf32>
      %sub3A_576 = vector.broadcast %broadcast_in_dim3A_575 : vector<8x1xf32> to vector<8x2048xf32>
      %sub3A_577 = arith.subf %get3A_570, %sub3A_576 : vector<8x2048xf32>
      %mul3A_578 = arith.mulf %sub3A_577, %sub3A_577 : vector<8x2048xf32>
      %add3A_579 = arith.addf %broadcast_in_dim3A_565, %mul3A_578 : vector<8x2048xf32>
      %get3A_580 = arith.constant 4 : index
      %get3A_581 = arith.constant 8 : index
      %get3A_582 = arith.constant 0 : index
      %get3A_583 = vector.load %arg0[%get3A_580, %get3A_581, %get3A_582] : memref<8x72x2048xf32, #tpu.memory_space<vmem>>, vector<1x8x2048xf32>
      %get3A_584 = vector.shape_cast %get3A_583 : vector<1x8x2048xf32> to vector<8x2048xf32>
      %mul3A_585 = vector.broadcast %convert_element_type3A_563 : vector<1x2048xf32> to vector<8x2048xf32>
      %mul3A_586 = arith.mulf %get3A_584, %mul3A_585 : vector<8x2048xf32>
      %reduce_sum3A_587 = arith.constant dense<0.000000e+00> : vector<8xf32>
      %reduce_sum3A_588 = vector.multi_reduction <add>, %mul3A_586, %reduce_sum3A_587 [1] : vector<8x2048xf32> to vector<8xf32>
      %broadcast_in_dim3A_589 = vector.shape_cast %reduce_sum3A_588 : vector<8xf32> to vector<8x1xf32>
      %sub3A_590 = vector.broadcast %broadcast_in_dim3A_589 : vector<8x1xf32> to vector<8x2048xf32>
      %sub3A_591 = arith.subf %get3A_584, %sub3A_590 : vector<8x2048xf32>
      %mul3A_592 = arith.mulf %sub3A_591, %sub3A_591 : vector<8x2048xf32>
      %add3A_593 = arith.addf %add3A_579, %mul3A_592 : vector<8x2048xf32>
      %get3A_594 = arith.constant 4 : index
      %get3A_595 = arith.constant 16 : index
      %get3A_596 = arith.constant 0 : index
      %get3A_597 = vector.load %arg0[%get3A_594, %get3A_595, %get3A_596] : memref<8x72x2048xf32, #tpu.memory_space<vmem>>, vector<1x8x2048xf32>
      %get3A_598 = vector.shape_cast %get3A_597 : vector<1x8x2048xf32> to vector<8x2048xf32>
      %mul3A_599 = vector.broadcast %convert_element_type3A_563 : vector<1x2048xf32> to vector<8x2048xf32>
      %mul3A_600 = arith.mulf %get3A_598, %mul3A_599 : vector<8x2048xf32>
      %reduce_sum3A_601 = arith.constant dense<0.000000e+00> : vector<8xf32>
      %reduce_sum3A_602 = vector.multi_reduction <add>, %mul3A_600, %reduce_sum3A_601 [1] : vector<8x2048xf32> to vector<8xf32>
      %broadcast_in_dim3A_603 = vector.shape_cast %reduce_sum3A_602 : vector<8xf32> to vector<8x1xf32>
      %sub3A_604 = vector.broadcast %broadcast_in_dim3A_603 : vector<8x1xf32> to vector<8x2048xf32>
      %sub3A_605 = arith.subf %get3A_598, %sub3A_604 : vector<8x2048xf32>
      %mul3A_606 = arith.mulf %sub3A_605, %sub3A_605 : vector<8x2048xf32>
      %add3A_607 = arith.addf %add3A_593, %mul3A_606 : vector<8x2048xf32>
      %get3A_608 = arith.constant 4 : index
      %get3A_609 = arith.constant 24 : index
      %get3A_610 = arith.constant 0 : index
      %get3A_611 = vector.load %arg0[%get3A_608, %get3A_609, %get3A_610] : memref<8x72x2048xf32, #tpu.memory_space<vmem>>, vector<1x8x2048xf32>
      %get3A_612 = vector.shape_cast %get3A_611 : vector<1x8x2048xf32> to vector<8x2048xf32>
      %mul3A_613 = vector.broadcast %convert_element_type3A_563 : vector<1x2048xf32> to vector<8x2048xf32>
      %mul3A_614 = arith.mulf %get3A_612, %mul3A_613 : vector<8x2048xf32>
      %reduce_sum3A_615 = arith.constant dense<0.000000e+00> : vector<8xf32>
      %reduce_sum3A_616 = vector.multi_reduction <add>, %mul3A_614, %reduce_sum3A_615 [1] : vector<8x2048xf32> to vector<8xf32>
      %broadcast_in_dim3A_617 = vector.shape_cast %reduce_sum3A_616 : vector<8xf32> to vector<8x1xf32>
      %sub3A_618 = vector.broadcast %broadcast_in_dim3A_617 : vector<8x1xf32> to vector<8x2048xf32>
      %sub3A_619 = arith.subf %get3A_612, %sub3A_618 : vector<8x2048xf32>
      %mul3A_620 = arith.mulf %sub3A_619, %sub3A_619 : vector<8x2048xf32>
      %add3A_621 = arith.addf %add3A_607, %mul3A_620 : vector<8x2048xf32>
      %get3A_622 = arith.constant 4 : index
      %get3A_623 = arith.constant 32 : index
      %get3A_624 = arith.constant 0 : index
      %get3A_625 = vector.load %arg0[%get3A_622, %get3A_623, %get3A_624] : memref<8x72x2048xf32, #tpu.memory_space<vmem>>, vector<1x8x2048xf32>
      %get3A_626 = vector.shape_cast %get3A_625 : vector<1x8x2048xf32> to vector<8x2048xf32>
      %mul3A_627 = vector.broadcast %convert_element_type3A_563 : vector<1x2048xf32> to vector<8x2048xf32>
      %mul3A_628 = arith.mulf %get3A_626, %mul3A_627 : vector<8x2048xf32>
      %reduce_sum3A_629 = arith.constant dense<0.000000e+00> : vector<8xf32>
      %reduce_sum3A_630 = vector.multi_reduction <add>, %mul3A_628, %reduce_sum3A_629 [1] : vector<8x2048xf32> to vector<8xf32>
      %broadcast_in_dim3A_631 = vector.shape_cast %reduce_sum3A_630 : vector<8xf32> to vector<8x1xf32>
      %sub3A_632 = vector.broadcast %broadcast_in_dim3A_631 : vector<8x1xf32> to vector<8x2048xf32>
      %sub3A_633 = arith.subf %get3A_626, %sub3A_632 : vector<8x2048xf32>
      %mul3A_634 = arith.mulf %sub3A_633, %sub3A_633 : vector<8x2048xf32>
      %add3A_635 = arith.addf %add3A_621, %mul3A_634 : vector<8x2048xf32>
      %get3A_636 = arith.constant 4 : index
      %get3A_637 = arith.constant 40 : index
      %get3A_638 = arith.constant 0 : index
      %get3A_639 = vector.load %arg0[%get3A_636, %get3A_637, %get3A_638] : memref<8x72x2048xf32, #tpu.memory_space<vmem>>, vector<1x8x2048xf32>
      %get3A_640 = vector.shape_cast %get3A_639 : vector<1x8x2048xf32> to vector<8x2048xf32>
      %mul3A_641 = vector.broadcast %convert_element_type3A_563 : vector<1x2048xf32> to vector<8x2048xf32>
      %mul3A_642 = arith.mulf %get3A_640, %mul3A_641 : vector<8x2048xf32>
      %reduce_sum3A_643 = arith.constant dense<0.000000e+00> : vector<8xf32>
      %reduce_sum3A_644 = vector.multi_reduction <add>, %mul3A_642, %reduce_sum3A_643 [1] : vector<8x2048xf32> to vector<8xf32>
      %broadcast_in_dim3A_645 = vector.shape_cast %reduce_sum3A_644 : vector<8xf32> to vector<8x1xf32>
      %sub3A_646 = vector.broadcast %broadcast_in_dim3A_645 : vector<8x1xf32> to vector<8x2048xf32>
      %sub3A_647 = arith.subf %get3A_640, %sub3A_646 : vector<8x2048xf32>
      %mul3A_648 = arith.mulf %sub3A_647, %sub3A_647 : vector<8x2048xf32>
      %add3A_649 = arith.addf %add3A_635, %mul3A_648 : vector<8x2048xf32>
      %get3A_650 = arith.constant 4 : index
      %get3A_651 = arith.constant 48 : index
      %get3A_652 = arith.constant 0 : index
      %get3A_653 = vector.load %arg0[%get3A_650, %get3A_651, %get3A_652] : memref<8x72x2048xf32, #tpu.memory_space<vmem>>, vector<1x8x2048xf32>
      %get3A_654 = vector.shape_cast %get3A_653 : vector<1x8x2048xf32> to vector<8x2048xf32>
      %mul3A_655 = vector.broadcast %convert_element_type3A_563 : vector<1x2048xf32> to vector<8x2048xf32>
      %mul3A_656 = arith.mulf %get3A_654, %mul3A_655 : vector<8x2048xf32>
      %reduce_sum3A_657 = arith.constant dense<0.000000e+00> : vector<8xf32>
      %reduce_sum3A_658 = vector.multi_reduction <add>, %mul3A_656, %reduce_sum3A_657 [1] : vector<8x2048xf32> to vector<8xf32>
      %broadcast_in_dim3A_659 = vector.shape_cast %reduce_sum3A_658 : vector<8xf32> to vector<8x1xf32>
      %sub3A_660 = vector.broadcast %broadcast_in_dim3A_659 : vector<8x1xf32> to vector<8x2048xf32>
      %sub3A_661 = arith.subf %get3A_654, %sub3A_660 : vector<8x2048xf32>
      %mul3A_662 = arith.mulf %sub3A_661, %sub3A_661 : vector<8x2048xf32>
      %add3A_663 = arith.addf %add3A_649, %mul3A_662 : vector<8x2048xf32>
      %get3A_664 = arith.constant 4 : index
      %get3A_665 = arith.constant 56 : index
      %get3A_666 = arith.constant 0 : index
      %get3A_667 = vector.load %arg0[%get3A_664, %get3A_665, %get3A_666] : memref<8x72x2048xf32, #tpu.memory_space<vmem>>, vector<1x8x2048xf32>
      %get3A_668 = vector.shape_cast %get3A_667 : vector<1x8x2048xf32> to vector<8x2048xf32>
      %mul3A_669 = vector.broadcast %convert_element_type3A_563 : vector<1x2048xf32> to vector<8x2048xf32>
      %mul3A_670 = arith.mulf %get3A_668, %mul3A_669 : vector<8x2048xf32>
      %reduce_sum3A_671 = arith.constant dense<0.000000e+00> : vector<8xf32>
      %reduce_sum3A_672 = vector.multi_reduction <add>, %mul3A_670, %reduce_sum3A_671 [1] : vector<8x2048xf32> to vector<8xf32>
      %broadcast_in_dim3A_673 = vector.shape_cast %reduce_sum3A_672 : vector<8xf32> to vector<8x1xf32>
      %sub3A_674 = vector.broadcast %broadcast_in_dim3A_673 : vector<8x1xf32> to vector<8x2048xf32>
      %sub3A_675 = arith.subf %get3A_668, %sub3A_674 : vector<8x2048xf32>
      %mul3A_676 = arith.mulf %sub3A_675, %sub3A_675 : vector<8x2048xf32>
      %add3A_677 = arith.addf %add3A_663, %mul3A_676 : vector<8x2048xf32>
      %get3A_678 = arith.constant 4 : index
      %get3A_679 = arith.constant 64 : index
      %get3A_680 = arith.constant 0 : index
      %get3A_681 = vector.load %arg0[%get3A_678, %get3A_679, %get3A_680] : memref<8x72x2048xf32, #tpu.memory_space<vmem>>, vector<1x8x2048xf32>
      %get3A_682 = vector.shape_cast %get3A_681 : vector<1x8x2048xf32> to vector<8x2048xf32>
      %mul3A_683 = vector.broadcast %convert_element_type3A_563 : vector<1x2048xf32> to vector<8x2048xf32>
      %mul3A_684 = arith.mulf %get3A_682, %mul3A_683 : vector<8x2048xf32>
      %reduce_sum3A_685 = arith.constant dense<0.000000e+00> : vector<8xf32>
      %reduce_sum3A_686 = vector.multi_reduction <add>, %mul3A_684, %reduce_sum3A_685 [1] : vector<8x2048xf32> to vector<8xf32>
      %broadcast_in_dim3A_687 = vector.shape_cast %reduce_sum3A_686 : vector<8xf32> to vector<8x1xf32>
      %sub3A_688 = vector.broadcast %broadcast_in_dim3A_687 : vector<8x1xf32> to vector<8x2048xf32>
      %sub3A_689 = arith.subf %get3A_682, %sub3A_688 : vector<8x2048xf32>
      %mul3A_690 = arith.mulf %sub3A_689, %sub3A_689 : vector<8x2048xf32>
      %add3A_691 = arith.addf %add3A_677, %mul3A_690 : vector<8x2048xf32>
      %reduce_sum3A_692 = arith.constant dense<0.000000e+00> : vector<2048xf32>
      %reduce_sum3A_693 = vector.multi_reduction <add>, %add3A_691, %reduce_sum3A_692 [0] : vector<8x2048xf32> to vector<2048xf32>
      %broadcast_in_dim3A_694 = vector.shape_cast %reduce_sum3A_693 : vector<2048xf32> to vector<1x2048xf32>
      %slice3A_695 = vector.extract_strided_slice %scan3A_16 {offsets = [5, 0], sizes = [1, 1], strides = [1, 1]} : vector<8x1xi32> to vector<1x1xi32>
      %eq3A_696 = vector.broadcast %slice3A_695 : vector<1x1xi32> to vector<1x2048xi32>
      %eq3A_697 = arith.cmpi eq, %iota3A_0, %eq3A_696 : vector<1x2048xi32>
      %convert_element_type3A_698 = arith.extui %eq3A_697 : vector<1x2048xi1> to vector<1x2048xi32>
      %convert_element_type3A_699 = arith.sitofp %convert_element_type3A_698 : vector<1x2048xi32> to vector<1x2048xf32>
      %broadcast_in_dim3A_700 = arith.constant 0.000000e+00 : f32
      %broadcast_in_dim3A_701 = vector.broadcast %broadcast_in_dim3A_700 : f32 to vector<8x2048xf32>
      %get3A_702 = arith.constant 5 : index
      %get3A_703 = arith.constant 0 : index
      %get3A_704 = arith.constant 0 : index
      %get3A_705 = vector.load %arg0[%get3A_702, %get3A_703, %get3A_704] : memref<8x72x2048xf32, #tpu.memory_space<vmem>>, vector<1x8x2048xf32>
      %get3A_706 = vector.shape_cast %get3A_705 : vector<1x8x2048xf32> to vector<8x2048xf32>
      %mul3A_707 = vector.broadcast %convert_element_type3A_699 : vector<1x2048xf32> to vector<8x2048xf32>
      %mul3A_708 = arith.mulf %get3A_706, %mul3A_707 : vector<8x2048xf32>
      %reduce_sum3A_709 = arith.constant dense<0.000000e+00> : vector<8xf32>
      %reduce_sum3A_710 = vector.multi_reduction <add>, %mul3A_708, %reduce_sum3A_709 [1] : vector<8x2048xf32> to vector<8xf32>
      %broadcast_in_dim3A_711 = vector.shape_cast %reduce_sum3A_710 : vector<8xf32> to vector<8x1xf32>
      %sub3A_712 = vector.broadcast %broadcast_in_dim3A_711 : vector<8x1xf32> to vector<8x2048xf32>
      %sub3A_713 = arith.subf %get3A_706, %sub3A_712 : vector<8x2048xf32>
      %mul3A_714 = arith.mulf %sub3A_713, %sub3A_713 : vector<8x2048xf32>
      %add3A_715 = arith.addf %broadcast_in_dim3A_701, %mul3A_714 : vector<8x2048xf32>
      %get3A_716 = arith.constant 5 : index
      %get3A_717 = arith.constant 8 : index
      %get3A_718 = arith.constant 0 : index
      %get3A_719 = vector.load %arg0[%get3A_716, %get3A_717, %get3A_718] : memref<8x72x2048xf32, #tpu.memory_space<vmem>>, vector<1x8x2048xf32>
      %get3A_720 = vector.shape_cast %get3A_719 : vector<1x8x2048xf32> to vector<8x2048xf32>
      %mul3A_721 = vector.broadcast %convert_element_type3A_699 : vector<1x2048xf32> to vector<8x2048xf32>
      %mul3A_722 = arith.mulf %get3A_720, %mul3A_721 : vector<8x2048xf32>
      %reduce_sum3A_723 = arith.constant dense<0.000000e+00> : vector<8xf32>
      %reduce_sum3A_724 = vector.multi_reduction <add>, %mul3A_722, %reduce_sum3A_723 [1] : vector<8x2048xf32> to vector<8xf32>
      %broadcast_in_dim3A_725 = vector.shape_cast %reduce_sum3A_724 : vector<8xf32> to vector<8x1xf32>
      %sub3A_726 = vector.broadcast %broadcast_in_dim3A_725 : vector<8x1xf32> to vector<8x2048xf32>
      %sub3A_727 = arith.subf %get3A_720, %sub3A_726 : vector<8x2048xf32>
      %mul3A_728 = arith.mulf %sub3A_727, %sub3A_727 : vector<8x2048xf32>
      %add3A_729 = arith.addf %add3A_715, %mul3A_728 : vector<8x2048xf32>
      %get3A_730 = arith.constant 5 : index
      %get3A_731 = arith.constant 16 : index
      %get3A_732 = arith.constant 0 : index
      %get3A_733 = vector.load %arg0[%get3A_730, %get3A_731, %get3A_732] : memref<8x72x2048xf32, #tpu.memory_space<vmem>>, vector<1x8x2048xf32>
      %get3A_734 = vector.shape_cast %get3A_733 : vector<1x8x2048xf32> to vector<8x2048xf32>
      %mul3A_735 = vector.broadcast %convert_element_type3A_699 : vector<1x2048xf32> to vector<8x2048xf32>
      %mul3A_736 = arith.mulf %get3A_734, %mul3A_735 : vector<8x2048xf32>
      %reduce_sum3A_737 = arith.constant dense<0.000000e+00> : vector<8xf32>
      %reduce_sum3A_738 = vector.multi_reduction <add>, %mul3A_736, %reduce_sum3A_737 [1] : vector<8x2048xf32> to vector<8xf32>
      %broadcast_in_dim3A_739 = vector.shape_cast %reduce_sum3A_738 : vector<8xf32> to vector<8x1xf32>
      %sub3A_740 = vector.broadcast %broadcast_in_dim3A_739 : vector<8x1xf32> to vector<8x2048xf32>
      %sub3A_741 = arith.subf %get3A_734, %sub3A_740 : vector<8x2048xf32>
      %mul3A_742 = arith.mulf %sub3A_741, %sub3A_741 : vector<8x2048xf32>
      %add3A_743 = arith.addf %add3A_729, %mul3A_742 : vector<8x2048xf32>
      %get3A_744 = arith.constant 5 : index
      %get3A_745 = arith.constant 24 : index
      %get3A_746 = arith.constant 0 : index
      %get3A_747 = vector.load %arg0[%get3A_744, %get3A_745, %get3A_746] : memref<8x72x2048xf32, #tpu.memory_space<vmem>>, vector<1x8x2048xf32>
      %get3A_748 = vector.shape_cast %get3A_747 : vector<1x8x2048xf32> to vector<8x2048xf32>
      %mul3A_749 = vector.broadcast %convert_element_type3A_699 : vector<1x2048xf32> to vector<8x2048xf32>
      %mul3A_750 = arith.mulf %get3A_748, %mul3A_749 : vector<8x2048xf32>
      %reduce_sum3A_751 = arith.constant dense<0.000000e+00> : vector<8xf32>
      %reduce_sum3A_752 = vector.multi_reduction <add>, %mul3A_750, %reduce_sum3A_751 [1] : vector<8x2048xf32> to vector<8xf32>
      %broadcast_in_dim3A_753 = vector.shape_cast %reduce_sum3A_752 : vector<8xf32> to vector<8x1xf32>
      %sub3A_754 = vector.broadcast %broadcast_in_dim3A_753 : vector<8x1xf32> to vector<8x2048xf32>
      %sub3A_755 = arith.subf %get3A_748, %sub3A_754 : vector<8x2048xf32>
      %mul3A_756 = arith.mulf %sub3A_755, %sub3A_755 : vector<8x2048xf32>
      %add3A_757 = arith.addf %add3A_743, %mul3A_756 : vector<8x2048xf32>
      %get3A_758 = arith.constant 5 : index
      %get3A_759 = arith.constant 32 : index
      %get3A_760 = arith.constant 0 : index
      %get3A_761 = vector.load %arg0[%get3A_758, %get3A_759, %get3A_760] : memref<8x72x2048xf32, #tpu.memory_space<vmem>>, vector<1x8x2048xf32>
      %get3A_762 = vector.shape_cast %get3A_761 : vector<1x8x2048xf32> to vector<8x2048xf32>
      %mul3A_763 = vector.broadcast %convert_element_type3A_699 : vector<1x2048xf32> to vector<8x2048xf32>
      %mul3A_764 = arith.mulf %get3A_762, %mul3A_763 : vector<8x2048xf32>
      %reduce_sum3A_765 = arith.constant dense<0.000000e+00> : vector<8xf32>
      %reduce_sum3A_766 = vector.multi_reduction <add>, %mul3A_764, %reduce_sum3A_765 [1] : vector<8x2048xf32> to vector<8xf32>
      %broadcast_in_dim3A_767 = vector.shape_cast %reduce_sum3A_766 : vector<8xf32> to vector<8x1xf32>
      %sub3A_768 = vector.broadcast %broadcast_in_dim3A_767 : vector<8x1xf32> to vector<8x2048xf32>
      %sub3A_769 = arith.subf %get3A_762, %sub3A_768 : vector<8x2048xf32>
      %mul3A_770 = arith.mulf %sub3A_769, %sub3A_769 : vector<8x2048xf32>
      %add3A_771 = arith.addf %add3A_757, %mul3A_770 : vector<8x2048xf32>
      %get3A_772 = arith.constant 5 : index
      %get3A_773 = arith.constant 40 : index
      %get3A_774 = arith.constant 0 : index
      %get3A_775 = vector.load %arg0[%get3A_772, %get3A_773, %get3A_774] : memref<8x72x2048xf32, #tpu.memory_space<vmem>>, vector<1x8x2048xf32>
      %get3A_776 = vector.shape_cast %get3A_775 : vector<1x8x2048xf32> to vector<8x2048xf32>
      %mul3A_777 = vector.broadcast %convert_element_type3A_699 : vector<1x2048xf32> to vector<8x2048xf32>
      %mul3A_778 = arith.mulf %get3A_776, %mul3A_777 : vector<8x2048xf32>
      %reduce_sum3A_779 = arith.constant dense<0.000000e+00> : vector<8xf32>
      %reduce_sum3A_780 = vector.multi_reduction <add>, %mul3A_778, %reduce_sum3A_779 [1] : vector<8x2048xf32> to vector<8xf32>
      %broadcast_in_dim3A_781 = vector.shape_cast %reduce_sum3A_780 : vector<8xf32> to vector<8x1xf32>
      %sub3A_782 = vector.broadcast %broadcast_in_dim3A_781 : vector<8x1xf32> to vector<8x2048xf32>
      %sub3A_783 = arith.subf %get3A_776, %sub3A_782 : vector<8x2048xf32>
      %mul3A_784 = arith.mulf %sub3A_783, %sub3A_783 : vector<8x2048xf32>
      %add3A_785 = arith.addf %add3A_771, %mul3A_784 : vector<8x2048xf32>
      %get3A_786 = arith.constant 5 : index
      %get3A_787 = arith.constant 48 : index
      %get3A_788 = arith.constant 0 : index
      %get3A_789 = vector.load %arg0[%get3A_786, %get3A_787, %get3A_788] : memref<8x72x2048xf32, #tpu.memory_space<vmem>>, vector<1x8x2048xf32>
      %get3A_790 = vector.shape_cast %get3A_789 : vector<1x8x2048xf32> to vector<8x2048xf32>
      %mul3A_791 = vector.broadcast %convert_element_type3A_699 : vector<1x2048xf32> to vector<8x2048xf32>
      %mul3A_792 = arith.mulf %get3A_790, %mul3A_791 : vector<8x2048xf32>
      %reduce_sum3A_793 = arith.constant dense<0.000000e+00> : vector<8xf32>
      %reduce_sum3A_794 = vector.multi_reduction <add>, %mul3A_792, %reduce_sum3A_793 [1] : vector<8x2048xf32> to vector<8xf32>
      %broadcast_in_dim3A_795 = vector.shape_cast %reduce_sum3A_794 : vector<8xf32> to vector<8x1xf32>
      %sub3A_796 = vector.broadcast %broadcast_in_dim3A_795 : vector<8x1xf32> to vector<8x2048xf32>
      %sub3A_797 = arith.subf %get3A_790, %sub3A_796 : vector<8x2048xf32>
      %mul3A_798 = arith.mulf %sub3A_797, %sub3A_797 : vector<8x2048xf32>
      %add3A_799 = arith.addf %add3A_785, %mul3A_798 : vector<8x2048xf32>
      %get3A_800 = arith.constant 5 : index
      %get3A_801 = arith.constant 56 : index
      %get3A_802 = arith.constant 0 : index
      %get3A_803 = vector.load %arg0[%get3A_800, %get3A_801, %get3A_802] : memref<8x72x2048xf32, #tpu.memory_space<vmem>>, vector<1x8x2048xf32>
      %get3A_804 = vector.shape_cast %get3A_803 : vector<1x8x2048xf32> to vector<8x2048xf32>
      %mul3A_805 = vector.broadcast %convert_element_type3A_699 : vector<1x2048xf32> to vector<8x2048xf32>
      %mul3A_806 = arith.mulf %get3A_804, %mul3A_805 : vector<8x2048xf32>
      %reduce_sum3A_807 = arith.constant dense<0.000000e+00> : vector<8xf32>
      %reduce_sum3A_808 = vector.multi_reduction <add>, %mul3A_806, %reduce_sum3A_807 [1] : vector<8x2048xf32> to vector<8xf32>
      %broadcast_in_dim3A_809 = vector.shape_cast %reduce_sum3A_808 : vector<8xf32> to vector<8x1xf32>
      %sub3A_810 = vector.broadcast %broadcast_in_dim3A_809 : vector<8x1xf32> to vector<8x2048xf32>
      %sub3A_811 = arith.subf %get3A_804, %sub3A_810 : vector<8x2048xf32>
      %mul3A_812 = arith.mulf %sub3A_811, %sub3A_811 : vector<8x2048xf32>
      %add3A_813 = arith.addf %add3A_799, %mul3A_812 : vector<8x2048xf32>
      %get3A_814 = arith.constant 5 : index
      %get3A_815 = arith.constant 64 : index
      %get3A_816 = arith.constant 0 : index
      %get3A_817 = vector.load %arg0[%get3A_814, %get3A_815, %get3A_816] : memref<8x72x2048xf32, #tpu.memory_space<vmem>>, vector<1x8x2048xf32>
      %get3A_818 = vector.shape_cast %get3A_817 : vector<1x8x2048xf32> to vector<8x2048xf32>
      %mul3A_819 = vector.broadcast %convert_element_type3A_699 : vector<1x2048xf32> to vector<8x2048xf32>
      %mul3A_820 = arith.mulf %get3A_818, %mul3A_819 : vector<8x2048xf32>
      %reduce_sum3A_821 = arith.constant dense<0.000000e+00> : vector<8xf32>
      %reduce_sum3A_822 = vector.multi_reduction <add>, %mul3A_820, %reduce_sum3A_821 [1] : vector<8x2048xf32> to vector<8xf32>
      %broadcast_in_dim3A_823 = vector.shape_cast %reduce_sum3A_822 : vector<8xf32> to vector<8x1xf32>
      %sub3A_824 = vector.broadcast %broadcast_in_dim3A_823 : vector<8x1xf32> to vector<8x2048xf32>
      %sub3A_825 = arith.subf %get3A_818, %sub3A_824 : vector<8x2048xf32>
      %mul3A_826 = arith.mulf %sub3A_825, %sub3A_825 : vector<8x2048xf32>
      %add3A_827 = arith.addf %add3A_813, %mul3A_826 : vector<8x2048xf32>
      %reduce_sum3A_828 = arith.constant dense<0.000000e+00> : vector<2048xf32>
      %reduce_sum3A_829 = vector.multi_reduction <add>, %add3A_827, %reduce_sum3A_828 [0] : vector<8x2048xf32> to vector<2048xf32>
      %broadcast_in_dim3A_830 = vector.shape_cast %reduce_sum3A_829 : vector<2048xf32> to vector<1x2048xf32>
      %slice3A_831 = vector.extract_strided_slice %scan3A_16 {offsets = [6, 0], sizes = [1, 1], strides = [1, 1]} : vector<8x1xi32> to vector<1x1xi32>
      %eq3A_832 = vector.broadcast %slice3A_831 : vector<1x1xi32> to vector<1x2048xi32>
      %eq3A_833 = arith.cmpi eq, %iota3A_0, %eq3A_832 : vector<1x2048xi32>
      %convert_element_type3A_834 = arith.extui %eq3A_833 : vector<1x2048xi1> to vector<1x2048xi32>
      %convert_element_type3A_835 = arith.sitofp %convert_element_type3A_834 : vector<1x2048xi32> to vector<1x2048xf32>
      %broadcast_in_dim3A_836 = arith.constant 0.000000e+00 : f32
      %broadcast_in_dim3A_837 = vector.broadcast %broadcast_in_dim3A_836 : f32 to vector<8x2048xf32>
      %get3A_838 = arith.constant 6 : index
      %get3A_839 = arith.constant 0 : index
      %get3A_840 = arith.constant 0 : index
      %get3A_841 = vector.load %arg0[%get3A_838, %get3A_839, %get3A_840] : memref<8x72x2048xf32, #tpu.memory_space<vmem>>, vector<1x8x2048xf32>
      %get3A_842 = vector.shape_cast %get3A_841 : vector<1x8x2048xf32> to vector<8x2048xf32>
      %mul3A_843 = vector.broadcast %convert_element_type3A_835 : vector<1x2048xf32> to vector<8x2048xf32>
      %mul3A_844 = arith.mulf %get3A_842, %mul3A_843 : vector<8x2048xf32>
      %reduce_sum3A_845 = arith.constant dense<0.000000e+00> : vector<8xf32>
      %reduce_sum3A_846 = vector.multi_reduction <add>, %mul3A_844, %reduce_sum3A_845 [1] : vector<8x2048xf32> to vector<8xf32>
      %broadcast_in_dim3A_847 = vector.shape_cast %reduce_sum3A_846 : vector<8xf32> to vector<8x1xf32>
      %sub3A_848 = vector.broadcast %broadcast_in_dim3A_847 : vector<8x1xf32> to vector<8x2048xf32>
      %sub3A_849 = arith.subf %get3A_842, %sub3A_848 : vector<8x2048xf32>
      %mul3A_850 = arith.mulf %sub3A_849, %sub3A_849 : vector<8x2048xf32>
      %add3A_851 = arith.addf %broadcast_in_dim3A_837, %mul3A_850 : vector<8x2048xf32>
      %get3A_852 = arith.constant 6 : index
      %get3A_853 = arith.constant 8 : index
      %get3A_854 = arith.constant 0 : index
      %get3A_855 = vector.load %arg0[%get3A_852, %get3A_853, %get3A_854] : memref<8x72x2048xf32, #tpu.memory_space<vmem>>, vector<1x8x2048xf32>
      %get3A_856 = vector.shape_cast %get3A_855 : vector<1x8x2048xf32> to vector<8x2048xf32>
      %mul3A_857 = vector.broadcast %convert_element_type3A_835 : vector<1x2048xf32> to vector<8x2048xf32>
      %mul3A_858 = arith.mulf %get3A_856, %mul3A_857 : vector<8x2048xf32>
      %reduce_sum3A_859 = arith.constant dense<0.000000e+00> : vector<8xf32>
      %reduce_sum3A_860 = vector.multi_reduction <add>, %mul3A_858, %reduce_sum3A_859 [1] : vector<8x2048xf32> to vector<8xf32>
      %broadcast_in_dim3A_861 = vector.shape_cast %reduce_sum3A_860 : vector<8xf32> to vector<8x1xf32>
      %sub3A_862 = vector.broadcast %broadcast_in_dim3A_861 : vector<8x1xf32> to vector<8x2048xf32>
      %sub3A_863 = arith.subf %get3A_856, %sub3A_862 : vector<8x2048xf32>
      %mul3A_864 = arith.mulf %sub3A_863, %sub3A_863 : vector<8x2048xf32>
      %add3A_865 = arith.addf %add3A_851, %mul3A_864 : vector<8x2048xf32>
      %get3A_866 = arith.constant 6 : index
      %get3A_867 = arith.constant 16 : index
      %get3A_868 = arith.constant 0 : index
      %get3A_869 = vector.load %arg0[%get3A_866, %get3A_867, %get3A_868] : memref<8x72x2048xf32, #tpu.memory_space<vmem>>, vector<1x8x2048xf32>
      %get3A_870 = vector.shape_cast %get3A_869 : vector<1x8x2048xf32> to vector<8x2048xf32>
      %mul3A_871 = vector.broadcast %convert_element_type3A_835 : vector<1x2048xf32> to vector<8x2048xf32>
      %mul3A_872 = arith.mulf %get3A_870, %mul3A_871 : vector<8x2048xf32>
      %reduce_sum3A_873 = arith.constant dense<0.000000e+00> : vector<8xf32>
      %reduce_sum3A_874 = vector.multi_reduction <add>, %mul3A_872, %reduce_sum3A_873 [1] : vector<8x2048xf32> to vector<8xf32>
      %broadcast_in_dim3A_875 = vector.shape_cast %reduce_sum3A_874 : vector<8xf32> to vector<8x1xf32>
      %sub3A_876 = vector.broadcast %broadcast_in_dim3A_875 : vector<8x1xf32> to vector<8x2048xf32>
      %sub3A_877 = arith.subf %get3A_870, %sub3A_876 : vector<8x2048xf32>
      %mul3A_878 = arith.mulf %sub3A_877, %sub3A_877 : vector<8x2048xf32>
      %add3A_879 = arith.addf %add3A_865, %mul3A_878 : vector<8x2048xf32>
      %get3A_880 = arith.constant 6 : index
      %get3A_881 = arith.constant 24 : index
      %get3A_882 = arith.constant 0 : index
      %get3A_883 = vector.load %arg0[%get3A_880, %get3A_881, %get3A_882] : memref<8x72x2048xf32, #tpu.memory_space<vmem>>, vector<1x8x2048xf32>
      %get3A_884 = vector.shape_cast %get3A_883 : vector<1x8x2048xf32> to vector<8x2048xf32>
      %mul3A_885 = vector.broadcast %convert_element_type3A_835 : vector<1x2048xf32> to vector<8x2048xf32>
      %mul3A_886 = arith.mulf %get3A_884, %mul3A_885 : vector<8x2048xf32>
      %reduce_sum3A_887 = arith.constant dense<0.000000e+00> : vector<8xf32>
      %reduce_sum3A_888 = vector.multi_reduction <add>, %mul3A_886, %reduce_sum3A_887 [1] : vector<8x2048xf32> to vector<8xf32>
      %broadcast_in_dim3A_889 = vector.shape_cast %reduce_sum3A_888 : vector<8xf32> to vector<8x1xf32>
      %sub3A_890 = vector.broadcast %broadcast_in_dim3A_889 : vector<8x1xf32> to vector<8x2048xf32>
      %sub3A_891 = arith.subf %get3A_884, %sub3A_890 : vector<8x2048xf32>
      %mul3A_892 = arith.mulf %sub3A_891, %sub3A_891 : vector<8x2048xf32>
      %add3A_893 = arith.addf %add3A_879, %mul3A_892 : vector<8x2048xf32>
      %get3A_894 = arith.constant 6 : index
      %get3A_895 = arith.constant 32 : index
      %get3A_896 = arith.constant 0 : index
      %get3A_897 = vector.load %arg0[%get3A_894, %get3A_895, %get3A_896] : memref<8x72x2048xf32, #tpu.memory_space<vmem>>, vector<1x8x2048xf32>
      %get3A_898 = vector.shape_cast %get3A_897 : vector<1x8x2048xf32> to vector<8x2048xf32>
      %mul3A_899 = vector.broadcast %convert_element_type3A_835 : vector<1x2048xf32> to vector<8x2048xf32>
      %mul3A_900 = arith.mulf %get3A_898, %mul3A_899 : vector<8x2048xf32>
      %reduce_sum3A_901 = arith.constant dense<0.000000e+00> : vector<8xf32>
      %reduce_sum3A_902 = vector.multi_reduction <add>, %mul3A_900, %reduce_sum3A_901 [1] : vector<8x2048xf32> to vector<8xf32>
      %broadcast_in_dim3A_903 = vector.shape_cast %reduce_sum3A_902 : vector<8xf32> to vector<8x1xf32>
      %sub3A_904 = vector.broadcast %broadcast_in_dim3A_903 : vector<8x1xf32> to vector<8x2048xf32>
      %sub3A_905 = arith.subf %get3A_898, %sub3A_904 : vector<8x2048xf32>
      %mul3A_906 = arith.mulf %sub3A_905, %sub3A_905 : vector<8x2048xf32>
      %add3A_907 = arith.addf %add3A_893, %mul3A_906 : vector<8x2048xf32>
      %get3A_908 = arith.constant 6 : index
      %get3A_909 = arith.constant 40 : index
      %get3A_910 = arith.constant 0 : index
      %get3A_911 = vector.load %arg0[%get3A_908, %get3A_909, %get3A_910] : memref<8x72x2048xf32, #tpu.memory_space<vmem>>, vector<1x8x2048xf32>
      %get3A_912 = vector.shape_cast %get3A_911 : vector<1x8x2048xf32> to vector<8x2048xf32>
      %mul3A_913 = vector.broadcast %convert_element_type3A_835 : vector<1x2048xf32> to vector<8x2048xf32>
      %mul3A_914 = arith.mulf %get3A_912, %mul3A_913 : vector<8x2048xf32>
      %reduce_sum3A_915 = arith.constant dense<0.000000e+00> : vector<8xf32>
      %reduce_sum3A_916 = vector.multi_reduction <add>, %mul3A_914, %reduce_sum3A_915 [1] : vector<8x2048xf32> to vector<8xf32>
      %broadcast_in_dim3A_917 = vector.shape_cast %reduce_sum3A_916 : vector<8xf32> to vector<8x1xf32>
      %sub3A_918 = vector.broadcast %broadcast_in_dim3A_917 : vector<8x1xf32> to vector<8x2048xf32>
      %sub3A_919 = arith.subf %get3A_912, %sub3A_918 : vector<8x2048xf32>
      %mul3A_920 = arith.mulf %sub3A_919, %sub3A_919 : vector<8x2048xf32>
      %add3A_921 = arith.addf %add3A_907, %mul3A_920 : vector<8x2048xf32>
      %get3A_922 = arith.constant 6 : index
      %get3A_923 = arith.constant 48 : index
      %get3A_924 = arith.constant 0 : index
      %get3A_925 = vector.load %arg0[%get3A_922, %get3A_923, %get3A_924] : memref<8x72x2048xf32, #tpu.memory_space<vmem>>, vector<1x8x2048xf32>
      %get3A_926 = vector.shape_cast %get3A_925 : vector<1x8x2048xf32> to vector<8x2048xf32>
      %mul3A_927 = vector.broadcast %convert_element_type3A_835 : vector<1x2048xf32> to vector<8x2048xf32>
      %mul3A_928 = arith.mulf %get3A_926, %mul3A_927 : vector<8x2048xf32>
      %reduce_sum3A_929 = arith.constant dense<0.000000e+00> : vector<8xf32>
      %reduce_sum3A_930 = vector.multi_reduction <add>, %mul3A_928, %reduce_sum3A_929 [1] : vector<8x2048xf32> to vector<8xf32>
      %broadcast_in_dim3A_931 = vector.shape_cast %reduce_sum3A_930 : vector<8xf32> to vector<8x1xf32>
      %sub3A_932 = vector.broadcast %broadcast_in_dim3A_931 : vector<8x1xf32> to vector<8x2048xf32>
      %sub3A_933 = arith.subf %get3A_926, %sub3A_932 : vector<8x2048xf32>
      %mul3A_934 = arith.mulf %sub3A_933, %sub3A_933 : vector<8x2048xf32>
      %add3A_935 = arith.addf %add3A_921, %mul3A_934 : vector<8x2048xf32>
      %get3A_936 = arith.constant 6 : index
      %get3A_937 = arith.constant 56 : index
      %get3A_938 = arith.constant 0 : index
      %get3A_939 = vector.load %arg0[%get3A_936, %get3A_937, %get3A_938] : memref<8x72x2048xf32, #tpu.memory_space<vmem>>, vector<1x8x2048xf32>
      %get3A_940 = vector.shape_cast %get3A_939 : vector<1x8x2048xf32> to vector<8x2048xf32>
      %mul3A_941 = vector.broadcast %convert_element_type3A_835 : vector<1x2048xf32> to vector<8x2048xf32>
      %mul3A_942 = arith.mulf %get3A_940, %mul3A_941 : vector<8x2048xf32>
      %reduce_sum3A_943 = arith.constant dense<0.000000e+00> : vector<8xf32>
      %reduce_sum3A_944 = vector.multi_reduction <add>, %mul3A_942, %reduce_sum3A_943 [1] : vector<8x2048xf32> to vector<8xf32>
      %broadcast_in_dim3A_945 = vector.shape_cast %reduce_sum3A_944 : vector<8xf32> to vector<8x1xf32>
      %sub3A_946 = vector.broadcast %broadcast_in_dim3A_945 : vector<8x1xf32> to vector<8x2048xf32>
      %sub3A_947 = arith.subf %get3A_940, %sub3A_946 : vector<8x2048xf32>
      %mul3A_948 = arith.mulf %sub3A_947, %sub3A_947 : vector<8x2048xf32>
      %add3A_949 = arith.addf %add3A_935, %mul3A_948 : vector<8x2048xf32>
      %get3A_950 = arith.constant 6 : index
      %get3A_951 = arith.constant 64 : index
      %get3A_952 = arith.constant 0 : index
      %get3A_953 = vector.load %arg0[%get3A_950, %get3A_951, %get3A_952] : memref<8x72x2048xf32, #tpu.memory_space<vmem>>, vector<1x8x2048xf32>
      %get3A_954 = vector.shape_cast %get3A_953 : vector<1x8x2048xf32> to vector<8x2048xf32>
      %mul3A_955 = vector.broadcast %convert_element_type3A_835 : vector<1x2048xf32> to vector<8x2048xf32>
      %mul3A_956 = arith.mulf %get3A_954, %mul3A_955 : vector<8x2048xf32>
      %reduce_sum3A_957 = arith.constant dense<0.000000e+00> : vector<8xf32>
      %reduce_sum3A_958 = vector.multi_reduction <add>, %mul3A_956, %reduce_sum3A_957 [1] : vector<8x2048xf32> to vector<8xf32>
      %broadcast_in_dim3A_959 = vector.shape_cast %reduce_sum3A_958 : vector<8xf32> to vector<8x1xf32>
      %sub3A_960 = vector.broadcast %broadcast_in_dim3A_959 : vector<8x1xf32> to vector<8x2048xf32>
      %sub3A_961 = arith.subf %get3A_954, %sub3A_960 : vector<8x2048xf32>
      %mul3A_962 = arith.mulf %sub3A_961, %sub3A_961 : vector<8x2048xf32>
      %add3A_963 = arith.addf %add3A_949, %mul3A_962 : vector<8x2048xf32>
      %reduce_sum3A_964 = arith.constant dense<0.000000e+00> : vector<2048xf32>
      %reduce_sum3A_965 = vector.multi_reduction <add>, %add3A_963, %reduce_sum3A_964 [0] : vector<8x2048xf32> to vector<2048xf32>
      %broadcast_in_dim3A_966 = vector.shape_cast %reduce_sum3A_965 : vector<2048xf32> to vector<1x2048xf32>
      %slice3A_967 = vector.extract_strided_slice %scan3A_16 {offsets = [7, 0], sizes = [1, 1], strides = [1, 1]} : vector<8x1xi32> to vector<1x1xi32>
      %eq3A_968 = vector.broadcast %slice3A_967 : vector<1x1xi32> to vector<1x2048xi32>
      %eq3A_969 = arith.cmpi eq, %iota3A_0, %eq3A_968 : vector<1x2048xi32>
      %convert_element_type3A_970 = arith.extui %eq3A_969 : vector<1x2048xi1> to vector<1x2048xi32>
      %convert_element_type3A_971 = arith.sitofp %convert_element_type3A_970 : vector<1x2048xi32> to vector<1x2048xf32>
      %broadcast_in_dim3A_972 = arith.constant 0.000000e+00 : f32
      %broadcast_in_dim3A_973 = vector.broadcast %broadcast_in_dim3A_972 : f32 to vector<8x2048xf32>
      %get3A_974 = arith.constant 7 : index
      %get3A_975 = arith.constant 0 : index
      %get3A_976 = arith.constant 0 : index
      %get3A_977 = vector.load %arg0[%get3A_974, %get3A_975, %get3A_976] : memref<8x72x2048xf32, #tpu.memory_space<vmem>>, vector<1x8x2048xf32>
      %get3A_978 = vector.shape_cast %get3A_977 : vector<1x8x2048xf32> to vector<8x2048xf32>
      %mul3A_979 = vector.broadcast %convert_element_type3A_971 : vector<1x2048xf32> to vector<8x2048xf32>
      %mul3A_980 = arith.mulf %get3A_978, %mul3A_979 : vector<8x2048xf32>
      %reduce_sum3A_981 = arith.constant dense<0.000000e+00> : vector<8xf32>
      %reduce_sum3A_982 = vector.multi_reduction <add>, %mul3A_980, %reduce_sum3A_981 [1] : vector<8x2048xf32> to vector<8xf32>
      %broadcast_in_dim3A_983 = vector.shape_cast %reduce_sum3A_982 : vector<8xf32> to vector<8x1xf32>
      %sub3A_984 = vector.broadcast %broadcast_in_dim3A_983 : vector<8x1xf32> to vector<8x2048xf32>
      %sub3A_985 = arith.subf %get3A_978, %sub3A_984 : vector<8x2048xf32>
      %mul3A_986 = arith.mulf %sub3A_985, %sub3A_985 : vector<8x2048xf32>
      %add3A_987 = arith.addf %broadcast_in_dim3A_973, %mul3A_986 : vector<8x2048xf32>
      %get3A_988 = arith.constant 7 : index
      %get3A_989 = arith.constant 8 : index
      %get3A_990 = arith.constant 0 : index
      %get3A_991 = vector.load %arg0[%get3A_988, %get3A_989, %get3A_990] : memref<8x72x2048xf32, #tpu.memory_space<vmem>>, vector<1x8x2048xf32>
      %get3A_992 = vector.shape_cast %get3A_991 : vector<1x8x2048xf32> to vector<8x2048xf32>
      %mul3A_993 = vector.broadcast %convert_element_type3A_971 : vector<1x2048xf32> to vector<8x2048xf32>
      %mul3A_994 = arith.mulf %get3A_992, %mul3A_993 : vector<8x2048xf32>
      %reduce_sum3A_995 = arith.constant dense<0.000000e+00> : vector<8xf32>
      %reduce_sum3A_996 = vector.multi_reduction <add>, %mul3A_994, %reduce_sum3A_995 [1] : vector<8x2048xf32> to vector<8xf32>
      %broadcast_in_dim3A_997 = vector.shape_cast %reduce_sum3A_996 : vector<8xf32> to vector<8x1xf32>
      %sub3A_998 = vector.broadcast %broadcast_in_dim3A_997 : vector<8x1xf32> to vector<8x2048xf32>
      %sub3A_999 = arith.subf %get3A_992, %sub3A_998 : vector<8x2048xf32>
      %mul3A_1000 = arith.mulf %sub3A_999, %sub3A_999 : vector<8x2048xf32>
      %add3A_1001 = arith.addf %add3A_987, %mul3A_1000 : vector<8x2048xf32>
      %get3A_1002 = arith.constant 7 : index
      %get3A_1003 = arith.constant 16 : index
      %get3A_1004 = arith.constant 0 : index
      %get3A_1005 = vector.load %arg0[%get3A_1002, %get3A_1003, %get3A_1004] : memref<8x72x2048xf32, #tpu.memory_space<vmem>>, vector<1x8x2048xf32>
      %get3A_1006 = vector.shape_cast %get3A_1005 : vector<1x8x2048xf32> to vector<8x2048xf32>
      %mul3A_1007 = vector.broadcast %convert_element_type3A_971 : vector<1x2048xf32> to vector<8x2048xf32>
      %mul3A_1008 = arith.mulf %get3A_1006, %mul3A_1007 : vector<8x2048xf32>
      %reduce_sum3A_1009 = arith.constant dense<0.000000e+00> : vector<8xf32>
      %reduce_sum3A_1010 = vector.multi_reduction <add>, %mul3A_1008, %reduce_sum3A_1009 [1] : vector<8x2048xf32> to vector<8xf32>
      %broadcast_in_dim3A_1011 = vector.shape_cast %reduce_sum3A_1010 : vector<8xf32> to vector<8x1xf32>
      %sub3A_1012 = vector.broadcast %broadcast_in_dim3A_1011 : vector<8x1xf32> to vector<8x2048xf32>
      %sub3A_1013 = arith.subf %get3A_1006, %sub3A_1012 : vector<8x2048xf32>
      %mul3A_1014 = arith.mulf %sub3A_1013, %sub3A_1013 : vector<8x2048xf32>
      %add3A_1015 = arith.addf %add3A_1001, %mul3A_1014 : vector<8x2048xf32>
      %get3A_1016 = arith.constant 7 : index
      %get3A_1017 = arith.constant 24 : index
      %get3A_1018 = arith.constant 0 : index
      %get3A_1019 = vector.load %arg0[%get3A_1016, %get3A_1017, %get3A_1018] : memref<8x72x2048xf32, #tpu.memory_space<vmem>>, vector<1x8x2048xf32>
      %get3A_1020 = vector.shape_cast %get3A_1019 : vector<1x8x2048xf32> to vector<8x2048xf32>
      %mul3A_1021 = vector.broadcast %convert_element_type3A_971 : vector<1x2048xf32> to vector<8x2048xf32>
      %mul3A_1022 = arith.mulf %get3A_1020, %mul3A_1021 : vector<8x2048xf32>
      %reduce_sum3A_1023 = arith.constant dense<0.000000e+00> : vector<8xf32>
      %reduce_sum3A_1024 = vector.multi_reduction <add>, %mul3A_1022, %reduce_sum3A_1023 [1] : vector<8x2048xf32> to vector<8xf32>
      %broadcast_in_dim3A_1025 = vector.shape_cast %reduce_sum3A_1024 : vector<8xf32> to vector<8x1xf32>
      %sub3A_1026 = vector.broadcast %broadcast_in_dim3A_1025 : vector<8x1xf32> to vector<8x2048xf32>
      %sub3A_1027 = arith.subf %get3A_1020, %sub3A_1026 : vector<8x2048xf32>
      %mul3A_1028 = arith.mulf %sub3A_1027, %sub3A_1027 : vector<8x2048xf32>
      %add3A_1029 = arith.addf %add3A_1015, %mul3A_1028 : vector<8x2048xf32>
      %get3A_1030 = arith.constant 7 : index
      %get3A_1031 = arith.constant 32 : index
      %get3A_1032 = arith.constant 0 : index
      %get3A_1033 = vector.load %arg0[%get3A_1030, %get3A_1031, %get3A_1032] : memref<8x72x2048xf32, #tpu.memory_space<vmem>>, vector<1x8x2048xf32>
      %get3A_1034 = vector.shape_cast %get3A_1033 : vector<1x8x2048xf32> to vector<8x2048xf32>
      %mul3A_1035 = vector.broadcast %convert_element_type3A_971 : vector<1x2048xf32> to vector<8x2048xf32>
      %mul3A_1036 = arith.mulf %get3A_1034, %mul3A_1035 : vector<8x2048xf32>
      %reduce_sum3A_1037 = arith.constant dense<0.000000e+00> : vector<8xf32>
      %reduce_sum3A_1038 = vector.multi_reduction <add>, %mul3A_1036, %reduce_sum3A_1037 [1] : vector<8x2048xf32> to vector<8xf32>
      %broadcast_in_dim3A_1039 = vector.shape_cast %reduce_sum3A_1038 : vector<8xf32> to vector<8x1xf32>
      %sub3A_1040 = vector.broadcast %broadcast_in_dim3A_1039 : vector<8x1xf32> to vector<8x2048xf32>
      %sub3A_1041 = arith.subf %get3A_1034, %sub3A_1040 : vector<8x2048xf32>
      %mul3A_1042 = arith.mulf %sub3A_1041, %sub3A_1041 : vector<8x2048xf32>
      %add3A_1043 = arith.addf %add3A_1029, %mul3A_1042 : vector<8x2048xf32>
      %get3A_1044 = arith.constant 7 : index
      %get3A_1045 = arith.constant 40 : index
      %get3A_1046 = arith.constant 0 : index
      %get3A_1047 = vector.load %arg0[%get3A_1044, %get3A_1045, %get3A_1046] : memref<8x72x2048xf32, #tpu.memory_space<vmem>>, vector<1x8x2048xf32>
      %get3A_1048 = vector.shape_cast %get3A_1047 : vector<1x8x2048xf32> to vector<8x2048xf32>
      %mul3A_1049 = vector.broadcast %convert_element_type3A_971 : vector<1x2048xf32> to vector<8x2048xf32>
      %mul3A_1050 = arith.mulf %get3A_1048, %mul3A_1049 : vector<8x2048xf32>
      %reduce_sum3A_1051 = arith.constant dense<0.000000e+00> : vector<8xf32>
      %reduce_sum3A_1052 = vector.multi_reduction <add>, %mul3A_1050, %reduce_sum3A_1051 [1] : vector<8x2048xf32> to vector<8xf32>
      %broadcast_in_dim3A_1053 = vector.shape_cast %reduce_sum3A_1052 : vector<8xf32> to vector<8x1xf32>
      %sub3A_1054 = vector.broadcast %broadcast_in_dim3A_1053 : vector<8x1xf32> to vector<8x2048xf32>
      %sub3A_1055 = arith.subf %get3A_1048, %sub3A_1054 : vector<8x2048xf32>
      %mul3A_1056 = arith.mulf %sub3A_1055, %sub3A_1055 : vector<8x2048xf32>
      %add3A_1057 = arith.addf %add3A_1043, %mul3A_1056 : vector<8x2048xf32>
      %get3A_1058 = arith.constant 7 : index
      %get3A_1059 = arith.constant 48 : index
      %get3A_1060 = arith.constant 0 : index
      %get3A_1061 = vector.load %arg0[%get3A_1058, %get3A_1059, %get3A_1060] : memref<8x72x2048xf32, #tpu.memory_space<vmem>>, vector<1x8x2048xf32>
      %get3A_1062 = vector.shape_cast %get3A_1061 : vector<1x8x2048xf32> to vector<8x2048xf32>
      %mul3A_1063 = vector.broadcast %convert_element_type3A_971 : vector<1x2048xf32> to vector<8x2048xf32>
      %mul3A_1064 = arith.mulf %get3A_1062, %mul3A_1063 : vector<8x2048xf32>
      %reduce_sum3A_1065 = arith.constant dense<0.000000e+00> : vector<8xf32>
      %reduce_sum3A_1066 = vector.multi_reduction <add>, %mul3A_1064, %reduce_sum3A_1065 [1] : vector<8x2048xf32> to vector<8xf32>
      %broadcast_in_dim3A_1067 = vector.shape_cast %reduce_sum3A_1066 : vector<8xf32> to vector<8x1xf32>
      %sub3A_1068 = vector.broadcast %broadcast_in_dim3A_1067 : vector<8x1xf32> to vector<8x2048xf32>
      %sub3A_1069 = arith.subf %get3A_1062, %sub3A_1068 : vector<8x2048xf32>
      %mul3A_1070 = arith.mulf %sub3A_1069, %sub3A_1069 : vector<8x2048xf32>
      %add3A_1071 = arith.addf %add3A_1057, %mul3A_1070 : vector<8x2048xf32>
      %get3A_1072 = arith.constant 7 : index
      %get3A_1073 = arith.constant 56 : index
      %get3A_1074 = arith.constant 0 : index
      %get3A_1075 = vector.load %arg0[%get3A_1072, %get3A_1073, %get3A_1074] : memref<8x72x2048xf32, #tpu.memory_space<vmem>>, vector<1x8x2048xf32>
      %get3A_1076 = vector.shape_cast %get3A_1075 : vector<1x8x2048xf32> to vector<8x2048xf32>
      %mul3A_1077 = vector.broadcast %convert_element_type3A_971 : vector<1x2048xf32> to vector<8x2048xf32>
      %mul3A_1078 = arith.mulf %get3A_1076, %mul3A_1077 : vector<8x2048xf32>
      %reduce_sum3A_1079 = arith.constant dense<0.000000e+00> : vector<8xf32>
      %reduce_sum3A_1080 = vector.multi_reduction <add>, %mul3A_1078, %reduce_sum3A_1079 [1] : vector<8x2048xf32> to vector<8xf32>
      %broadcast_in_dim3A_1081 = vector.shape_cast %reduce_sum3A_1080 : vector<8xf32> to vector<8x1xf32>
      %sub3A_1082 = vector.broadcast %broadcast_in_dim3A_1081 : vector<8x1xf32> to vector<8x2048xf32>
      %sub3A_1083 = arith.subf %get3A_1076, %sub3A_1082 : vector<8x2048xf32>
      %mul3A_1084 = arith.mulf %sub3A_1083, %sub3A_1083 : vector<8x2048xf32>
      %add3A_1085 = arith.addf %add3A_1071, %mul3A_1084 : vector<8x2048xf32>
      %get3A_1086 = arith.constant 7 : index
      %get3A_1087 = arith.constant 64 : index
      %get3A_1088 = arith.constant 0 : index
      %get3A_1089 = vector.load %arg0[%get3A_1086, %get3A_1087, %get3A_1088] : memref<8x72x2048xf32, #tpu.memory_space<vmem>>, vector<1x8x2048xf32>
      %get3A_1090 = vector.shape_cast %get3A_1089 : vector<1x8x2048xf32> to vector<8x2048xf32>
      %mul3A_1091 = vector.broadcast %convert_element_type3A_971 : vector<1x2048xf32> to vector<8x2048xf32>
      %mul3A_1092 = arith.mulf %get3A_1090, %mul3A_1091 : vector<8x2048xf32>
      %reduce_sum3A_1093 = arith.constant dense<0.000000e+00> : vector<8xf32>
      %reduce_sum3A_1094 = vector.multi_reduction <add>, %mul3A_1092, %reduce_sum3A_1093 [1] : vector<8x2048xf32> to vector<8xf32>
      %broadcast_in_dim3A_1095 = vector.shape_cast %reduce_sum3A_1094 : vector<8xf32> to vector<8x1xf32>
      %sub3A_1096 = vector.broadcast %broadcast_in_dim3A_1095 : vector<8x1xf32> to vector<8x2048xf32>
      %sub3A_1097 = arith.subf %get3A_1090, %sub3A_1096 : vector<8x2048xf32>
      %mul3A_1098 = arith.mulf %sub3A_1097, %sub3A_1097 : vector<8x2048xf32>
      %add3A_1099 = arith.addf %add3A_1085, %mul3A_1098 : vector<8x2048xf32>
      %reduce_sum3A_1100 = arith.constant dense<0.000000e+00> : vector<2048xf32>
      %reduce_sum3A_1101 = vector.multi_reduction <add>, %add3A_1099, %reduce_sum3A_1100 [0] : vector<8x2048xf32> to vector<2048xf32>
      %broadcast_in_dim3A_1102 = vector.shape_cast %reduce_sum3A_1101 : vector<2048xf32> to vector<1x2048xf32>
      %concatenate3A = tpu.concatenate %broadcast_in_dim3A_150, %broadcast_in_dim3A_286, %broadcast_in_dim3A_422, %broadcast_in_dim3A_558, %broadcast_in_dim3A_694, %broadcast_in_dim3A_830, %broadcast_in_dim3A_966, %broadcast_in_dim3A_1102 in 0 : vector<1x2048xf32>, vector<1x2048xf32>, vector<1x2048xf32>, vector<1x2048xf32>, vector<1x2048xf32>, vector<1x2048xf32>, vector<1x2048xf32>, vector<1x2048xf32> -> vector<8x2048xf32>
      %min3A = arith.minimumf %scan3A_15, %concatenate3A : vector<8x2048xf32>
      %reduce_max3A = arith.constant dense<0xFF800000> : vector<8xf32>
      %reduce_max3A_1103 = vector.multi_reduction <maximumf>, %min3A, %reduce_max3A [1] : vector<8x2048xf32> to vector<8xf32>
      %broadcast_in_dim3A_1104 = vector.shape_cast %reduce_max3A_1103 : vector<8xf32> to vector<8x1xf32>
      %eq3A_1105 = vector.broadcast %broadcast_in_dim3A_1104 : vector<8x1xf32> to vector<8x2048xf32>
      %eq3A_1106 = arith.cmpf oeq, %min3A, %eq3A_1105 : vector<8x2048xf32>
      %jit3A = arith.constant 2048 : i32
      %broadcast_in_dim3A_1107 = vector.broadcast %jit3A : i32 to vector<8x2048xi32>
      %select_n3A_1108 = arith.select %eq3A_1106, %iota3A, %broadcast_in_dim3A_1107 : vector<8x2048xi1>, vector<8x2048xi32>
      %reduce_min3A = arith.constant dense<2147483647> : vector<8xi32>
      %reduce_min3A_1109 = vector.multi_reduction <minsi>, %select_n3A_1108, %reduce_min3A [1] : vector<8x2048xi32> to vector<8xi32>
      %broadcast_in_dim3A_1110 = vector.shape_cast %reduce_min3A_1109 : vector<8xi32> to vector<8x1xi32>
      scf.yield %min3A, %broadcast_in_dim3A_1110, %select_n3A : vector<8x2048xf32>, vector<8x1xi32>, vector<8x512xi32>
    }
    %scan3A_11 = arith.constant 512 : i32
    %swap3A = arith.constant 0 : index
    %swap3A_12 = arith.constant 0 : index
    %swap3A_13 = vector.load %arg2[%swap3A, %swap3A_12] : memref<8x512xi32, #tpu.memory_space<vmem>>, vector<8x512xi32>
    tpu.vector_store %arg2[%swap3A, %swap3A_12], %scan3A_10#2 {strides = array<i32>} : memref<8x512xi32, #tpu.memory_space<vmem>>, vector<8x512xi32>,
    return
  }
}

module attributes {stable_mosaic.version = 14 : i64} {
  func.func @_fwd_body(%arg0: memref<8x67x2048xf32, #tpu.memory_space<vmem>>, %arg1: memref<8x512x128xf32, #tpu.memory_space<vmem>>, %arg2: memref<128x67xf32, #tpu.memory_space<vmem>>, %arg3: memref<128x67xf32, #tpu.memory_space<vmem>>, %arg4: memref<128x67xf32, #tpu.memory_space<vmem>>, %arg5: memref<128x128xf32, #tpu.memory_space<vmem>>, %arg6: memref<128x128xf32, #tpu.memory_space<vmem>>, %arg7: memref<128x1xf32, #tpu.memory_space<vmem>>, %arg8: memref<128x1xf32, #tpu.memory_space<vmem>>, %arg9: memref<128x1xf32, #tpu.memory_space<vmem>>, %arg10: memref<128x128xf32, #tpu.memory_space<vmem>>, %arg11: memref<128x1xf32, #tpu.memory_space<vmem>>, %arg12: memref<8x128x512xf32, #tpu.memory_space<vmem>>, %arg13: memref<8x128x512xf32, #tpu.memory_space<vmem>>) attributes {dimension_semantics = [], scalar_prefetch = 0 : i64, scratch_operands = 1 : i64, tpu.core_type = #tpu.core_type<tc>} {
    %broadcast_in_dim3A = arith.constant 0.000000e+00 : f32
    %broadcast_in_dim3A_0 = vector.broadcast %broadcast_in_dim3A : f32 to vector<128x1xf32>
    %get3A = arith.constant 0 : index
    %get3A_1 = arith.constant 0 : index
    %get3A_2 = arith.constant 0 : index
    %get3A_3 = vector.load %arg0[%get3A, %get3A_1, %get3A_2] : memref<8x67x2048xf32, #tpu.memory_space<vmem>>, vector<1x67x2048xf32>
    %get3A_4 = vector.shape_cast %get3A_3 : vector<1x67x2048xf32> to vector<67x2048xf32>
    %get3A_5 = arith.constant 0 : index
    %get3A_6 = arith.constant 0 : index
    %get3A_7 = arith.constant 0 : index
    %get3A_8 = vector.load %arg1[%get3A_5, %get3A_6, %get3A_7] : memref<8x512x128xf32, #tpu.memory_space<vmem>>, vector<1x512x128xf32>
    %get3A_9 = vector.shape_cast %get3A_8 : vector<1x512x128xf32> to vector<512x128xf32>
    %slice3A = vector.extract_strided_slice %get3A_9 {offsets = [0, 0], sizes = [512, 67], strides = [1, 1]} : vector<512x128xf32> to vector<512x67xf32>
    %get3A_10 = arith.constant 0 : index
    %get3A_11 = arith.constant 0 : index
    %get3A_12 = vector.load %arg2[%get3A_10, %get3A_11] : memref<128x67xf32, #tpu.memory_space<vmem>>, vector<128x67xf32>
    %dot_general3A = arith.constant dense<0.000000e+00> : vector<128x512xf32>
    %dot_general3A_13 = tpu.matmul %get3A_12, %slice3A, %dot_general3A {dimension_numbers = #tpu.dot_dimension_numbers<[1], [1], [0], [0], [0, 0, 1, 0], [], []>, transpose_lhs_hint = false} : vector<128x67xf32>, vector<512x67xf32>, vector<128x512xf32> -> vector<128x512xf32>
    %get3A_14 = arith.constant 0 : index
    %get3A_15 = arith.constant 0 : index
    %get3A_16 = vector.load %arg3[%get3A_14, %get3A_15] : memref<128x67xf32, #tpu.memory_space<vmem>>, vector<128x67xf32>
    %dot_general3A_17 = arith.constant dense<0.000000e+00> : vector<128x2048xf32>
    %dot_general3A_18 = tpu.matmul %get3A_16, %get3A_4, %dot_general3A_17 {dimension_numbers = #tpu.dot_dimension_numbers<[1], [0], [0], [1], [0, 0, 1, 1], [], []>, transpose_lhs_hint = false} : vector<128x67xf32>, vector<67x2048xf32>, vector<128x2048xf32> -> vector<128x2048xf32>
    %get3A_19 = arith.constant 0 : index
    %get3A_20 = arith.constant 0 : index
    %get3A_21 = vector.load %arg4[%get3A_19, %get3A_20] : memref<128x67xf32, #tpu.memory_space<vmem>>, vector<128x67xf32>
    %dot_general3A_22 = arith.constant dense<0.000000e+00> : vector<128x2048xf32>
    %dot_general3A_23 = tpu.matmul %get3A_21, %get3A_4, %dot_general3A_22 {dimension_numbers = #tpu.dot_dimension_numbers<[1], [0], [0], [1], [0, 0, 1, 1], [], []>, transpose_lhs_hint = false} : vector<128x67xf32>, vector<67x2048xf32>, vector<128x2048xf32> -> vector<128x2048xf32>
    %dot_general3A_24 = arith.constant dense<0.000000e+00> : vector<512x2048xf32>
    %dot_general3A_25 = tpu.matmul %dot_general3A_13, %dot_general3A_18, %dot_general3A_24 {dimension_numbers = #tpu.dot_dimension_numbers<[0], [0], [1], [1], [0, 1, 1, 1], [], []>, transpose_lhs_hint = false} : vector<128x512xf32>, vector<128x2048xf32>, vector<512x2048xf32> -> vector<512x2048xf32>
    %mul3A = arith.constant 0.0883883461 : f32
    %mul3A_26 = vector.broadcast %mul3A : f32 to vector<512x2048xf32>
    %mul3A_27 = arith.mulf %dot_general3A_25, %mul3A_26 : vector<512x2048xf32>
    %reduce_max3A = arith.constant dense<0xFF800000> : vector<512xf32>
    %reduce_max3A_28 = vector.multi_reduction <maximumf>, %mul3A_27, %reduce_max3A [1] : vector<512x2048xf32> to vector<512xf32>
    %max3A = arith.constant 0xFF800000 : f32
    %max3A_29 = vector.broadcast %max3A : f32 to vector<512xf32>
    %max3A_30 = arith.maximumf %max3A_29, %reduce_max3A_28 : vector<512xf32>
    %broadcast_in_dim3A_31 = vector.shape_cast %max3A_30 : vector<512xf32> to vector<512x1xf32>
    %sub3A = vector.broadcast %broadcast_in_dim3A_31 : vector<512x1xf32> to vector<512x2048xf32>
    %sub3A_32 = arith.subf %mul3A_27, %sub3A : vector<512x2048xf32>
    %exp3A = math.exp %sub3A_32 : vector<512x2048xf32>
    %reduce_sum3A = arith.constant dense<0.000000e+00> : vector<512xf32>
    %reduce_sum3A_33 = vector.multi_reduction <add>, %exp3A, %reduce_sum3A [1] : vector<512x2048xf32> to vector<512xf32>
    %broadcast_in_dim3A_34 = vector.shape_cast %reduce_sum3A_33 : vector<512xf32> to vector<512x1xf32>
    %div3A = vector.broadcast %broadcast_in_dim3A_34 : vector<512x1xf32> to vector<512x2048xf32>
    %div3A_35 = arith.divf %exp3A, %div3A : vector<512x2048xf32>
    %dot_general3A_36 = arith.constant dense<0.000000e+00> : vector<128x512xf32>
    %dot_general3A_37 = tpu.matmul %dot_general3A_23, %div3A_35, %dot_general3A_36 {dimension_numbers = #tpu.dot_dimension_numbers<[1], [1], [0], [0], [0, 0, 1, 0], [], []>, transpose_lhs_hint = false} : vector<128x2048xf32>, vector<512x2048xf32>, vector<128x512xf32> -> vector<128x512xf32>
    %get3A_38 = arith.constant 0 : index
    %get3A_39 = arith.constant 0 : index
    %get3A_40 = vector.load %arg5[%get3A_38, %get3A_39] : memref<128x128xf32, #tpu.memory_space<vmem>>, vector<128x128xf32>
    %dot_general3A_41 = arith.constant dense<0.000000e+00> : vector<128x512xf32>
    %dot_general3A_42 = tpu.matmul %get3A_40, %dot_general3A_37, %dot_general3A_41 {dimension_numbers = #tpu.dot_dimension_numbers<[1], [0], [0], [1], [0, 0, 1, 1], [], []>, transpose_lhs_hint = false} : vector<128x128xf32>, vector<128x512xf32>, vector<128x512xf32> -> vector<128x512xf32>
    %get3A_43 = arith.constant 0 : index
    %get3A_44 = arith.constant 0 : index
    %get3A_45 = vector.load %arg6[%get3A_43, %get3A_44] : memref<128x128xf32, #tpu.memory_space<vmem>>, vector<128x128xf32>
    %dot_general3A_46 = arith.constant dense<0.000000e+00> : vector<128x512xf32>
    %dot_general3A_47 = tpu.matmul %get3A_45, %dot_general3A_42, %dot_general3A_46 {dimension_numbers = #tpu.dot_dimension_numbers<[1], [0], [0], [1], [0, 0, 1, 1], [], []>, transpose_lhs_hint = false} : vector<128x128xf32>, vector<128x512xf32>, vector<128x512xf32> -> vector<128x512xf32>
    %get3A_48 = arith.constant 0 : index
    %get3A_49 = arith.constant 0 : index
    %get3A_50 = vector.load %arg7[%get3A_48, %get3A_49] : memref<128x1xf32, #tpu.memory_space<vmem>>, vector<128x1xf32>
    %add3A = vector.broadcast %get3A_50 : vector<128x1xf32> to vector<128x512xf32>
    %add3A_51 = arith.addf %dot_general3A_47, %add3A : vector<128x512xf32>
    %swap3A = arith.constant 0 : index
    %swap3A_52 = arith.constant 0 : index
    %swap3A_53 = arith.constant 0 : index
    %swap3A_54 = vector.load %arg13[%swap3A, %swap3A_52, %swap3A_53] : memref<8x128x512xf32, #tpu.memory_space<vmem>>, vector<1x128x512xf32>
    %swap3A_55 = vector.shape_cast %swap3A_54 : vector<1x128x512xf32> to vector<128x512xf32>
    %swap3A_56 = vector.shape_cast %add3A_51 : vector<128x512xf32> to vector<1x128x512xf32>
    tpu.vector_store %arg13[%swap3A, %swap3A_52, %swap3A_53], %swap3A_56 {strides = array<i32>} : memref<8x128x512xf32, #tpu.memory_space<vmem>>, vector<1x128x512xf32>,
    %reduce_sum3A_57 = arith.constant dense<0.000000e+00> : vector<128xf32>
    %reduce_sum3A_58 = vector.multi_reduction <add>, %add3A_51, %reduce_sum3A_57 [1] : vector<128x512xf32> to vector<128xf32>
    %broadcast_in_dim3A_59 = vector.shape_cast %reduce_sum3A_58 : vector<128xf32> to vector<128x1xf32>
    %add3A_60 = arith.addf %broadcast_in_dim3A_0, %broadcast_in_dim3A_59 : vector<128x1xf32>
    %get3A_61 = arith.constant 1 : index
    %get3A_62 = arith.constant 0 : index
    %get3A_63 = arith.constant 0 : index
    %get3A_64 = vector.load %arg0[%get3A_61, %get3A_62, %get3A_63] : memref<8x67x2048xf32, #tpu.memory_space<vmem>>, vector<1x67x2048xf32>
    %get3A_65 = vector.shape_cast %get3A_64 : vector<1x67x2048xf32> to vector<67x2048xf32>
    %get3A_66 = arith.constant 1 : index
    %get3A_67 = arith.constant 0 : index
    %get3A_68 = arith.constant 0 : index
    %get3A_69 = vector.load %arg1[%get3A_66, %get3A_67, %get3A_68] : memref<8x512x128xf32, #tpu.memory_space<vmem>>, vector<1x512x128xf32>
    %get3A_70 = vector.shape_cast %get3A_69 : vector<1x512x128xf32> to vector<512x128xf32>
    %slice3A_71 = vector.extract_strided_slice %get3A_70 {offsets = [0, 0], sizes = [512, 67], strides = [1, 1]} : vector<512x128xf32> to vector<512x67xf32>
    %get3A_72 = arith.constant 0 : index
    %get3A_73 = arith.constant 0 : index
    %get3A_74 = vector.load %arg2[%get3A_72, %get3A_73] : memref<128x67xf32, #tpu.memory_space<vmem>>, vector<128x67xf32>
    %dot_general3A_75 = arith.constant dense<0.000000e+00> : vector<128x512xf32>
    %dot_general3A_76 = tpu.matmul %get3A_74, %slice3A_71, %dot_general3A_75 {dimension_numbers = #tpu.dot_dimension_numbers<[1], [1], [0], [0], [0, 0, 1, 0], [], []>, transpose_lhs_hint = false} : vector<128x67xf32>, vector<512x67xf32>, vector<128x512xf32> -> vector<128x512xf32>
    %get3A_77 = arith.constant 0 : index
    %get3A_78 = arith.constant 0 : index
    %get3A_79 = vector.load %arg3[%get3A_77, %get3A_78] : memref<128x67xf32, #tpu.memory_space<vmem>>, vector<128x67xf32>
    %dot_general3A_80 = arith.constant dense<0.000000e+00> : vector<128x2048xf32>
    %dot_general3A_81 = tpu.matmul %get3A_79, %get3A_65, %dot_general3A_80 {dimension_numbers = #tpu.dot_dimension_numbers<[1], [0], [0], [1], [0, 0, 1, 1], [], []>, transpose_lhs_hint = false} : vector<128x67xf32>, vector<67x2048xf32>, vector<128x2048xf32> -> vector<128x2048xf32>
    %get3A_82 = arith.constant 0 : index
    %get3A_83 = arith.constant 0 : index
    %get3A_84 = vector.load %arg4[%get3A_82, %get3A_83] : memref<128x67xf32, #tpu.memory_space<vmem>>, vector<128x67xf32>
    %dot_general3A_85 = arith.constant dense<0.000000e+00> : vector<128x2048xf32>
    %dot_general3A_86 = tpu.matmul %get3A_84, %get3A_65, %dot_general3A_85 {dimension_numbers = #tpu.dot_dimension_numbers<[1], [0], [0], [1], [0, 0, 1, 1], [], []>, transpose_lhs_hint = false} : vector<128x67xf32>, vector<67x2048xf32>, vector<128x2048xf32> -> vector<128x2048xf32>
    %dot_general3A_87 = arith.constant dense<0.000000e+00> : vector<512x2048xf32>
    %dot_general3A_88 = tpu.matmul %dot_general3A_76, %dot_general3A_81, %dot_general3A_87 {dimension_numbers = #tpu.dot_dimension_numbers<[0], [0], [1], [1], [0, 1, 1, 1], [], []>, transpose_lhs_hint = false} : vector<128x512xf32>, vector<128x2048xf32>, vector<512x2048xf32> -> vector<512x2048xf32>
    %mul3A_89 = arith.constant 0.0883883461 : f32
    %mul3A_90 = vector.broadcast %mul3A_89 : f32 to vector<512x2048xf32>
    %mul3A_91 = arith.mulf %dot_general3A_88, %mul3A_90 : vector<512x2048xf32>
    %reduce_max3A_92 = arith.constant dense<0xFF800000> : vector<512xf32>
    %reduce_max3A_93 = vector.multi_reduction <maximumf>, %mul3A_91, %reduce_max3A_92 [1] : vector<512x2048xf32> to vector<512xf32>
    %max3A_94 = arith.constant 0xFF800000 : f32
    %max3A_95 = vector.broadcast %max3A_94 : f32 to vector<512xf32>
    %max3A_96 = arith.maximumf %max3A_95, %reduce_max3A_93 : vector<512xf32>
    %broadcast_in_dim3A_97 = vector.shape_cast %max3A_96 : vector<512xf32> to vector<512x1xf32>
    %sub3A_98 = vector.broadcast %broadcast_in_dim3A_97 : vector<512x1xf32> to vector<512x2048xf32>
    %sub3A_99 = arith.subf %mul3A_91, %sub3A_98 : vector<512x2048xf32>
    %exp3A_100 = math.exp %sub3A_99 : vector<512x2048xf32>
    %reduce_sum3A_101 = arith.constant dense<0.000000e+00> : vector<512xf32>
    %reduce_sum3A_102 = vector.multi_reduction <add>, %exp3A_100, %reduce_sum3A_101 [1] : vector<512x2048xf32> to vector<512xf32>
    %broadcast_in_dim3A_103 = vector.shape_cast %reduce_sum3A_102 : vector<512xf32> to vector<512x1xf32>
    %div3A_104 = vector.broadcast %broadcast_in_dim3A_103 : vector<512x1xf32> to vector<512x2048xf32>
    %div3A_105 = arith.divf %exp3A_100, %div3A_104 : vector<512x2048xf32>
    %dot_general3A_106 = arith.constant dense<0.000000e+00> : vector<128x512xf32>
    %dot_general3A_107 = tpu.matmul %dot_general3A_86, %div3A_105, %dot_general3A_106 {dimension_numbers = #tpu.dot_dimension_numbers<[1], [1], [0], [0], [0, 0, 1, 0], [], []>, transpose_lhs_hint = false} : vector<128x2048xf32>, vector<512x2048xf32>, vector<128x512xf32> -> vector<128x512xf32>
    %get3A_108 = arith.constant 0 : index
    %get3A_109 = arith.constant 0 : index
    %get3A_110 = vector.load %arg5[%get3A_108, %get3A_109] : memref<128x128xf32, #tpu.memory_space<vmem>>, vector<128x128xf32>
    %dot_general3A_111 = arith.constant dense<0.000000e+00> : vector<128x512xf32>
    %dot_general3A_112 = tpu.matmul %get3A_110, %dot_general3A_107, %dot_general3A_111 {dimension_numbers = #tpu.dot_dimension_numbers<[1], [0], [0], [1], [0, 0, 1, 1], [], []>, transpose_lhs_hint = false} : vector<128x128xf32>, vector<128x512xf32>, vector<128x512xf32> -> vector<128x512xf32>
    %get3A_113 = arith.constant 0 : index
    %get3A_114 = arith.constant 0 : index
    %get3A_115 = vector.load %arg6[%get3A_113, %get3A_114] : memref<128x128xf32, #tpu.memory_space<vmem>>, vector<128x128xf32>
    %dot_general3A_116 = arith.constant dense<0.000000e+00> : vector<128x512xf32>
    %dot_general3A_117 = tpu.matmul %get3A_115, %dot_general3A_112, %dot_general3A_116 {dimension_numbers = #tpu.dot_dimension_numbers<[1], [0], [0], [1], [0, 0, 1, 1], [], []>, transpose_lhs_hint = false} : vector<128x128xf32>, vector<128x512xf32>, vector<128x512xf32> -> vector<128x512xf32>
    %get3A_118 = arith.constant 0 : index
    %get3A_119 = arith.constant 0 : index
    %get3A_120 = vector.load %arg7[%get3A_118, %get3A_119] : memref<128x1xf32, #tpu.memory_space<vmem>>, vector<128x1xf32>
    %add3A_121 = vector.broadcast %get3A_120 : vector<128x1xf32> to vector<128x512xf32>
    %add3A_122 = arith.addf %dot_general3A_117, %add3A_121 : vector<128x512xf32>
    %swap3A_123 = arith.constant 1 : index
    %swap3A_124 = arith.constant 0 : index
    %swap3A_125 = arith.constant 0 : index
    %swap3A_126 = vector.load %arg13[%swap3A_123, %swap3A_124, %swap3A_125] : memref<8x128x512xf32, #tpu.memory_space<vmem>>, vector<1x128x512xf32>
    %swap3A_127 = vector.shape_cast %swap3A_126 : vector<1x128x512xf32> to vector<128x512xf32>
    %swap3A_128 = vector.shape_cast %add3A_122 : vector<128x512xf32> to vector<1x128x512xf32>
    tpu.vector_store %arg13[%swap3A_123, %swap3A_124, %swap3A_125], %swap3A_128 {strides = array<i32>} : memref<8x128x512xf32, #tpu.memory_space<vmem>>, vector<1x128x512xf32>,
    %reduce_sum3A_129 = arith.constant dense<0.000000e+00> : vector<128xf32>
    %reduce_sum3A_130 = vector.multi_reduction <add>, %add3A_122, %reduce_sum3A_129 [1] : vector<128x512xf32> to vector<128xf32>
    %broadcast_in_dim3A_131 = vector.shape_cast %reduce_sum3A_130 : vector<128xf32> to vector<128x1xf32>
    %add3A_132 = arith.addf %add3A_60, %broadcast_in_dim3A_131 : vector<128x1xf32>
    %get3A_133 = arith.constant 2 : index
    %get3A_134 = arith.constant 0 : index
    %get3A_135 = arith.constant 0 : index
    %get3A_136 = vector.load %arg0[%get3A_133, %get3A_134, %get3A_135] : memref<8x67x2048xf32, #tpu.memory_space<vmem>>, vector<1x67x2048xf32>
    %get3A_137 = vector.shape_cast %get3A_136 : vector<1x67x2048xf32> to vector<67x2048xf32>
    %get3A_138 = arith.constant 2 : index
    %get3A_139 = arith.constant 0 : index
    %get3A_140 = arith.constant 0 : index
    %get3A_141 = vector.load %arg1[%get3A_138, %get3A_139, %get3A_140] : memref<8x512x128xf32, #tpu.memory_space<vmem>>, vector<1x512x128xf32>
    %get3A_142 = vector.shape_cast %get3A_141 : vector<1x512x128xf32> to vector<512x128xf32>
    %slice3A_143 = vector.extract_strided_slice %get3A_142 {offsets = [0, 0], sizes = [512, 67], strides = [1, 1]} : vector<512x128xf32> to vector<512x67xf32>
    %get3A_144 = arith.constant 0 : index
    %get3A_145 = arith.constant 0 : index
    %get3A_146 = vector.load %arg2[%get3A_144, %get3A_145] : memref<128x67xf32, #tpu.memory_space<vmem>>, vector<128x67xf32>
    %dot_general3A_147 = arith.constant dense<0.000000e+00> : vector<128x512xf32>
    %dot_general3A_148 = tpu.matmul %get3A_146, %slice3A_143, %dot_general3A_147 {dimension_numbers = #tpu.dot_dimension_numbers<[1], [1], [0], [0], [0, 0, 1, 0], [], []>, transpose_lhs_hint = false} : vector<128x67xf32>, vector<512x67xf32>, vector<128x512xf32> -> vector<128x512xf32>
    %get3A_149 = arith.constant 0 : index
    %get3A_150 = arith.constant 0 : index
    %get3A_151 = vector.load %arg3[%get3A_149, %get3A_150] : memref<128x67xf32, #tpu.memory_space<vmem>>, vector<128x67xf32>
    %dot_general3A_152 = arith.constant dense<0.000000e+00> : vector<128x2048xf32>
    %dot_general3A_153 = tpu.matmul %get3A_151, %get3A_137, %dot_general3A_152 {dimension_numbers = #tpu.dot_dimension_numbers<[1], [0], [0], [1], [0, 0, 1, 1], [], []>, transpose_lhs_hint = false} : vector<128x67xf32>, vector<67x2048xf32>, vector<128x2048xf32> -> vector<128x2048xf32>
    %get3A_154 = arith.constant 0 : index
    %get3A_155 = arith.constant 0 : index
    %get3A_156 = vector.load %arg4[%get3A_154, %get3A_155] : memref<128x67xf32, #tpu.memory_space<vmem>>, vector<128x67xf32>
    %dot_general3A_157 = arith.constant dense<0.000000e+00> : vector<128x2048xf32>
    %dot_general3A_158 = tpu.matmul %get3A_156, %get3A_137, %dot_general3A_157 {dimension_numbers = #tpu.dot_dimension_numbers<[1], [0], [0], [1], [0, 0, 1, 1], [], []>, transpose_lhs_hint = false} : vector<128x67xf32>, vector<67x2048xf32>, vector<128x2048xf32> -> vector<128x2048xf32>
    %dot_general3A_159 = arith.constant dense<0.000000e+00> : vector<512x2048xf32>
    %dot_general3A_160 = tpu.matmul %dot_general3A_148, %dot_general3A_153, %dot_general3A_159 {dimension_numbers = #tpu.dot_dimension_numbers<[0], [0], [1], [1], [0, 1, 1, 1], [], []>, transpose_lhs_hint = false} : vector<128x512xf32>, vector<128x2048xf32>, vector<512x2048xf32> -> vector<512x2048xf32>
    %mul3A_161 = arith.constant 0.0883883461 : f32
    %mul3A_162 = vector.broadcast %mul3A_161 : f32 to vector<512x2048xf32>
    %mul3A_163 = arith.mulf %dot_general3A_160, %mul3A_162 : vector<512x2048xf32>
    %reduce_max3A_164 = arith.constant dense<0xFF800000> : vector<512xf32>
    %reduce_max3A_165 = vector.multi_reduction <maximumf>, %mul3A_163, %reduce_max3A_164 [1] : vector<512x2048xf32> to vector<512xf32>
    %max3A_166 = arith.constant 0xFF800000 : f32
    %max3A_167 = vector.broadcast %max3A_166 : f32 to vector<512xf32>
    %max3A_168 = arith.maximumf %max3A_167, %reduce_max3A_165 : vector<512xf32>
    %broadcast_in_dim3A_169 = vector.shape_cast %max3A_168 : vector<512xf32> to vector<512x1xf32>
    %sub3A_170 = vector.broadcast %broadcast_in_dim3A_169 : vector<512x1xf32> to vector<512x2048xf32>
    %sub3A_171 = arith.subf %mul3A_163, %sub3A_170 : vector<512x2048xf32>
    %exp3A_172 = math.exp %sub3A_171 : vector<512x2048xf32>
    %reduce_sum3A_173 = arith.constant dense<0.000000e+00> : vector<512xf32>
    %reduce_sum3A_174 = vector.multi_reduction <add>, %exp3A_172, %reduce_sum3A_173 [1] : vector<512x2048xf32> to vector<512xf32>
    %broadcast_in_dim3A_175 = vector.shape_cast %reduce_sum3A_174 : vector<512xf32> to vector<512x1xf32>
    %div3A_176 = vector.broadcast %broadcast_in_dim3A_175 : vector<512x1xf32> to vector<512x2048xf32>
    %div3A_177 = arith.divf %exp3A_172, %div3A_176 : vector<512x2048xf32>
    %dot_general3A_178 = arith.constant dense<0.000000e+00> : vector<128x512xf32>
    %dot_general3A_179 = tpu.matmul %dot_general3A_158, %div3A_177, %dot_general3A_178 {dimension_numbers = #tpu.dot_dimension_numbers<[1], [1], [0], [0], [0, 0, 1, 0], [], []>, transpose_lhs_hint = false} : vector<128x2048xf32>, vector<512x2048xf32>, vector<128x512xf32> -> vector<128x512xf32>
    %get3A_180 = arith.constant 0 : index
    %get3A_181 = arith.constant 0 : index
    %get3A_182 = vector.load %arg5[%get3A_180, %get3A_181] : memref<128x128xf32, #tpu.memory_space<vmem>>, vector<128x128xf32>
    %dot_general3A_183 = arith.constant dense<0.000000e+00> : vector<128x512xf32>
    %dot_general3A_184 = tpu.matmul %get3A_182, %dot_general3A_179, %dot_general3A_183 {dimension_numbers = #tpu.dot_dimension_numbers<[1], [0], [0], [1], [0, 0, 1, 1], [], []>, transpose_lhs_hint = false} : vector<128x128xf32>, vector<128x512xf32>, vector<128x512xf32> -> vector<128x512xf32>
    %get3A_185 = arith.constant 0 : index
    %get3A_186 = arith.constant 0 : index
    %get3A_187 = vector.load %arg6[%get3A_185, %get3A_186] : memref<128x128xf32, #tpu.memory_space<vmem>>, vector<128x128xf32>
    %dot_general3A_188 = arith.constant dense<0.000000e+00> : vector<128x512xf32>
    %dot_general3A_189 = tpu.matmul %get3A_187, %dot_general3A_184, %dot_general3A_188 {dimension_numbers = #tpu.dot_dimension_numbers<[1], [0], [0], [1], [0, 0, 1, 1], [], []>, transpose_lhs_hint = false} : vector<128x128xf32>, vector<128x512xf32>, vector<128x512xf32> -> vector<128x512xf32>
    %get3A_190 = arith.constant 0 : index
    %get3A_191 = arith.constant 0 : index
    %get3A_192 = vector.load %arg7[%get3A_190, %get3A_191] : memref<128x1xf32, #tpu.memory_space<vmem>>, vector<128x1xf32>
    %add3A_193 = vector.broadcast %get3A_192 : vector<128x1xf32> to vector<128x512xf32>
    %add3A_194 = arith.addf %dot_general3A_189, %add3A_193 : vector<128x512xf32>
    %swap3A_195 = arith.constant 2 : index
    %swap3A_196 = arith.constant 0 : index
    %swap3A_197 = arith.constant 0 : index
    %swap3A_198 = vector.load %arg13[%swap3A_195, %swap3A_196, %swap3A_197] : memref<8x128x512xf32, #tpu.memory_space<vmem>>, vector<1x128x512xf32>
    %swap3A_199 = vector.shape_cast %swap3A_198 : vector<1x128x512xf32> to vector<128x512xf32>
    %swap3A_200 = vector.shape_cast %add3A_194 : vector<128x512xf32> to vector<1x128x512xf32>
    tpu.vector_store %arg13[%swap3A_195, %swap3A_196, %swap3A_197], %swap3A_200 {strides = array<i32>} : memref<8x128x512xf32, #tpu.memory_space<vmem>>, vector<1x128x512xf32>,
    %reduce_sum3A_201 = arith.constant dense<0.000000e+00> : vector<128xf32>
    %reduce_sum3A_202 = vector.multi_reduction <add>, %add3A_194, %reduce_sum3A_201 [1] : vector<128x512xf32> to vector<128xf32>
    %broadcast_in_dim3A_203 = vector.shape_cast %reduce_sum3A_202 : vector<128xf32> to vector<128x1xf32>
    %add3A_204 = arith.addf %add3A_132, %broadcast_in_dim3A_203 : vector<128x1xf32>
    %get3A_205 = arith.constant 3 : index
    %get3A_206 = arith.constant 0 : index
    %get3A_207 = arith.constant 0 : index
    %get3A_208 = vector.load %arg0[%get3A_205, %get3A_206, %get3A_207] : memref<8x67x2048xf32, #tpu.memory_space<vmem>>, vector<1x67x2048xf32>
    %get3A_209 = vector.shape_cast %get3A_208 : vector<1x67x2048xf32> to vector<67x2048xf32>
    %get3A_210 = arith.constant 3 : index
    %get3A_211 = arith.constant 0 : index
    %get3A_212 = arith.constant 0 : index
    %get3A_213 = vector.load %arg1[%get3A_210, %get3A_211, %get3A_212] : memref<8x512x128xf32, #tpu.memory_space<vmem>>, vector<1x512x128xf32>
    %get3A_214 = vector.shape_cast %get3A_213 : vector<1x512x128xf32> to vector<512x128xf32>
    %slice3A_215 = vector.extract_strided_slice %get3A_214 {offsets = [0, 0], sizes = [512, 67], strides = [1, 1]} : vector<512x128xf32> to vector<512x67xf32>
    %get3A_216 = arith.constant 0 : index
    %get3A_217 = arith.constant 0 : index
    %get3A_218 = vector.load %arg2[%get3A_216, %get3A_217] : memref<128x67xf32, #tpu.memory_space<vmem>>, vector<128x67xf32>
    %dot_general3A_219 = arith.constant dense<0.000000e+00> : vector<128x512xf32>
    %dot_general3A_220 = tpu.matmul %get3A_218, %slice3A_215, %dot_general3A_219 {dimension_numbers = #tpu.dot_dimension_numbers<[1], [1], [0], [0], [0, 0, 1, 0], [], []>, transpose_lhs_hint = false} : vector<128x67xf32>, vector<512x67xf32>, vector<128x512xf32> -> vector<128x512xf32>
    %get3A_221 = arith.constant 0 : index
    %get3A_222 = arith.constant 0 : index
    %get3A_223 = vector.load %arg3[%get3A_221, %get3A_222] : memref<128x67xf32, #tpu.memory_space<vmem>>, vector<128x67xf32>
    %dot_general3A_224 = arith.constant dense<0.000000e+00> : vector<128x2048xf32>
    %dot_general3A_225 = tpu.matmul %get3A_223, %get3A_209, %dot_general3A_224 {dimension_numbers = #tpu.dot_dimension_numbers<[1], [0], [0], [1], [0, 0, 1, 1], [], []>, transpose_lhs_hint = false} : vector<128x67xf32>, vector<67x2048xf32>, vector<128x2048xf32> -> vector<128x2048xf32>
    %get3A_226 = arith.constant 0 : index
    %get3A_227 = arith.constant 0 : index
    %get3A_228 = vector.load %arg4[%get3A_226, %get3A_227] : memref<128x67xf32, #tpu.memory_space<vmem>>, vector<128x67xf32>
    %dot_general3A_229 = arith.constant dense<0.000000e+00> : vector<128x2048xf32>
    %dot_general3A_230 = tpu.matmul %get3A_228, %get3A_209, %dot_general3A_229 {dimension_numbers = #tpu.dot_dimension_numbers<[1], [0], [0], [1], [0, 0, 1, 1], [], []>, transpose_lhs_hint = false} : vector<128x67xf32>, vector<67x2048xf32>, vector<128x2048xf32> -> vector<128x2048xf32>
    %dot_general3A_231 = arith.constant dense<0.000000e+00> : vector<512x2048xf32>
    %dot_general3A_232 = tpu.matmul %dot_general3A_220, %dot_general3A_225, %dot_general3A_231 {dimension_numbers = #tpu.dot_dimension_numbers<[0], [0], [1], [1], [0, 1, 1, 1], [], []>, transpose_lhs_hint = false} : vector<128x512xf32>, vector<128x2048xf32>, vector<512x2048xf32> -> vector<512x2048xf32>
    %mul3A_233 = arith.constant 0.0883883461 : f32
    %mul3A_234 = vector.broadcast %mul3A_233 : f32 to vector<512x2048xf32>
    %mul3A_235 = arith.mulf %dot_general3A_232, %mul3A_234 : vector<512x2048xf32>
    %reduce_max3A_236 = arith.constant dense<0xFF800000> : vector<512xf32>
    %reduce_max3A_237 = vector.multi_reduction <maximumf>, %mul3A_235, %reduce_max3A_236 [1] : vector<512x2048xf32> to vector<512xf32>
    %max3A_238 = arith.constant 0xFF800000 : f32
    %max3A_239 = vector.broadcast %max3A_238 : f32 to vector<512xf32>
    %max3A_240 = arith.maximumf %max3A_239, %reduce_max3A_237 : vector<512xf32>
    %broadcast_in_dim3A_241 = vector.shape_cast %max3A_240 : vector<512xf32> to vector<512x1xf32>
    %sub3A_242 = vector.broadcast %broadcast_in_dim3A_241 : vector<512x1xf32> to vector<512x2048xf32>
    %sub3A_243 = arith.subf %mul3A_235, %sub3A_242 : vector<512x2048xf32>
    %exp3A_244 = math.exp %sub3A_243 : vector<512x2048xf32>
    %reduce_sum3A_245 = arith.constant dense<0.000000e+00> : vector<512xf32>
    %reduce_sum3A_246 = vector.multi_reduction <add>, %exp3A_244, %reduce_sum3A_245 [1] : vector<512x2048xf32> to vector<512xf32>
    %broadcast_in_dim3A_247 = vector.shape_cast %reduce_sum3A_246 : vector<512xf32> to vector<512x1xf32>
    %div3A_248 = vector.broadcast %broadcast_in_dim3A_247 : vector<512x1xf32> to vector<512x2048xf32>
    %div3A_249 = arith.divf %exp3A_244, %div3A_248 : vector<512x2048xf32>
    %dot_general3A_250 = arith.constant dense<0.000000e+00> : vector<128x512xf32>
    %dot_general3A_251 = tpu.matmul %dot_general3A_230, %div3A_249, %dot_general3A_250 {dimension_numbers = #tpu.dot_dimension_numbers<[1], [1], [0], [0], [0, 0, 1, 0], [], []>, transpose_lhs_hint = false} : vector<128x2048xf32>, vector<512x2048xf32>, vector<128x512xf32> -> vector<128x512xf32>
    %get3A_252 = arith.constant 0 : index
    %get3A_253 = arith.constant 0 : index
    %get3A_254 = vector.load %arg5[%get3A_252, %get3A_253] : memref<128x128xf32, #tpu.memory_space<vmem>>, vector<128x128xf32>
    %dot_general3A_255 = arith.constant dense<0.000000e+00> : vector<128x512xf32>
    %dot_general3A_256 = tpu.matmul %get3A_254, %dot_general3A_251, %dot_general3A_255 {dimension_numbers = #tpu.dot_dimension_numbers<[1], [0], [0], [1], [0, 0, 1, 1], [], []>, transpose_lhs_hint = false} : vector<128x128xf32>, vector<128x512xf32>, vector<128x512xf32> -> vector<128x512xf32>
    %get3A_257 = arith.constant 0 : index
    %get3A_258 = arith.constant 0 : index
    %get3A_259 = vector.load %arg6[%get3A_257, %get3A_258] : memref<128x128xf32, #tpu.memory_space<vmem>>, vector<128x128xf32>
    %dot_general3A_260 = arith.constant dense<0.000000e+00> : vector<128x512xf32>
    %dot_general3A_261 = tpu.matmul %get3A_259, %dot_general3A_256, %dot_general3A_260 {dimension_numbers = #tpu.dot_dimension_numbers<[1], [0], [0], [1], [0, 0, 1, 1], [], []>, transpose_lhs_hint = false} : vector<128x128xf32>, vector<128x512xf32>, vector<128x512xf32> -> vector<128x512xf32>
    %get3A_262 = arith.constant 0 : index
    %get3A_263 = arith.constant 0 : index
    %get3A_264 = vector.load %arg7[%get3A_262, %get3A_263] : memref<128x1xf32, #tpu.memory_space<vmem>>, vector<128x1xf32>
    %add3A_265 = vector.broadcast %get3A_264 : vector<128x1xf32> to vector<128x512xf32>
    %add3A_266 = arith.addf %dot_general3A_261, %add3A_265 : vector<128x512xf32>
    %swap3A_267 = arith.constant 3 : index
    %swap3A_268 = arith.constant 0 : index
    %swap3A_269 = arith.constant 0 : index
    %swap3A_270 = vector.load %arg13[%swap3A_267, %swap3A_268, %swap3A_269] : memref<8x128x512xf32, #tpu.memory_space<vmem>>, vector<1x128x512xf32>
    %swap3A_271 = vector.shape_cast %swap3A_270 : vector<1x128x512xf32> to vector<128x512xf32>
    %swap3A_272 = vector.shape_cast %add3A_266 : vector<128x512xf32> to vector<1x128x512xf32>
    tpu.vector_store %arg13[%swap3A_267, %swap3A_268, %swap3A_269], %swap3A_272 {strides = array<i32>} : memref<8x128x512xf32, #tpu.memory_space<vmem>>, vector<1x128x512xf32>,
    %reduce_sum3A_273 = arith.constant dense<0.000000e+00> : vector<128xf32>
    %reduce_sum3A_274 = vector.multi_reduction <add>, %add3A_266, %reduce_sum3A_273 [1] : vector<128x512xf32> to vector<128xf32>
    %broadcast_in_dim3A_275 = vector.shape_cast %reduce_sum3A_274 : vector<128xf32> to vector<128x1xf32>
    %add3A_276 = arith.addf %add3A_204, %broadcast_in_dim3A_275 : vector<128x1xf32>
    %get3A_277 = arith.constant 4 : index
    %get3A_278 = arith.constant 0 : index
    %get3A_279 = arith.constant 0 : index
    %get3A_280 = vector.load %arg0[%get3A_277, %get3A_278, %get3A_279] : memref<8x67x2048xf32, #tpu.memory_space<vmem>>, vector<1x67x2048xf32>
    %get3A_281 = vector.shape_cast %get3A_280 : vector<1x67x2048xf32> to vector<67x2048xf32>
    %get3A_282 = arith.constant 4 : index
    %get3A_283 = arith.constant 0 : index
    %get3A_284 = arith.constant 0 : index
    %get3A_285 = vector.load %arg1[%get3A_282, %get3A_283, %get3A_284] : memref<8x512x128xf32, #tpu.memory_space<vmem>>, vector<1x512x128xf32>
    %get3A_286 = vector.shape_cast %get3A_285 : vector<1x512x128xf32> to vector<512x128xf32>
    %slice3A_287 = vector.extract_strided_slice %get3A_286 {offsets = [0, 0], sizes = [512, 67], strides = [1, 1]} : vector<512x128xf32> to vector<512x67xf32>
    %get3A_288 = arith.constant 0 : index
    %get3A_289 = arith.constant 0 : index
    %get3A_290 = vector.load %arg2[%get3A_288, %get3A_289] : memref<128x67xf32, #tpu.memory_space<vmem>>, vector<128x67xf32>
    %dot_general3A_291 = arith.constant dense<0.000000e+00> : vector<128x512xf32>
    %dot_general3A_292 = tpu.matmul %get3A_290, %slice3A_287, %dot_general3A_291 {dimension_numbers = #tpu.dot_dimension_numbers<[1], [1], [0], [0], [0, 0, 1, 0], [], []>, transpose_lhs_hint = false} : vector<128x67xf32>, vector<512x67xf32>, vector<128x512xf32> -> vector<128x512xf32>
    %get3A_293 = arith.constant 0 : index
    %get3A_294 = arith.constant 0 : index
    %get3A_295 = vector.load %arg3[%get3A_293, %get3A_294] : memref<128x67xf32, #tpu.memory_space<vmem>>, vector<128x67xf32>
    %dot_general3A_296 = arith.constant dense<0.000000e+00> : vector<128x2048xf32>
    %dot_general3A_297 = tpu.matmul %get3A_295, %get3A_281, %dot_general3A_296 {dimension_numbers = #tpu.dot_dimension_numbers<[1], [0], [0], [1], [0, 0, 1, 1], [], []>, transpose_lhs_hint = false} : vector<128x67xf32>, vector<67x2048xf32>, vector<128x2048xf32> -> vector<128x2048xf32>
    %get3A_298 = arith.constant 0 : index
    %get3A_299 = arith.constant 0 : index
    %get3A_300 = vector.load %arg4[%get3A_298, %get3A_299] : memref<128x67xf32, #tpu.memory_space<vmem>>, vector<128x67xf32>
    %dot_general3A_301 = arith.constant dense<0.000000e+00> : vector<128x2048xf32>
    %dot_general3A_302 = tpu.matmul %get3A_300, %get3A_281, %dot_general3A_301 {dimension_numbers = #tpu.dot_dimension_numbers<[1], [0], [0], [1], [0, 0, 1, 1], [], []>, transpose_lhs_hint = false} : vector<128x67xf32>, vector<67x2048xf32>, vector<128x2048xf32> -> vector<128x2048xf32>
    %dot_general3A_303 = arith.constant dense<0.000000e+00> : vector<512x2048xf32>
    %dot_general3A_304 = tpu.matmul %dot_general3A_292, %dot_general3A_297, %dot_general3A_303 {dimension_numbers = #tpu.dot_dimension_numbers<[0], [0], [1], [1], [0, 1, 1, 1], [], []>, transpose_lhs_hint = false} : vector<128x512xf32>, vector<128x2048xf32>, vector<512x2048xf32> -> vector<512x2048xf32>
    %mul3A_305 = arith.constant 0.0883883461 : f32
    %mul3A_306 = vector.broadcast %mul3A_305 : f32 to vector<512x2048xf32>
    %mul3A_307 = arith.mulf %dot_general3A_304, %mul3A_306 : vector<512x2048xf32>
    %reduce_max3A_308 = arith.constant dense<0xFF800000> : vector<512xf32>
    %reduce_max3A_309 = vector.multi_reduction <maximumf>, %mul3A_307, %reduce_max3A_308 [1] : vector<512x2048xf32> to vector<512xf32>
    %max3A_310 = arith.constant 0xFF800000 : f32
    %max3A_311 = vector.broadcast %max3A_310 : f32 to vector<512xf32>
    %max3A_312 = arith.maximumf %max3A_311, %reduce_max3A_309 : vector<512xf32>
    %broadcast_in_dim3A_313 = vector.shape_cast %max3A_312 : vector<512xf32> to vector<512x1xf32>
    %sub3A_314 = vector.broadcast %broadcast_in_dim3A_313 : vector<512x1xf32> to vector<512x2048xf32>
    %sub3A_315 = arith.subf %mul3A_307, %sub3A_314 : vector<512x2048xf32>
    %exp3A_316 = math.exp %sub3A_315 : vector<512x2048xf32>
    %reduce_sum3A_317 = arith.constant dense<0.000000e+00> : vector<512xf32>
    %reduce_sum3A_318 = vector.multi_reduction <add>, %exp3A_316, %reduce_sum3A_317 [1] : vector<512x2048xf32> to vector<512xf32>
    %broadcast_in_dim3A_319 = vector.shape_cast %reduce_sum3A_318 : vector<512xf32> to vector<512x1xf32>
    %div3A_320 = vector.broadcast %broadcast_in_dim3A_319 : vector<512x1xf32> to vector<512x2048xf32>
    %div3A_321 = arith.divf %exp3A_316, %div3A_320 : vector<512x2048xf32>
    %dot_general3A_322 = arith.constant dense<0.000000e+00> : vector<128x512xf32>
    %dot_general3A_323 = tpu.matmul %dot_general3A_302, %div3A_321, %dot_general3A_322 {dimension_numbers = #tpu.dot_dimension_numbers<[1], [1], [0], [0], [0, 0, 1, 0], [], []>, transpose_lhs_hint = false} : vector<128x2048xf32>, vector<512x2048xf32>, vector<128x512xf32> -> vector<128x512xf32>
    %get3A_324 = arith.constant 0 : index
    %get3A_325 = arith.constant 0 : index
    %get3A_326 = vector.load %arg5[%get3A_324, %get3A_325] : memref<128x128xf32, #tpu.memory_space<vmem>>, vector<128x128xf32>
    %dot_general3A_327 = arith.constant dense<0.000000e+00> : vector<128x512xf32>
    %dot_general3A_328 = tpu.matmul %get3A_326, %dot_general3A_323, %dot_general3A_327 {dimension_numbers = #tpu.dot_dimension_numbers<[1], [0], [0], [1], [0, 0, 1, 1], [], []>, transpose_lhs_hint = false} : vector<128x128xf32>, vector<128x512xf32>, vector<128x512xf32> -> vector<128x512xf32>
    %get3A_329 = arith.constant 0 : index
    %get3A_330 = arith.constant 0 : index
    %get3A_331 = vector.load %arg6[%get3A_329, %get3A_330] : memref<128x128xf32, #tpu.memory_space<vmem>>, vector<128x128xf32>
    %dot_general3A_332 = arith.constant dense<0.000000e+00> : vector<128x512xf32>
    %dot_general3A_333 = tpu.matmul %get3A_331, %dot_general3A_328, %dot_general3A_332 {dimension_numbers = #tpu.dot_dimension_numbers<[1], [0], [0], [1], [0, 0, 1, 1], [], []>, transpose_lhs_hint = false} : vector<128x128xf32>, vector<128x512xf32>, vector<128x512xf32> -> vector<128x512xf32>
    %get3A_334 = arith.constant 0 : index
    %get3A_335 = arith.constant 0 : index
    %get3A_336 = vector.load %arg7[%get3A_334, %get3A_335] : memref<128x1xf32, #tpu.memory_space<vmem>>, vector<128x1xf32>
    %add3A_337 = vector.broadcast %get3A_336 : vector<128x1xf32> to vector<128x512xf32>
    %add3A_338 = arith.addf %dot_general3A_333, %add3A_337 : vector<128x512xf32>
    %swap3A_339 = arith.constant 4 : index
    %swap3A_340 = arith.constant 0 : index
    %swap3A_341 = arith.constant 0 : index
    %swap3A_342 = vector.load %arg13[%swap3A_339, %swap3A_340, %swap3A_341] : memref<8x128x512xf32, #tpu.memory_space<vmem>>, vector<1x128x512xf32>
    %swap3A_343 = vector.shape_cast %swap3A_342 : vector<1x128x512xf32> to vector<128x512xf32>
    %swap3A_344 = vector.shape_cast %add3A_338 : vector<128x512xf32> to vector<1x128x512xf32>
    tpu.vector_store %arg13[%swap3A_339, %swap3A_340, %swap3A_341], %swap3A_344 {strides = array<i32>} : memref<8x128x512xf32, #tpu.memory_space<vmem>>, vector<1x128x512xf32>,
    %reduce_sum3A_345 = arith.constant dense<0.000000e+00> : vector<128xf32>
    %reduce_sum3A_346 = vector.multi_reduction <add>, %add3A_338, %reduce_sum3A_345 [1] : vector<128x512xf32> to vector<128xf32>
    %broadcast_in_dim3A_347 = vector.shape_cast %reduce_sum3A_346 : vector<128xf32> to vector<128x1xf32>
    %add3A_348 = arith.addf %add3A_276, %broadcast_in_dim3A_347 : vector<128x1xf32>
    %get3A_349 = arith.constant 5 : index
    %get3A_350 = arith.constant 0 : index
    %get3A_351 = arith.constant 0 : index
    %get3A_352 = vector.load %arg0[%get3A_349, %get3A_350, %get3A_351] : memref<8x67x2048xf32, #tpu.memory_space<vmem>>, vector<1x67x2048xf32>
    %get3A_353 = vector.shape_cast %get3A_352 : vector<1x67x2048xf32> to vector<67x2048xf32>
    %get3A_354 = arith.constant 5 : index
    %get3A_355 = arith.constant 0 : index
    %get3A_356 = arith.constant 0 : index
    %get3A_357 = vector.load %arg1[%get3A_354, %get3A_355, %get3A_356] : memref<8x512x128xf32, #tpu.memory_space<vmem>>, vector<1x512x128xf32>
    %get3A_358 = vector.shape_cast %get3A_357 : vector<1x512x128xf32> to vector<512x128xf32>
    %slice3A_359 = vector.extract_strided_slice %get3A_358 {offsets = [0, 0], sizes = [512, 67], strides = [1, 1]} : vector<512x128xf32> to vector<512x67xf32>
    %get3A_360 = arith.constant 0 : index
    %get3A_361 = arith.constant 0 : index
    %get3A_362 = vector.load %arg2[%get3A_360, %get3A_361] : memref<128x67xf32, #tpu.memory_space<vmem>>, vector<128x67xf32>
    %dot_general3A_363 = arith.constant dense<0.000000e+00> : vector<128x512xf32>
    %dot_general3A_364 = tpu.matmul %get3A_362, %slice3A_359, %dot_general3A_363 {dimension_numbers = #tpu.dot_dimension_numbers<[1], [1], [0], [0], [0, 0, 1, 0], [], []>, transpose_lhs_hint = false} : vector<128x67xf32>, vector<512x67xf32>, vector<128x512xf32> -> vector<128x512xf32>
    %get3A_365 = arith.constant 0 : index
    %get3A_366 = arith.constant 0 : index
    %get3A_367 = vector.load %arg3[%get3A_365, %get3A_366] : memref<128x67xf32, #tpu.memory_space<vmem>>, vector<128x67xf32>
    %dot_general3A_368 = arith.constant dense<0.000000e+00> : vector<128x2048xf32>
    %dot_general3A_369 = tpu.matmul %get3A_367, %get3A_353, %dot_general3A_368 {dimension_numbers = #tpu.dot_dimension_numbers<[1], [0], [0], [1], [0, 0, 1, 1], [], []>, transpose_lhs_hint = false} : vector<128x67xf32>, vector<67x2048xf32>, vector<128x2048xf32> -> vector<128x2048xf32>
    %get3A_370 = arith.constant 0 : index
    %get3A_371 = arith.constant 0 : index
    %get3A_372 = vector.load %arg4[%get3A_370, %get3A_371] : memref<128x67xf32, #tpu.memory_space<vmem>>, vector<128x67xf32>
    %dot_general3A_373 = arith.constant dense<0.000000e+00> : vector<128x2048xf32>
    %dot_general3A_374 = tpu.matmul %get3A_372, %get3A_353, %dot_general3A_373 {dimension_numbers = #tpu.dot_dimension_numbers<[1], [0], [0], [1], [0, 0, 1, 1], [], []>, transpose_lhs_hint = false} : vector<128x67xf32>, vector<67x2048xf32>, vector<128x2048xf32> -> vector<128x2048xf32>
    %dot_general3A_375 = arith.constant dense<0.000000e+00> : vector<512x2048xf32>
    %dot_general3A_376 = tpu.matmul %dot_general3A_364, %dot_general3A_369, %dot_general3A_375 {dimension_numbers = #tpu.dot_dimension_numbers<[0], [0], [1], [1], [0, 1, 1, 1], [], []>, transpose_lhs_hint = false} : vector<128x512xf32>, vector<128x2048xf32>, vector<512x2048xf32> -> vector<512x2048xf32>
    %mul3A_377 = arith.constant 0.0883883461 : f32
    %mul3A_378 = vector.broadcast %mul3A_377 : f32 to vector<512x2048xf32>
    %mul3A_379 = arith.mulf %dot_general3A_376, %mul3A_378 : vector<512x2048xf32>
    %reduce_max3A_380 = arith.constant dense<0xFF800000> : vector<512xf32>
    %reduce_max3A_381 = vector.multi_reduction <maximumf>, %mul3A_379, %reduce_max3A_380 [1] : vector<512x2048xf32> to vector<512xf32>
    %max3A_382 = arith.constant 0xFF800000 : f32
    %max3A_383 = vector.broadcast %max3A_382 : f32 to vector<512xf32>
    %max3A_384 = arith.maximumf %max3A_383, %reduce_max3A_381 : vector<512xf32>
    %broadcast_in_dim3A_385 = vector.shape_cast %max3A_384 : vector<512xf32> to vector<512x1xf32>
    %sub3A_386 = vector.broadcast %broadcast_in_dim3A_385 : vector<512x1xf32> to vector<512x2048xf32>
    %sub3A_387 = arith.subf %mul3A_379, %sub3A_386 : vector<512x2048xf32>
    %exp3A_388 = math.exp %sub3A_387 : vector<512x2048xf32>
    %reduce_sum3A_389 = arith.constant dense<0.000000e+00> : vector<512xf32>
    %reduce_sum3A_390 = vector.multi_reduction <add>, %exp3A_388, %reduce_sum3A_389 [1] : vector<512x2048xf32> to vector<512xf32>
    %broadcast_in_dim3A_391 = vector.shape_cast %reduce_sum3A_390 : vector<512xf32> to vector<512x1xf32>
    %div3A_392 = vector.broadcast %broadcast_in_dim3A_391 : vector<512x1xf32> to vector<512x2048xf32>
    %div3A_393 = arith.divf %exp3A_388, %div3A_392 : vector<512x2048xf32>
    %dot_general3A_394 = arith.constant dense<0.000000e+00> : vector<128x512xf32>
    %dot_general3A_395 = tpu.matmul %dot_general3A_374, %div3A_393, %dot_general3A_394 {dimension_numbers = #tpu.dot_dimension_numbers<[1], [1], [0], [0], [0, 0, 1, 0], [], []>, transpose_lhs_hint = false} : vector<128x2048xf32>, vector<512x2048xf32>, vector<128x512xf32> -> vector<128x512xf32>
    %get3A_396 = arith.constant 0 : index
    %get3A_397 = arith.constant 0 : index
    %get3A_398 = vector.load %arg5[%get3A_396, %get3A_397] : memref<128x128xf32, #tpu.memory_space<vmem>>, vector<128x128xf32>
    %dot_general3A_399 = arith.constant dense<0.000000e+00> : vector<128x512xf32>
    %dot_general3A_400 = tpu.matmul %get3A_398, %dot_general3A_395, %dot_general3A_399 {dimension_numbers = #tpu.dot_dimension_numbers<[1], [0], [0], [1], [0, 0, 1, 1], [], []>, transpose_lhs_hint = false} : vector<128x128xf32>, vector<128x512xf32>, vector<128x512xf32> -> vector<128x512xf32>
    %get3A_401 = arith.constant 0 : index
    %get3A_402 = arith.constant 0 : index
    %get3A_403 = vector.load %arg6[%get3A_401, %get3A_402] : memref<128x128xf32, #tpu.memory_space<vmem>>, vector<128x128xf32>
    %dot_general3A_404 = arith.constant dense<0.000000e+00> : vector<128x512xf32>
    %dot_general3A_405 = tpu.matmul %get3A_403, %dot_general3A_400, %dot_general3A_404 {dimension_numbers = #tpu.dot_dimension_numbers<[1], [0], [0], [1], [0, 0, 1, 1], [], []>, transpose_lhs_hint = false} : vector<128x128xf32>, vector<128x512xf32>, vector<128x512xf32> -> vector<128x512xf32>
    %get3A_406 = arith.constant 0 : index
    %get3A_407 = arith.constant 0 : index
    %get3A_408 = vector.load %arg7[%get3A_406, %get3A_407] : memref<128x1xf32, #tpu.memory_space<vmem>>, vector<128x1xf32>
    %add3A_409 = vector.broadcast %get3A_408 : vector<128x1xf32> to vector<128x512xf32>
    %add3A_410 = arith.addf %dot_general3A_405, %add3A_409 : vector<128x512xf32>
    %swap3A_411 = arith.constant 5 : index
    %swap3A_412 = arith.constant 0 : index
    %swap3A_413 = arith.constant 0 : index
    %swap3A_414 = vector.load %arg13[%swap3A_411, %swap3A_412, %swap3A_413] : memref<8x128x512xf32, #tpu.memory_space<vmem>>, vector<1x128x512xf32>
    %swap3A_415 = vector.shape_cast %swap3A_414 : vector<1x128x512xf32> to vector<128x512xf32>
    %swap3A_416 = vector.shape_cast %add3A_410 : vector<128x512xf32> to vector<1x128x512xf32>
    tpu.vector_store %arg13[%swap3A_411, %swap3A_412, %swap3A_413], %swap3A_416 {strides = array<i32>} : memref<8x128x512xf32, #tpu.memory_space<vmem>>, vector<1x128x512xf32>,
    %reduce_sum3A_417 = arith.constant dense<0.000000e+00> : vector<128xf32>
    %reduce_sum3A_418 = vector.multi_reduction <add>, %add3A_410, %reduce_sum3A_417 [1] : vector<128x512xf32> to vector<128xf32>
    %broadcast_in_dim3A_419 = vector.shape_cast %reduce_sum3A_418 : vector<128xf32> to vector<128x1xf32>
    %add3A_420 = arith.addf %add3A_348, %broadcast_in_dim3A_419 : vector<128x1xf32>
    %get3A_421 = arith.constant 6 : index
    %get3A_422 = arith.constant 0 : index
    %get3A_423 = arith.constant 0 : index
    %get3A_424 = vector.load %arg0[%get3A_421, %get3A_422, %get3A_423] : memref<8x67x2048xf32, #tpu.memory_space<vmem>>, vector<1x67x2048xf32>
    %get3A_425 = vector.shape_cast %get3A_424 : vector<1x67x2048xf32> to vector<67x2048xf32>
    %get3A_426 = arith.constant 6 : index
    %get3A_427 = arith.constant 0 : index
    %get3A_428 = arith.constant 0 : index
    %get3A_429 = vector.load %arg1[%get3A_426, %get3A_427, %get3A_428] : memref<8x512x128xf32, #tpu.memory_space<vmem>>, vector<1x512x128xf32>
    %get3A_430 = vector.shape_cast %get3A_429 : vector<1x512x128xf32> to vector<512x128xf32>
    %slice3A_431 = vector.extract_strided_slice %get3A_430 {offsets = [0, 0], sizes = [512, 67], strides = [1, 1]} : vector<512x128xf32> to vector<512x67xf32>
    %get3A_432 = arith.constant 0 : index
    %get3A_433 = arith.constant 0 : index
    %get3A_434 = vector.load %arg2[%get3A_432, %get3A_433] : memref<128x67xf32, #tpu.memory_space<vmem>>, vector<128x67xf32>
    %dot_general3A_435 = arith.constant dense<0.000000e+00> : vector<128x512xf32>
    %dot_general3A_436 = tpu.matmul %get3A_434, %slice3A_431, %dot_general3A_435 {dimension_numbers = #tpu.dot_dimension_numbers<[1], [1], [0], [0], [0, 0, 1, 0], [], []>, transpose_lhs_hint = false} : vector<128x67xf32>, vector<512x67xf32>, vector<128x512xf32> -> vector<128x512xf32>
    %get3A_437 = arith.constant 0 : index
    %get3A_438 = arith.constant 0 : index
    %get3A_439 = vector.load %arg3[%get3A_437, %get3A_438] : memref<128x67xf32, #tpu.memory_space<vmem>>, vector<128x67xf32>
    %dot_general3A_440 = arith.constant dense<0.000000e+00> : vector<128x2048xf32>
    %dot_general3A_441 = tpu.matmul %get3A_439, %get3A_425, %dot_general3A_440 {dimension_numbers = #tpu.dot_dimension_numbers<[1], [0], [0], [1], [0, 0, 1, 1], [], []>, transpose_lhs_hint = false} : vector<128x67xf32>, vector<67x2048xf32>, vector<128x2048xf32> -> vector<128x2048xf32>
    %get3A_442 = arith.constant 0 : index
    %get3A_443 = arith.constant 0 : index
    %get3A_444 = vector.load %arg4[%get3A_442, %get3A_443] : memref<128x67xf32, #tpu.memory_space<vmem>>, vector<128x67xf32>
    %dot_general3A_445 = arith.constant dense<0.000000e+00> : vector<128x2048xf32>
    %dot_general3A_446 = tpu.matmul %get3A_444, %get3A_425, %dot_general3A_445 {dimension_numbers = #tpu.dot_dimension_numbers<[1], [0], [0], [1], [0, 0, 1, 1], [], []>, transpose_lhs_hint = false} : vector<128x67xf32>, vector<67x2048xf32>, vector<128x2048xf32> -> vector<128x2048xf32>
    %dot_general3A_447 = arith.constant dense<0.000000e+00> : vector<512x2048xf32>
    %dot_general3A_448 = tpu.matmul %dot_general3A_436, %dot_general3A_441, %dot_general3A_447 {dimension_numbers = #tpu.dot_dimension_numbers<[0], [0], [1], [1], [0, 1, 1, 1], [], []>, transpose_lhs_hint = false} : vector<128x512xf32>, vector<128x2048xf32>, vector<512x2048xf32> -> vector<512x2048xf32>
    %mul3A_449 = arith.constant 0.0883883461 : f32
    %mul3A_450 = vector.broadcast %mul3A_449 : f32 to vector<512x2048xf32>
    %mul3A_451 = arith.mulf %dot_general3A_448, %mul3A_450 : vector<512x2048xf32>
    %reduce_max3A_452 = arith.constant dense<0xFF800000> : vector<512xf32>
    %reduce_max3A_453 = vector.multi_reduction <maximumf>, %mul3A_451, %reduce_max3A_452 [1] : vector<512x2048xf32> to vector<512xf32>
    %max3A_454 = arith.constant 0xFF800000 : f32
    %max3A_455 = vector.broadcast %max3A_454 : f32 to vector<512xf32>
    %max3A_456 = arith.maximumf %max3A_455, %reduce_max3A_453 : vector<512xf32>
    %broadcast_in_dim3A_457 = vector.shape_cast %max3A_456 : vector<512xf32> to vector<512x1xf32>
    %sub3A_458 = vector.broadcast %broadcast_in_dim3A_457 : vector<512x1xf32> to vector<512x2048xf32>
    %sub3A_459 = arith.subf %mul3A_451, %sub3A_458 : vector<512x2048xf32>
    %exp3A_460 = math.exp %sub3A_459 : vector<512x2048xf32>
    %reduce_sum3A_461 = arith.constant dense<0.000000e+00> : vector<512xf32>
    %reduce_sum3A_462 = vector.multi_reduction <add>, %exp3A_460, %reduce_sum3A_461 [1] : vector<512x2048xf32> to vector<512xf32>
    %broadcast_in_dim3A_463 = vector.shape_cast %reduce_sum3A_462 : vector<512xf32> to vector<512x1xf32>
    %div3A_464 = vector.broadcast %broadcast_in_dim3A_463 : vector<512x1xf32> to vector<512x2048xf32>
    %div3A_465 = arith.divf %exp3A_460, %div3A_464 : vector<512x2048xf32>
    %dot_general3A_466 = arith.constant dense<0.000000e+00> : vector<128x512xf32>
    %dot_general3A_467 = tpu.matmul %dot_general3A_446, %div3A_465, %dot_general3A_466 {dimension_numbers = #tpu.dot_dimension_numbers<[1], [1], [0], [0], [0, 0, 1, 0], [], []>, transpose_lhs_hint = false} : vector<128x2048xf32>, vector<512x2048xf32>, vector<128x512xf32> -> vector<128x512xf32>
    %get3A_468 = arith.constant 0 : index
    %get3A_469 = arith.constant 0 : index
    %get3A_470 = vector.load %arg5[%get3A_468, %get3A_469] : memref<128x128xf32, #tpu.memory_space<vmem>>, vector<128x128xf32>
    %dot_general3A_471 = arith.constant dense<0.000000e+00> : vector<128x512xf32>
    %dot_general3A_472 = tpu.matmul %get3A_470, %dot_general3A_467, %dot_general3A_471 {dimension_numbers = #tpu.dot_dimension_numbers<[1], [0], [0], [1], [0, 0, 1, 1], [], []>, transpose_lhs_hint = false} : vector<128x128xf32>, vector<128x512xf32>, vector<128x512xf32> -> vector<128x512xf32>
    %get3A_473 = arith.constant 0 : index
    %get3A_474 = arith.constant 0 : index
    %get3A_475 = vector.load %arg6[%get3A_473, %get3A_474] : memref<128x128xf32, #tpu.memory_space<vmem>>, vector<128x128xf32>
    %dot_general3A_476 = arith.constant dense<0.000000e+00> : vector<128x512xf32>
    %dot_general3A_477 = tpu.matmul %get3A_475, %dot_general3A_472, %dot_general3A_476 {dimension_numbers = #tpu.dot_dimension_numbers<[1], [0], [0], [1], [0, 0, 1, 1], [], []>, transpose_lhs_hint = false} : vector<128x128xf32>, vector<128x512xf32>, vector<128x512xf32> -> vector<128x512xf32>
    %get3A_478 = arith.constant 0 : index
    %get3A_479 = arith.constant 0 : index
    %get3A_480 = vector.load %arg7[%get3A_478, %get3A_479] : memref<128x1xf32, #tpu.memory_space<vmem>>, vector<128x1xf32>
    %add3A_481 = vector.broadcast %get3A_480 : vector<128x1xf32> to vector<128x512xf32>
    %add3A_482 = arith.addf %dot_general3A_477, %add3A_481 : vector<128x512xf32>
    %swap3A_483 = arith.constant 6 : index
    %swap3A_484 = arith.constant 0 : index
    %swap3A_485 = arith.constant 0 : index
    %swap3A_486 = vector.load %arg13[%swap3A_483, %swap3A_484, %swap3A_485] : memref<8x128x512xf32, #tpu.memory_space<vmem>>, vector<1x128x512xf32>
    %swap3A_487 = vector.shape_cast %swap3A_486 : vector<1x128x512xf32> to vector<128x512xf32>
    %swap3A_488 = vector.shape_cast %add3A_482 : vector<128x512xf32> to vector<1x128x512xf32>
    tpu.vector_store %arg13[%swap3A_483, %swap3A_484, %swap3A_485], %swap3A_488 {strides = array<i32>} : memref<8x128x512xf32, #tpu.memory_space<vmem>>, vector<1x128x512xf32>,
    %reduce_sum3A_489 = arith.constant dense<0.000000e+00> : vector<128xf32>
    %reduce_sum3A_490 = vector.multi_reduction <add>, %add3A_482, %reduce_sum3A_489 [1] : vector<128x512xf32> to vector<128xf32>
    %broadcast_in_dim3A_491 = vector.shape_cast %reduce_sum3A_490 : vector<128xf32> to vector<128x1xf32>
    %add3A_492 = arith.addf %add3A_420, %broadcast_in_dim3A_491 : vector<128x1xf32>
    %get3A_493 = arith.constant 7 : index
    %get3A_494 = arith.constant 0 : index
    %get3A_495 = arith.constant 0 : index
    %get3A_496 = vector.load %arg0[%get3A_493, %get3A_494, %get3A_495] : memref<8x67x2048xf32, #tpu.memory_space<vmem>>, vector<1x67x2048xf32>
    %get3A_497 = vector.shape_cast %get3A_496 : vector<1x67x2048xf32> to vector<67x2048xf32>
    %get3A_498 = arith.constant 7 : index
    %get3A_499 = arith.constant 0 : index
    %get3A_500 = arith.constant 0 : index
    %get3A_501 = vector.load %arg1[%get3A_498, %get3A_499, %get3A_500] : memref<8x512x128xf32, #tpu.memory_space<vmem>>, vector<1x512x128xf32>
    %get3A_502 = vector.shape_cast %get3A_501 : vector<1x512x128xf32> to vector<512x128xf32>
    %slice3A_503 = vector.extract_strided_slice %get3A_502 {offsets = [0, 0], sizes = [512, 67], strides = [1, 1]} : vector<512x128xf32> to vector<512x67xf32>
    %get3A_504 = arith.constant 0 : index
    %get3A_505 = arith.constant 0 : index
    %get3A_506 = vector.load %arg2[%get3A_504, %get3A_505] : memref<128x67xf32, #tpu.memory_space<vmem>>, vector<128x67xf32>
    %dot_general3A_507 = arith.constant dense<0.000000e+00> : vector<128x512xf32>
    %dot_general3A_508 = tpu.matmul %get3A_506, %slice3A_503, %dot_general3A_507 {dimension_numbers = #tpu.dot_dimension_numbers<[1], [1], [0], [0], [0, 0, 1, 0], [], []>, transpose_lhs_hint = false} : vector<128x67xf32>, vector<512x67xf32>, vector<128x512xf32> -> vector<128x512xf32>
    %get3A_509 = arith.constant 0 : index
    %get3A_510 = arith.constant 0 : index
    %get3A_511 = vector.load %arg3[%get3A_509, %get3A_510] : memref<128x67xf32, #tpu.memory_space<vmem>>, vector<128x67xf32>
    %dot_general3A_512 = arith.constant dense<0.000000e+00> : vector<128x2048xf32>
    %dot_general3A_513 = tpu.matmul %get3A_511, %get3A_497, %dot_general3A_512 {dimension_numbers = #tpu.dot_dimension_numbers<[1], [0], [0], [1], [0, 0, 1, 1], [], []>, transpose_lhs_hint = false} : vector<128x67xf32>, vector<67x2048xf32>, vector<128x2048xf32> -> vector<128x2048xf32>
    %get3A_514 = arith.constant 0 : index
    %get3A_515 = arith.constant 0 : index
    %get3A_516 = vector.load %arg4[%get3A_514, %get3A_515] : memref<128x67xf32, #tpu.memory_space<vmem>>, vector<128x67xf32>
    %dot_general3A_517 = arith.constant dense<0.000000e+00> : vector<128x2048xf32>
    %dot_general3A_518 = tpu.matmul %get3A_516, %get3A_497, %dot_general3A_517 {dimension_numbers = #tpu.dot_dimension_numbers<[1], [0], [0], [1], [0, 0, 1, 1], [], []>, transpose_lhs_hint = false} : vector<128x67xf32>, vector<67x2048xf32>, vector<128x2048xf32> -> vector<128x2048xf32>
    %dot_general3A_519 = arith.constant dense<0.000000e+00> : vector<512x2048xf32>
    %dot_general3A_520 = tpu.matmul %dot_general3A_508, %dot_general3A_513, %dot_general3A_519 {dimension_numbers = #tpu.dot_dimension_numbers<[0], [0], [1], [1], [0, 1, 1, 1], [], []>, transpose_lhs_hint = false} : vector<128x512xf32>, vector<128x2048xf32>, vector<512x2048xf32> -> vector<512x2048xf32>
    %mul3A_521 = arith.constant 0.0883883461 : f32
    %mul3A_522 = vector.broadcast %mul3A_521 : f32 to vector<512x2048xf32>
    %mul3A_523 = arith.mulf %dot_general3A_520, %mul3A_522 : vector<512x2048xf32>
    %reduce_max3A_524 = arith.constant dense<0xFF800000> : vector<512xf32>
    %reduce_max3A_525 = vector.multi_reduction <maximumf>, %mul3A_523, %reduce_max3A_524 [1] : vector<512x2048xf32> to vector<512xf32>
    %max3A_526 = arith.constant 0xFF800000 : f32
    %max3A_527 = vector.broadcast %max3A_526 : f32 to vector<512xf32>
    %max3A_528 = arith.maximumf %max3A_527, %reduce_max3A_525 : vector<512xf32>
    %broadcast_in_dim3A_529 = vector.shape_cast %max3A_528 : vector<512xf32> to vector<512x1xf32>
    %sub3A_530 = vector.broadcast %broadcast_in_dim3A_529 : vector<512x1xf32> to vector<512x2048xf32>
    %sub3A_531 = arith.subf %mul3A_523, %sub3A_530 : vector<512x2048xf32>
    %exp3A_532 = math.exp %sub3A_531 : vector<512x2048xf32>
    %reduce_sum3A_533 = arith.constant dense<0.000000e+00> : vector<512xf32>
    %reduce_sum3A_534 = vector.multi_reduction <add>, %exp3A_532, %reduce_sum3A_533 [1] : vector<512x2048xf32> to vector<512xf32>
    %broadcast_in_dim3A_535 = vector.shape_cast %reduce_sum3A_534 : vector<512xf32> to vector<512x1xf32>
    %div3A_536 = vector.broadcast %broadcast_in_dim3A_535 : vector<512x1xf32> to vector<512x2048xf32>
    %div3A_537 = arith.divf %exp3A_532, %div3A_536 : vector<512x2048xf32>
    %dot_general3A_538 = arith.constant dense<0.000000e+00> : vector<128x512xf32>
    %dot_general3A_539 = tpu.matmul %dot_general3A_518, %div3A_537, %dot_general3A_538 {dimension_numbers = #tpu.dot_dimension_numbers<[1], [1], [0], [0], [0, 0, 1, 0], [], []>, transpose_lhs_hint = false} : vector<128x2048xf32>, vector<512x2048xf32>, vector<128x512xf32> -> vector<128x512xf32>
    %get3A_540 = arith.constant 0 : index
    %get3A_541 = arith.constant 0 : index
    %get3A_542 = vector.load %arg5[%get3A_540, %get3A_541] : memref<128x128xf32, #tpu.memory_space<vmem>>, vector<128x128xf32>
    %dot_general3A_543 = arith.constant dense<0.000000e+00> : vector<128x512xf32>
    %dot_general3A_544 = tpu.matmul %get3A_542, %dot_general3A_539, %dot_general3A_543 {dimension_numbers = #tpu.dot_dimension_numbers<[1], [0], [0], [1], [0, 0, 1, 1], [], []>, transpose_lhs_hint = false} : vector<128x128xf32>, vector<128x512xf32>, vector<128x512xf32> -> vector<128x512xf32>
    %get3A_545 = arith.constant 0 : index
    %get3A_546 = arith.constant 0 : index
    %get3A_547 = vector.load %arg6[%get3A_545, %get3A_546] : memref<128x128xf32, #tpu.memory_space<vmem>>, vector<128x128xf32>
    %dot_general3A_548 = arith.constant dense<0.000000e+00> : vector<128x512xf32>
    %dot_general3A_549 = tpu.matmul %get3A_547, %dot_general3A_544, %dot_general3A_548 {dimension_numbers = #tpu.dot_dimension_numbers<[1], [0], [0], [1], [0, 0, 1, 1], [], []>, transpose_lhs_hint = false} : vector<128x128xf32>, vector<128x512xf32>, vector<128x512xf32> -> vector<128x512xf32>
    %get3A_550 = arith.constant 0 : index
    %get3A_551 = arith.constant 0 : index
    %get3A_552 = vector.load %arg7[%get3A_550, %get3A_551] : memref<128x1xf32, #tpu.memory_space<vmem>>, vector<128x1xf32>
    %add3A_553 = vector.broadcast %get3A_552 : vector<128x1xf32> to vector<128x512xf32>
    %add3A_554 = arith.addf %dot_general3A_549, %add3A_553 : vector<128x512xf32>
    %swap3A_555 = arith.constant 7 : index
    %swap3A_556 = arith.constant 0 : index
    %swap3A_557 = arith.constant 0 : index
    %swap3A_558 = vector.load %arg13[%swap3A_555, %swap3A_556, %swap3A_557] : memref<8x128x512xf32, #tpu.memory_space<vmem>>, vector<1x128x512xf32>
    %swap3A_559 = vector.shape_cast %swap3A_558 : vector<1x128x512xf32> to vector<128x512xf32>
    %swap3A_560 = vector.shape_cast %add3A_554 : vector<128x512xf32> to vector<1x128x512xf32>
    tpu.vector_store %arg13[%swap3A_555, %swap3A_556, %swap3A_557], %swap3A_560 {strides = array<i32>} : memref<8x128x512xf32, #tpu.memory_space<vmem>>, vector<1x128x512xf32>,
    %reduce_sum3A_561 = arith.constant dense<0.000000e+00> : vector<128xf32>
    %reduce_sum3A_562 = vector.multi_reduction <add>, %add3A_554, %reduce_sum3A_561 [1] : vector<128x512xf32> to vector<128xf32>
    %broadcast_in_dim3A_563 = vector.shape_cast %reduce_sum3A_562 : vector<128xf32> to vector<128x1xf32>
    %add3A_564 = arith.addf %add3A_492, %broadcast_in_dim3A_563 : vector<128x1xf32>
    %mul3A_565 = arith.constant 2.44140625E-4 : f32
    %mul3A_566 = vector.broadcast %mul3A_565 : f32 to vector<128x1xf32>
    %mul3A_567 = arith.mulf %add3A_564, %mul3A_566 : vector<128x1xf32>
    %broadcast_in_dim3A_568 = arith.constant 0.000000e+00 : f32
    %broadcast_in_dim3A_569 = vector.broadcast %broadcast_in_dim3A_568 : f32 to vector<128x1xf32>
    %get3A_570 = arith.constant 0 : index
    %get3A_571 = arith.constant 0 : index
    %get3A_572 = arith.constant 0 : index
    %get3A_573 = vector.load %arg13[%get3A_570, %get3A_571, %get3A_572] : memref<8x128x512xf32, #tpu.memory_space<vmem>>, vector<1x128x512xf32>
    %get3A_574 = vector.shape_cast %get3A_573 : vector<1x128x512xf32> to vector<128x512xf32>
    %sub3A_575 = vector.broadcast %mul3A_567 : vector<128x1xf32> to vector<128x512xf32>
    %sub3A_576 = arith.subf %get3A_574, %sub3A_575 : vector<128x512xf32>
    %mul3A_577 = arith.mulf %sub3A_576, %sub3A_576 : vector<128x512xf32>
    %reduce_sum3A_578 = arith.constant dense<0.000000e+00> : vector<128xf32>
    %reduce_sum3A_579 = vector.multi_reduction <add>, %mul3A_577, %reduce_sum3A_578 [1] : vector<128x512xf32> to vector<128xf32>
    %broadcast_in_dim3A_580 = vector.shape_cast %reduce_sum3A_579 : vector<128xf32> to vector<128x1xf32>
    %add3A_581 = arith.addf %broadcast_in_dim3A_569, %broadcast_in_dim3A_580 : vector<128x1xf32>
    %get3A_582 = arith.constant 1 : index
    %get3A_583 = arith.constant 0 : index
    %get3A_584 = arith.constant 0 : index
    %get3A_585 = vector.load %arg13[%get3A_582, %get3A_583, %get3A_584] : memref<8x128x512xf32, #tpu.memory_space<vmem>>, vector<1x128x512xf32>
    %get3A_586 = vector.shape_cast %get3A_585 : vector<1x128x512xf32> to vector<128x512xf32>
    %sub3A_587 = vector.broadcast %mul3A_567 : vector<128x1xf32> to vector<128x512xf32>
    %sub3A_588 = arith.subf %get3A_586, %sub3A_587 : vector<128x512xf32>
    %mul3A_589 = arith.mulf %sub3A_588, %sub3A_588 : vector<128x512xf32>
    %reduce_sum3A_590 = arith.constant dense<0.000000e+00> : vector<128xf32>
    %reduce_sum3A_591 = vector.multi_reduction <add>, %mul3A_589, %reduce_sum3A_590 [1] : vector<128x512xf32> to vector<128xf32>
    %broadcast_in_dim3A_592 = vector.shape_cast %reduce_sum3A_591 : vector<128xf32> to vector<128x1xf32>
    %add3A_593 = arith.addf %add3A_581, %broadcast_in_dim3A_592 : vector<128x1xf32>
    %get3A_594 = arith.constant 2 : index
    %get3A_595 = arith.constant 0 : index
    %get3A_596 = arith.constant 0 : index
    %get3A_597 = vector.load %arg13[%get3A_594, %get3A_595, %get3A_596] : memref<8x128x512xf32, #tpu.memory_space<vmem>>, vector<1x128x512xf32>
    %get3A_598 = vector.shape_cast %get3A_597 : vector<1x128x512xf32> to vector<128x512xf32>
    %sub3A_599 = vector.broadcast %mul3A_567 : vector<128x1xf32> to vector<128x512xf32>
    %sub3A_600 = arith.subf %get3A_598, %sub3A_599 : vector<128x512xf32>
    %mul3A_601 = arith.mulf %sub3A_600, %sub3A_600 : vector<128x512xf32>
    %reduce_sum3A_602 = arith.constant dense<0.000000e+00> : vector<128xf32>
    %reduce_sum3A_603 = vector.multi_reduction <add>, %mul3A_601, %reduce_sum3A_602 [1] : vector<128x512xf32> to vector<128xf32>
    %broadcast_in_dim3A_604 = vector.shape_cast %reduce_sum3A_603 : vector<128xf32> to vector<128x1xf32>
    %add3A_605 = arith.addf %add3A_593, %broadcast_in_dim3A_604 : vector<128x1xf32>
    %get3A_606 = arith.constant 3 : index
    %get3A_607 = arith.constant 0 : index
    %get3A_608 = arith.constant 0 : index
    %get3A_609 = vector.load %arg13[%get3A_606, %get3A_607, %get3A_608] : memref<8x128x512xf32, #tpu.memory_space<vmem>>, vector<1x128x512xf32>
    %get3A_610 = vector.shape_cast %get3A_609 : vector<1x128x512xf32> to vector<128x512xf32>
    %sub3A_611 = vector.broadcast %mul3A_567 : vector<128x1xf32> to vector<128x512xf32>
    %sub3A_612 = arith.subf %get3A_610, %sub3A_611 : vector<128x512xf32>
    %mul3A_613 = arith.mulf %sub3A_612, %sub3A_612 : vector<128x512xf32>
    %reduce_sum3A_614 = arith.constant dense<0.000000e+00> : vector<128xf32>
    %reduce_sum3A_615 = vector.multi_reduction <add>, %mul3A_613, %reduce_sum3A_614 [1] : vector<128x512xf32> to vector<128xf32>
    %broadcast_in_dim3A_616 = vector.shape_cast %reduce_sum3A_615 : vector<128xf32> to vector<128x1xf32>
    %add3A_617 = arith.addf %add3A_605, %broadcast_in_dim3A_616 : vector<128x1xf32>
    %get3A_618 = arith.constant 4 : index
    %get3A_619 = arith.constant 0 : index
    %get3A_620 = arith.constant 0 : index
    %get3A_621 = vector.load %arg13[%get3A_618, %get3A_619, %get3A_620] : memref<8x128x512xf32, #tpu.memory_space<vmem>>, vector<1x128x512xf32>
    %get3A_622 = vector.shape_cast %get3A_621 : vector<1x128x512xf32> to vector<128x512xf32>
    %sub3A_623 = vector.broadcast %mul3A_567 : vector<128x1xf32> to vector<128x512xf32>
    %sub3A_624 = arith.subf %get3A_622, %sub3A_623 : vector<128x512xf32>
    %mul3A_625 = arith.mulf %sub3A_624, %sub3A_624 : vector<128x512xf32>
    %reduce_sum3A_626 = arith.constant dense<0.000000e+00> : vector<128xf32>
    %reduce_sum3A_627 = vector.multi_reduction <add>, %mul3A_625, %reduce_sum3A_626 [1] : vector<128x512xf32> to vector<128xf32>
    %broadcast_in_dim3A_628 = vector.shape_cast %reduce_sum3A_627 : vector<128xf32> to vector<128x1xf32>
    %add3A_629 = arith.addf %add3A_617, %broadcast_in_dim3A_628 : vector<128x1xf32>
    %get3A_630 = arith.constant 5 : index
    %get3A_631 = arith.constant 0 : index
    %get3A_632 = arith.constant 0 : index
    %get3A_633 = vector.load %arg13[%get3A_630, %get3A_631, %get3A_632] : memref<8x128x512xf32, #tpu.memory_space<vmem>>, vector<1x128x512xf32>
    %get3A_634 = vector.shape_cast %get3A_633 : vector<1x128x512xf32> to vector<128x512xf32>
    %sub3A_635 = vector.broadcast %mul3A_567 : vector<128x1xf32> to vector<128x512xf32>
    %sub3A_636 = arith.subf %get3A_634, %sub3A_635 : vector<128x512xf32>
    %mul3A_637 = arith.mulf %sub3A_636, %sub3A_636 : vector<128x512xf32>
    %reduce_sum3A_638 = arith.constant dense<0.000000e+00> : vector<128xf32>
    %reduce_sum3A_639 = vector.multi_reduction <add>, %mul3A_637, %reduce_sum3A_638 [1] : vector<128x512xf32> to vector<128xf32>
    %broadcast_in_dim3A_640 = vector.shape_cast %reduce_sum3A_639 : vector<128xf32> to vector<128x1xf32>
    %add3A_641 = arith.addf %add3A_629, %broadcast_in_dim3A_640 : vector<128x1xf32>
    %get3A_642 = arith.constant 6 : index
    %get3A_643 = arith.constant 0 : index
    %get3A_644 = arith.constant 0 : index
    %get3A_645 = vector.load %arg13[%get3A_642, %get3A_643, %get3A_644] : memref<8x128x512xf32, #tpu.memory_space<vmem>>, vector<1x128x512xf32>
    %get3A_646 = vector.shape_cast %get3A_645 : vector<1x128x512xf32> to vector<128x512xf32>
    %sub3A_647 = vector.broadcast %mul3A_567 : vector<128x1xf32> to vector<128x512xf32>
    %sub3A_648 = arith.subf %get3A_646, %sub3A_647 : vector<128x512xf32>
    %mul3A_649 = arith.mulf %sub3A_648, %sub3A_648 : vector<128x512xf32>
    %reduce_sum3A_650 = arith.constant dense<0.000000e+00> : vector<128xf32>
    %reduce_sum3A_651 = vector.multi_reduction <add>, %mul3A_649, %reduce_sum3A_650 [1] : vector<128x512xf32> to vector<128xf32>
    %broadcast_in_dim3A_652 = vector.shape_cast %reduce_sum3A_651 : vector<128xf32> to vector<128x1xf32>
    %add3A_653 = arith.addf %add3A_641, %broadcast_in_dim3A_652 : vector<128x1xf32>
    %get3A_654 = arith.constant 7 : index
    %get3A_655 = arith.constant 0 : index
    %get3A_656 = arith.constant 0 : index
    %get3A_657 = vector.load %arg13[%get3A_654, %get3A_655, %get3A_656] : memref<8x128x512xf32, #tpu.memory_space<vmem>>, vector<1x128x512xf32>
    %get3A_658 = vector.shape_cast %get3A_657 : vector<1x128x512xf32> to vector<128x512xf32>
    %sub3A_659 = vector.broadcast %mul3A_567 : vector<128x1xf32> to vector<128x512xf32>
    %sub3A_660 = arith.subf %get3A_658, %sub3A_659 : vector<128x512xf32>
    %mul3A_661 = arith.mulf %sub3A_660, %sub3A_660 : vector<128x512xf32>
    %reduce_sum3A_662 = arith.constant dense<0.000000e+00> : vector<128xf32>
    %reduce_sum3A_663 = vector.multi_reduction <add>, %mul3A_661, %reduce_sum3A_662 [1] : vector<128x512xf32> to vector<128xf32>
    %broadcast_in_dim3A_664 = vector.shape_cast %reduce_sum3A_663 : vector<128xf32> to vector<128x1xf32>
    %add3A_665 = arith.addf %add3A_653, %broadcast_in_dim3A_664 : vector<128x1xf32>
    %mul3A_666 = arith.constant 2.44140625E-4 : f32
    %mul3A_667 = vector.broadcast %mul3A_666 : f32 to vector<128x1xf32>
    %mul3A_668 = arith.mulf %add3A_665, %mul3A_667 : vector<128x1xf32>
    %add3A_669 = arith.constant 9.99999974E-6 : f32
    %add3A_670 = vector.broadcast %add3A_669 : f32 to vector<128x1xf32>
    %add3A_671 = arith.addf %mul3A_668, %add3A_670 : vector<128x1xf32>
    %sqrt3A = math.sqrt %add3A_671 : vector<128x1xf32>
    %div3A_672 = arith.constant 1.000000e+00 : f32
    %div3A_673 = vector.broadcast %div3A_672 : f32 to vector<128x1xf32>
    %div3A_674 = arith.divf %div3A_673, %sqrt3A : vector<128x1xf32>
    %get3A_675 = arith.constant 0 : index
    %get3A_676 = arith.constant 0 : index
    %get3A_677 = arith.constant 0 : index
    %get3A_678 = vector.load %arg13[%get3A_675, %get3A_676, %get3A_677] : memref<8x128x512xf32, #tpu.memory_space<vmem>>, vector<1x128x512xf32>
    %get3A_679 = vector.shape_cast %get3A_678 : vector<1x128x512xf32> to vector<128x512xf32>
    %sub3A_680 = vector.broadcast %mul3A_567 : vector<128x1xf32> to vector<128x512xf32>
    %sub3A_681 = arith.subf %get3A_679, %sub3A_680 : vector<128x512xf32>
    %mul3A_682 = vector.broadcast %div3A_674 : vector<128x1xf32> to vector<128x512xf32>
    %mul3A_683 = arith.mulf %sub3A_681, %mul3A_682 : vector<128x512xf32>
    %get3A_684 = arith.constant 0 : index
    %get3A_685 = arith.constant 0 : index
    %get3A_686 = vector.load %arg8[%get3A_684, %get3A_685] : memref<128x1xf32, #tpu.memory_space<vmem>>, vector<128x1xf32>
    %mul3A_687 = vector.broadcast %get3A_686 : vector<128x1xf32> to vector<128x512xf32>
    %mul3A_688 = arith.mulf %mul3A_683, %mul3A_687 : vector<128x512xf32>
    %get3A_689 = arith.constant 0 : index
    %get3A_690 = arith.constant 0 : index
    %get3A_691 = vector.load %arg9[%get3A_689, %get3A_690] : memref<128x1xf32, #tpu.memory_space<vmem>>, vector<128x1xf32>
    %add3A_692 = vector.broadcast %get3A_691 : vector<128x1xf32> to vector<128x512xf32>
    %add3A_693 = arith.addf %mul3A_688, %add3A_692 : vector<128x512xf32>
    %ge3A = arith.constant 0.000000e+00 : f32
    %ge3A_694 = vector.broadcast %ge3A : f32 to vector<128x512xf32>
    %ge3A_695 = arith.cmpf oge, %add3A_693, %ge3A_694 : vector<128x512xf32>
    %mul3A_696 = arith.constant 2.000000e-01 : f32
    %mul3A_697 = vector.broadcast %mul3A_696 : f32 to vector<128x512xf32>
    %mul3A_698 = arith.mulf %mul3A_697, %add3A_693 : vector<128x512xf32>
    %select_n3A = arith.select %ge3A_695, %add3A_693, %mul3A_698 : vector<128x512xi1>, vector<128x512xf32>
    %get3A_699 = arith.constant 0 : index
    %get3A_700 = arith.constant 0 : index
    %get3A_701 = vector.load %arg10[%get3A_699, %get3A_700] : memref<128x128xf32, #tpu.memory_space<vmem>>, vector<128x128xf32>
    %dot_general3A_702 = arith.constant dense<0.000000e+00> : vector<128x512xf32>
    %dot_general3A_703 = tpu.matmul %get3A_701, %select_n3A, %dot_general3A_702 {dimension_numbers = #tpu.dot_dimension_numbers<[1], [0], [0], [1], [0, 0, 1, 1], [], []>, transpose_lhs_hint = false} : vector<128x128xf32>, vector<128x512xf32>, vector<128x512xf32> -> vector<128x512xf32>
    %get3A_704 = arith.constant 0 : index
    %get3A_705 = arith.constant 0 : index
    %get3A_706 = vector.load %arg11[%get3A_704, %get3A_705] : memref<128x1xf32, #tpu.memory_space<vmem>>, vector<128x1xf32>
    %add3A_707 = vector.broadcast %get3A_706 : vector<128x1xf32> to vector<128x512xf32>
    %add3A_708 = arith.addf %dot_general3A_703, %add3A_707 : vector<128x512xf32>
    %swap3A_709 = arith.constant 0 : index
    %swap3A_710 = arith.constant 0 : index
    %swap3A_711 = arith.constant 0 : index
    %swap3A_712 = vector.load %arg12[%swap3A_709, %swap3A_710, %swap3A_711] : memref<8x128x512xf32, #tpu.memory_space<vmem>>, vector<1x128x512xf32>
    %swap3A_713 = vector.shape_cast %swap3A_712 : vector<1x128x512xf32> to vector<128x512xf32>
    %swap3A_714 = vector.shape_cast %add3A_708 : vector<128x512xf32> to vector<1x128x512xf32>
    tpu.vector_store %arg12[%swap3A_709, %swap3A_710, %swap3A_711], %swap3A_714 {strides = array<i32>} : memref<8x128x512xf32, #tpu.memory_space<vmem>>, vector<1x128x512xf32>,
    %get3A_715 = arith.constant 1 : index
    %get3A_716 = arith.constant 0 : index
    %get3A_717 = arith.constant 0 : index
    %get3A_718 = vector.load %arg13[%get3A_715, %get3A_716, %get3A_717] : memref<8x128x512xf32, #tpu.memory_space<vmem>>, vector<1x128x512xf32>
    %get3A_719 = vector.shape_cast %get3A_718 : vector<1x128x512xf32> to vector<128x512xf32>
    %sub3A_720 = vector.broadcast %mul3A_567 : vector<128x1xf32> to vector<128x512xf32>
    %sub3A_721 = arith.subf %get3A_719, %sub3A_720 : vector<128x512xf32>
    %mul3A_722 = vector.broadcast %div3A_674 : vector<128x1xf32> to vector<128x512xf32>
    %mul3A_723 = arith.mulf %sub3A_721, %mul3A_722 : vector<128x512xf32>
    %get3A_724 = arith.constant 0 : index
    %get3A_725 = arith.constant 0 : index
    %get3A_726 = vector.load %arg8[%get3A_724, %get3A_725] : memref<128x1xf32, #tpu.memory_space<vmem>>, vector<128x1xf32>
    %mul3A_727 = vector.broadcast %get3A_726 : vector<128x1xf32> to vector<128x512xf32>
    %mul3A_728 = arith.mulf %mul3A_723, %mul3A_727 : vector<128x512xf32>
    %get3A_729 = arith.constant 0 : index
    %get3A_730 = arith.constant 0 : index
    %get3A_731 = vector.load %arg9[%get3A_729, %get3A_730] : memref<128x1xf32, #tpu.memory_space<vmem>>, vector<128x1xf32>
    %add3A_732 = vector.broadcast %get3A_731 : vector<128x1xf32> to vector<128x512xf32>
    %add3A_733 = arith.addf %mul3A_728, %add3A_732 : vector<128x512xf32>
    %ge3A_734 = arith.constant 0.000000e+00 : f32
    %ge3A_735 = vector.broadcast %ge3A_734 : f32 to vector<128x512xf32>
    %ge3A_736 = arith.cmpf oge, %add3A_733, %ge3A_735 : vector<128x512xf32>
    %mul3A_737 = arith.constant 2.000000e-01 : f32
    %mul3A_738 = vector.broadcast %mul3A_737 : f32 to vector<128x512xf32>
    %mul3A_739 = arith.mulf %mul3A_738, %add3A_733 : vector<128x512xf32>
    %select_n3A_740 = arith.select %ge3A_736, %add3A_733, %mul3A_739 : vector<128x512xi1>, vector<128x512xf32>
    %get3A_741 = arith.constant 0 : index
    %get3A_742 = arith.constant 0 : index
    %get3A_743 = vector.load %arg10[%get3A_741, %get3A_742] : memref<128x128xf32, #tpu.memory_space<vmem>>, vector<128x128xf32>
    %dot_general3A_744 = arith.constant dense<0.000000e+00> : vector<128x512xf32>
    %dot_general3A_745 = tpu.matmul %get3A_743, %select_n3A_740, %dot_general3A_744 {dimension_numbers = #tpu.dot_dimension_numbers<[1], [0], [0], [1], [0, 0, 1, 1], [], []>, transpose_lhs_hint = false} : vector<128x128xf32>, vector<128x512xf32>, vector<128x512xf32> -> vector<128x512xf32>
    %get3A_746 = arith.constant 0 : index
    %get3A_747 = arith.constant 0 : index
    %get3A_748 = vector.load %arg11[%get3A_746, %get3A_747] : memref<128x1xf32, #tpu.memory_space<vmem>>, vector<128x1xf32>
    %add3A_749 = vector.broadcast %get3A_748 : vector<128x1xf32> to vector<128x512xf32>
    %add3A_750 = arith.addf %dot_general3A_745, %add3A_749 : vector<128x512xf32>
    %swap3A_751 = arith.constant 1 : index
    %swap3A_752 = arith.constant 0 : index
    %swap3A_753 = arith.constant 0 : index
    %swap3A_754 = vector.load %arg12[%swap3A_751, %swap3A_752, %swap3A_753] : memref<8x128x512xf32, #tpu.memory_space<vmem>>, vector<1x128x512xf32>
    %swap3A_755 = vector.shape_cast %swap3A_754 : vector<1x128x512xf32> to vector<128x512xf32>
    %swap3A_756 = vector.shape_cast %add3A_750 : vector<128x512xf32> to vector<1x128x512xf32>
    tpu.vector_store %arg12[%swap3A_751, %swap3A_752, %swap3A_753], %swap3A_756 {strides = array<i32>} : memref<8x128x512xf32, #tpu.memory_space<vmem>>, vector<1x128x512xf32>,
    %get3A_757 = arith.constant 2 : index
    %get3A_758 = arith.constant 0 : index
    %get3A_759 = arith.constant 0 : index
    %get3A_760 = vector.load %arg13[%get3A_757, %get3A_758, %get3A_759] : memref<8x128x512xf32, #tpu.memory_space<vmem>>, vector<1x128x512xf32>
    %get3A_761 = vector.shape_cast %get3A_760 : vector<1x128x512xf32> to vector<128x512xf32>
    %sub3A_762 = vector.broadcast %mul3A_567 : vector<128x1xf32> to vector<128x512xf32>
    %sub3A_763 = arith.subf %get3A_761, %sub3A_762 : vector<128x512xf32>
    %mul3A_764 = vector.broadcast %div3A_674 : vector<128x1xf32> to vector<128x512xf32>
    %mul3A_765 = arith.mulf %sub3A_763, %mul3A_764 : vector<128x512xf32>
    %get3A_766 = arith.constant 0 : index
    %get3A_767 = arith.constant 0 : index
    %get3A_768 = vector.load %arg8[%get3A_766, %get3A_767] : memref<128x1xf32, #tpu.memory_space<vmem>>, vector<128x1xf32>
    %mul3A_769 = vector.broadcast %get3A_768 : vector<128x1xf32> to vector<128x512xf32>
    %mul3A_770 = arith.mulf %mul3A_765, %mul3A_769 : vector<128x512xf32>
    %get3A_771 = arith.constant 0 : index
    %get3A_772 = arith.constant 0 : index
    %get3A_773 = vector.load %arg9[%get3A_771, %get3A_772] : memref<128x1xf32, #tpu.memory_space<vmem>>, vector<128x1xf32>
    %add3A_774 = vector.broadcast %get3A_773 : vector<128x1xf32> to vector<128x512xf32>
    %add3A_775 = arith.addf %mul3A_770, %add3A_774 : vector<128x512xf32>
    %ge3A_776 = arith.constant 0.000000e+00 : f32
    %ge3A_777 = vector.broadcast %ge3A_776 : f32 to vector<128x512xf32>
    %ge3A_778 = arith.cmpf oge, %add3A_775, %ge3A_777 : vector<128x512xf32>
    %mul3A_779 = arith.constant 2.000000e-01 : f32
    %mul3A_780 = vector.broadcast %mul3A_779 : f32 to vector<128x512xf32>
    %mul3A_781 = arith.mulf %mul3A_780, %add3A_775 : vector<128x512xf32>
    %select_n3A_782 = arith.select %ge3A_778, %add3A_775, %mul3A_781 : vector<128x512xi1>, vector<128x512xf32>
    %get3A_783 = arith.constant 0 : index
    %get3A_784 = arith.constant 0 : index
    %get3A_785 = vector.load %arg10[%get3A_783, %get3A_784] : memref<128x128xf32, #tpu.memory_space<vmem>>, vector<128x128xf32>
    %dot_general3A_786 = arith.constant dense<0.000000e+00> : vector<128x512xf32>
    %dot_general3A_787 = tpu.matmul %get3A_785, %select_n3A_782, %dot_general3A_786 {dimension_numbers = #tpu.dot_dimension_numbers<[1], [0], [0], [1], [0, 0, 1, 1], [], []>, transpose_lhs_hint = false} : vector<128x128xf32>, vector<128x512xf32>, vector<128x512xf32> -> vector<128x512xf32>
    %get3A_788 = arith.constant 0 : index
    %get3A_789 = arith.constant 0 : index
    %get3A_790 = vector.load %arg11[%get3A_788, %get3A_789] : memref<128x1xf32, #tpu.memory_space<vmem>>, vector<128x1xf32>
    %add3A_791 = vector.broadcast %get3A_790 : vector<128x1xf32> to vector<128x512xf32>
    %add3A_792 = arith.addf %dot_general3A_787, %add3A_791 : vector<128x512xf32>
    %swap3A_793 = arith.constant 2 : index
    %swap3A_794 = arith.constant 0 : index
    %swap3A_795 = arith.constant 0 : index
    %swap3A_796 = vector.load %arg12[%swap3A_793, %swap3A_794, %swap3A_795] : memref<8x128x512xf32, #tpu.memory_space<vmem>>, vector<1x128x512xf32>
    %swap3A_797 = vector.shape_cast %swap3A_796 : vector<1x128x512xf32> to vector<128x512xf32>
    %swap3A_798 = vector.shape_cast %add3A_792 : vector<128x512xf32> to vector<1x128x512xf32>
    tpu.vector_store %arg12[%swap3A_793, %swap3A_794, %swap3A_795], %swap3A_798 {strides = array<i32>} : memref<8x128x512xf32, #tpu.memory_space<vmem>>, vector<1x128x512xf32>,
    %get3A_799 = arith.constant 3 : index
    %get3A_800 = arith.constant 0 : index
    %get3A_801 = arith.constant 0 : index
    %get3A_802 = vector.load %arg13[%get3A_799, %get3A_800, %get3A_801] : memref<8x128x512xf32, #tpu.memory_space<vmem>>, vector<1x128x512xf32>
    %get3A_803 = vector.shape_cast %get3A_802 : vector<1x128x512xf32> to vector<128x512xf32>
    %sub3A_804 = vector.broadcast %mul3A_567 : vector<128x1xf32> to vector<128x512xf32>
    %sub3A_805 = arith.subf %get3A_803, %sub3A_804 : vector<128x512xf32>
    %mul3A_806 = vector.broadcast %div3A_674 : vector<128x1xf32> to vector<128x512xf32>
    %mul3A_807 = arith.mulf %sub3A_805, %mul3A_806 : vector<128x512xf32>
    %get3A_808 = arith.constant 0 : index
    %get3A_809 = arith.constant 0 : index
    %get3A_810 = vector.load %arg8[%get3A_808, %get3A_809] : memref<128x1xf32, #tpu.memory_space<vmem>>, vector<128x1xf32>
    %mul3A_811 = vector.broadcast %get3A_810 : vector<128x1xf32> to vector<128x512xf32>
    %mul3A_812 = arith.mulf %mul3A_807, %mul3A_811 : vector<128x512xf32>
    %get3A_813 = arith.constant 0 : index
    %get3A_814 = arith.constant 0 : index
    %get3A_815 = vector.load %arg9[%get3A_813, %get3A_814] : memref<128x1xf32, #tpu.memory_space<vmem>>, vector<128x1xf32>
    %add3A_816 = vector.broadcast %get3A_815 : vector<128x1xf32> to vector<128x512xf32>
    %add3A_817 = arith.addf %mul3A_812, %add3A_816 : vector<128x512xf32>
    %ge3A_818 = arith.constant 0.000000e+00 : f32
    %ge3A_819 = vector.broadcast %ge3A_818 : f32 to vector<128x512xf32>
    %ge3A_820 = arith.cmpf oge, %add3A_817, %ge3A_819 : vector<128x512xf32>
    %mul3A_821 = arith.constant 2.000000e-01 : f32
    %mul3A_822 = vector.broadcast %mul3A_821 : f32 to vector<128x512xf32>
    %mul3A_823 = arith.mulf %mul3A_822, %add3A_817 : vector<128x512xf32>
    %select_n3A_824 = arith.select %ge3A_820, %add3A_817, %mul3A_823 : vector<128x512xi1>, vector<128x512xf32>
    %get3A_825 = arith.constant 0 : index
    %get3A_826 = arith.constant 0 : index
    %get3A_827 = vector.load %arg10[%get3A_825, %get3A_826] : memref<128x128xf32, #tpu.memory_space<vmem>>, vector<128x128xf32>
    %dot_general3A_828 = arith.constant dense<0.000000e+00> : vector<128x512xf32>
    %dot_general3A_829 = tpu.matmul %get3A_827, %select_n3A_824, %dot_general3A_828 {dimension_numbers = #tpu.dot_dimension_numbers<[1], [0], [0], [1], [0, 0, 1, 1], [], []>, transpose_lhs_hint = false} : vector<128x128xf32>, vector<128x512xf32>, vector<128x512xf32> -> vector<128x512xf32>
    %get3A_830 = arith.constant 0 : index
    %get3A_831 = arith.constant 0 : index
    %get3A_832 = vector.load %arg11[%get3A_830, %get3A_831] : memref<128x1xf32, #tpu.memory_space<vmem>>, vector<128x1xf32>
    %add3A_833 = vector.broadcast %get3A_832 : vector<128x1xf32> to vector<128x512xf32>
    %add3A_834 = arith.addf %dot_general3A_829, %add3A_833 : vector<128x512xf32>
    %swap3A_835 = arith.constant 3 : index
    %swap3A_836 = arith.constant 0 : index
    %swap3A_837 = arith.constant 0 : index
    %swap3A_838 = vector.load %arg12[%swap3A_835, %swap3A_836, %swap3A_837] : memref<8x128x512xf32, #tpu.memory_space<vmem>>, vector<1x128x512xf32>
    %swap3A_839 = vector.shape_cast %swap3A_838 : vector<1x128x512xf32> to vector<128x512xf32>
    %swap3A_840 = vector.shape_cast %add3A_834 : vector<128x512xf32> to vector<1x128x512xf32>
    tpu.vector_store %arg12[%swap3A_835, %swap3A_836, %swap3A_837], %swap3A_840 {strides = array<i32>} : memref<8x128x512xf32, #tpu.memory_space<vmem>>, vector<1x128x512xf32>,
    %get3A_841 = arith.constant 4 : index
    %get3A_842 = arith.constant 0 : index
    %get3A_843 = arith.constant 0 : index
    %get3A_844 = vector.load %arg13[%get3A_841, %get3A_842, %get3A_843] : memref<8x128x512xf32, #tpu.memory_space<vmem>>, vector<1x128x512xf32>
    %get3A_845 = vector.shape_cast %get3A_844 : vector<1x128x512xf32> to vector<128x512xf32>
    %sub3A_846 = vector.broadcast %mul3A_567 : vector<128x1xf32> to vector<128x512xf32>
    %sub3A_847 = arith.subf %get3A_845, %sub3A_846 : vector<128x512xf32>
    %mul3A_848 = vector.broadcast %div3A_674 : vector<128x1xf32> to vector<128x512xf32>
    %mul3A_849 = arith.mulf %sub3A_847, %mul3A_848 : vector<128x512xf32>
    %get3A_850 = arith.constant 0 : index
    %get3A_851 = arith.constant 0 : index
    %get3A_852 = vector.load %arg8[%get3A_850, %get3A_851] : memref<128x1xf32, #tpu.memory_space<vmem>>, vector<128x1xf32>
    %mul3A_853 = vector.broadcast %get3A_852 : vector<128x1xf32> to vector<128x512xf32>
    %mul3A_854 = arith.mulf %mul3A_849, %mul3A_853 : vector<128x512xf32>
    %get3A_855 = arith.constant 0 : index
    %get3A_856 = arith.constant 0 : index
    %get3A_857 = vector.load %arg9[%get3A_855, %get3A_856] : memref<128x1xf32, #tpu.memory_space<vmem>>, vector<128x1xf32>
    %add3A_858 = vector.broadcast %get3A_857 : vector<128x1xf32> to vector<128x512xf32>
    %add3A_859 = arith.addf %mul3A_854, %add3A_858 : vector<128x512xf32>
    %ge3A_860 = arith.constant 0.000000e+00 : f32
    %ge3A_861 = vector.broadcast %ge3A_860 : f32 to vector<128x512xf32>
    %ge3A_862 = arith.cmpf oge, %add3A_859, %ge3A_861 : vector<128x512xf32>
    %mul3A_863 = arith.constant 2.000000e-01 : f32
    %mul3A_864 = vector.broadcast %mul3A_863 : f32 to vector<128x512xf32>
    %mul3A_865 = arith.mulf %mul3A_864, %add3A_859 : vector<128x512xf32>
    %select_n3A_866 = arith.select %ge3A_862, %add3A_859, %mul3A_865 : vector<128x512xi1>, vector<128x512xf32>
    %get3A_867 = arith.constant 0 : index
    %get3A_868 = arith.constant 0 : index
    %get3A_869 = vector.load %arg10[%get3A_867, %get3A_868] : memref<128x128xf32, #tpu.memory_space<vmem>>, vector<128x128xf32>
    %dot_general3A_870 = arith.constant dense<0.000000e+00> : vector<128x512xf32>
    %dot_general3A_871 = tpu.matmul %get3A_869, %select_n3A_866, %dot_general3A_870 {dimension_numbers = #tpu.dot_dimension_numbers<[1], [0], [0], [1], [0, 0, 1, 1], [], []>, transpose_lhs_hint = false} : vector<128x128xf32>, vector<128x512xf32>, vector<128x512xf32> -> vector<128x512xf32>
    %get3A_872 = arith.constant 0 : index
    %get3A_873 = arith.constant 0 : index
    %get3A_874 = vector.load %arg11[%get3A_872, %get3A_873] : memref<128x1xf32, #tpu.memory_space<vmem>>, vector<128x1xf32>
    %add3A_875 = vector.broadcast %get3A_874 : vector<128x1xf32> to vector<128x512xf32>
    %add3A_876 = arith.addf %dot_general3A_871, %add3A_875 : vector<128x512xf32>
    %swap3A_877 = arith.constant 4 : index
    %swap3A_878 = arith.constant 0 : index
    %swap3A_879 = arith.constant 0 : index
    %swap3A_880 = vector.load %arg12[%swap3A_877, %swap3A_878, %swap3A_879] : memref<8x128x512xf32, #tpu.memory_space<vmem>>, vector<1x128x512xf32>
    %swap3A_881 = vector.shape_cast %swap3A_880 : vector<1x128x512xf32> to vector<128x512xf32>
    %swap3A_882 = vector.shape_cast %add3A_876 : vector<128x512xf32> to vector<1x128x512xf32>
    tpu.vector_store %arg12[%swap3A_877, %swap3A_878, %swap3A_879], %swap3A_882 {strides = array<i32>} : memref<8x128x512xf32, #tpu.memory_space<vmem>>, vector<1x128x512xf32>,
    %get3A_883 = arith.constant 5 : index
    %get3A_884 = arith.constant 0 : index
    %get3A_885 = arith.constant 0 : index
    %get3A_886 = vector.load %arg13[%get3A_883, %get3A_884, %get3A_885] : memref<8x128x512xf32, #tpu.memory_space<vmem>>, vector<1x128x512xf32>
    %get3A_887 = vector.shape_cast %get3A_886 : vector<1x128x512xf32> to vector<128x512xf32>
    %sub3A_888 = vector.broadcast %mul3A_567 : vector<128x1xf32> to vector<128x512xf32>
    %sub3A_889 = arith.subf %get3A_887, %sub3A_888 : vector<128x512xf32>
    %mul3A_890 = vector.broadcast %div3A_674 : vector<128x1xf32> to vector<128x512xf32>
    %mul3A_891 = arith.mulf %sub3A_889, %mul3A_890 : vector<128x512xf32>
    %get3A_892 = arith.constant 0 : index
    %get3A_893 = arith.constant 0 : index
    %get3A_894 = vector.load %arg8[%get3A_892, %get3A_893] : memref<128x1xf32, #tpu.memory_space<vmem>>, vector<128x1xf32>
    %mul3A_895 = vector.broadcast %get3A_894 : vector<128x1xf32> to vector<128x512xf32>
    %mul3A_896 = arith.mulf %mul3A_891, %mul3A_895 : vector<128x512xf32>
    %get3A_897 = arith.constant 0 : index
    %get3A_898 = arith.constant 0 : index
    %get3A_899 = vector.load %arg9[%get3A_897, %get3A_898] : memref<128x1xf32, #tpu.memory_space<vmem>>, vector<128x1xf32>
    %add3A_900 = vector.broadcast %get3A_899 : vector<128x1xf32> to vector<128x512xf32>
    %add3A_901 = arith.addf %mul3A_896, %add3A_900 : vector<128x512xf32>
    %ge3A_902 = arith.constant 0.000000e+00 : f32
    %ge3A_903 = vector.broadcast %ge3A_902 : f32 to vector<128x512xf32>
    %ge3A_904 = arith.cmpf oge, %add3A_901, %ge3A_903 : vector<128x512xf32>
    %mul3A_905 = arith.constant 2.000000e-01 : f32
    %mul3A_906 = vector.broadcast %mul3A_905 : f32 to vector<128x512xf32>
    %mul3A_907 = arith.mulf %mul3A_906, %add3A_901 : vector<128x512xf32>
    %select_n3A_908 = arith.select %ge3A_904, %add3A_901, %mul3A_907 : vector<128x512xi1>, vector<128x512xf32>
    %get3A_909 = arith.constant 0 : index
    %get3A_910 = arith.constant 0 : index
    %get3A_911 = vector.load %arg10[%get3A_909, %get3A_910] : memref<128x128xf32, #tpu.memory_space<vmem>>, vector<128x128xf32>
    %dot_general3A_912 = arith.constant dense<0.000000e+00> : vector<128x512xf32>
    %dot_general3A_913 = tpu.matmul %get3A_911, %select_n3A_908, %dot_general3A_912 {dimension_numbers = #tpu.dot_dimension_numbers<[1], [0], [0], [1], [0, 0, 1, 1], [], []>, transpose_lhs_hint = false} : vector<128x128xf32>, vector<128x512xf32>, vector<128x512xf32> -> vector<128x512xf32>
    %get3A_914 = arith.constant 0 : index
    %get3A_915 = arith.constant 0 : index
    %get3A_916 = vector.load %arg11[%get3A_914, %get3A_915] : memref<128x1xf32, #tpu.memory_space<vmem>>, vector<128x1xf32>
    %add3A_917 = vector.broadcast %get3A_916 : vector<128x1xf32> to vector<128x512xf32>
    %add3A_918 = arith.addf %dot_general3A_913, %add3A_917 : vector<128x512xf32>
    %swap3A_919 = arith.constant 5 : index
    %swap3A_920 = arith.constant 0 : index
    %swap3A_921 = arith.constant 0 : index
    %swap3A_922 = vector.load %arg12[%swap3A_919, %swap3A_920, %swap3A_921] : memref<8x128x512xf32, #tpu.memory_space<vmem>>, vector<1x128x512xf32>
    %swap3A_923 = vector.shape_cast %swap3A_922 : vector<1x128x512xf32> to vector<128x512xf32>
    %swap3A_924 = vector.shape_cast %add3A_918 : vector<128x512xf32> to vector<1x128x512xf32>
    tpu.vector_store %arg12[%swap3A_919, %swap3A_920, %swap3A_921], %swap3A_924 {strides = array<i32>} : memref<8x128x512xf32, #tpu.memory_space<vmem>>, vector<1x128x512xf32>,
    %get3A_925 = arith.constant 6 : index
    %get3A_926 = arith.constant 0 : index
    %get3A_927 = arith.constant 0 : index
    %get3A_928 = vector.load %arg13[%get3A_925, %get3A_926, %get3A_927] : memref<8x128x512xf32, #tpu.memory_space<vmem>>, vector<1x128x512xf32>
    %get3A_929 = vector.shape_cast %get3A_928 : vector<1x128x512xf32> to vector<128x512xf32>
    %sub3A_930 = vector.broadcast %mul3A_567 : vector<128x1xf32> to vector<128x512xf32>
    %sub3A_931 = arith.subf %get3A_929, %sub3A_930 : vector<128x512xf32>
    %mul3A_932 = vector.broadcast %div3A_674 : vector<128x1xf32> to vector<128x512xf32>
    %mul3A_933 = arith.mulf %sub3A_931, %mul3A_932 : vector<128x512xf32>
    %get3A_934 = arith.constant 0 : index
    %get3A_935 = arith.constant 0 : index
    %get3A_936 = vector.load %arg8[%get3A_934, %get3A_935] : memref<128x1xf32, #tpu.memory_space<vmem>>, vector<128x1xf32>
    %mul3A_937 = vector.broadcast %get3A_936 : vector<128x1xf32> to vector<128x512xf32>
    %mul3A_938 = arith.mulf %mul3A_933, %mul3A_937 : vector<128x512xf32>
    %get3A_939 = arith.constant 0 : index
    %get3A_940 = arith.constant 0 : index
    %get3A_941 = vector.load %arg9[%get3A_939, %get3A_940] : memref<128x1xf32, #tpu.memory_space<vmem>>, vector<128x1xf32>
    %add3A_942 = vector.broadcast %get3A_941 : vector<128x1xf32> to vector<128x512xf32>
    %add3A_943 = arith.addf %mul3A_938, %add3A_942 : vector<128x512xf32>
    %ge3A_944 = arith.constant 0.000000e+00 : f32
    %ge3A_945 = vector.broadcast %ge3A_944 : f32 to vector<128x512xf32>
    %ge3A_946 = arith.cmpf oge, %add3A_943, %ge3A_945 : vector<128x512xf32>
    %mul3A_947 = arith.constant 2.000000e-01 : f32
    %mul3A_948 = vector.broadcast %mul3A_947 : f32 to vector<128x512xf32>
    %mul3A_949 = arith.mulf %mul3A_948, %add3A_943 : vector<128x512xf32>
    %select_n3A_950 = arith.select %ge3A_946, %add3A_943, %mul3A_949 : vector<128x512xi1>, vector<128x512xf32>
    %get3A_951 = arith.constant 0 : index
    %get3A_952 = arith.constant 0 : index
    %get3A_953 = vector.load %arg10[%get3A_951, %get3A_952] : memref<128x128xf32, #tpu.memory_space<vmem>>, vector<128x128xf32>
    %dot_general3A_954 = arith.constant dense<0.000000e+00> : vector<128x512xf32>
    %dot_general3A_955 = tpu.matmul %get3A_953, %select_n3A_950, %dot_general3A_954 {dimension_numbers = #tpu.dot_dimension_numbers<[1], [0], [0], [1], [0, 0, 1, 1], [], []>, transpose_lhs_hint = false} : vector<128x128xf32>, vector<128x512xf32>, vector<128x512xf32> -> vector<128x512xf32>
    %get3A_956 = arith.constant 0 : index
    %get3A_957 = arith.constant 0 : index
    %get3A_958 = vector.load %arg11[%get3A_956, %get3A_957] : memref<128x1xf32, #tpu.memory_space<vmem>>, vector<128x1xf32>
    %add3A_959 = vector.broadcast %get3A_958 : vector<128x1xf32> to vector<128x512xf32>
    %add3A_960 = arith.addf %dot_general3A_955, %add3A_959 : vector<128x512xf32>
    %swap3A_961 = arith.constant 6 : index
    %swap3A_962 = arith.constant 0 : index
    %swap3A_963 = arith.constant 0 : index
    %swap3A_964 = vector.load %arg12[%swap3A_961, %swap3A_962, %swap3A_963] : memref<8x128x512xf32, #tpu.memory_space<vmem>>, vector<1x128x512xf32>
    %swap3A_965 = vector.shape_cast %swap3A_964 : vector<1x128x512xf32> to vector<128x512xf32>
    %swap3A_966 = vector.shape_cast %add3A_960 : vector<128x512xf32> to vector<1x128x512xf32>
    tpu.vector_store %arg12[%swap3A_961, %swap3A_962, %swap3A_963], %swap3A_966 {strides = array<i32>} : memref<8x128x512xf32, #tpu.memory_space<vmem>>, vector<1x128x512xf32>,
    %get3A_967 = arith.constant 7 : index
    %get3A_968 = arith.constant 0 : index
    %get3A_969 = arith.constant 0 : index
    %get3A_970 = vector.load %arg13[%get3A_967, %get3A_968, %get3A_969] : memref<8x128x512xf32, #tpu.memory_space<vmem>>, vector<1x128x512xf32>
    %get3A_971 = vector.shape_cast %get3A_970 : vector<1x128x512xf32> to vector<128x512xf32>
    %sub3A_972 = vector.broadcast %mul3A_567 : vector<128x1xf32> to vector<128x512xf32>
    %sub3A_973 = arith.subf %get3A_971, %sub3A_972 : vector<128x512xf32>
    %mul3A_974 = vector.broadcast %div3A_674 : vector<128x1xf32> to vector<128x512xf32>
    %mul3A_975 = arith.mulf %sub3A_973, %mul3A_974 : vector<128x512xf32>
    %get3A_976 = arith.constant 0 : index
    %get3A_977 = arith.constant 0 : index
    %get3A_978 = vector.load %arg8[%get3A_976, %get3A_977] : memref<128x1xf32, #tpu.memory_space<vmem>>, vector<128x1xf32>
    %mul3A_979 = vector.broadcast %get3A_978 : vector<128x1xf32> to vector<128x512xf32>
    %mul3A_980 = arith.mulf %mul3A_975, %mul3A_979 : vector<128x512xf32>
    %get3A_981 = arith.constant 0 : index
    %get3A_982 = arith.constant 0 : index
    %get3A_983 = vector.load %arg9[%get3A_981, %get3A_982] : memref<128x1xf32, #tpu.memory_space<vmem>>, vector<128x1xf32>
    %add3A_984 = vector.broadcast %get3A_983 : vector<128x1xf32> to vector<128x512xf32>
    %add3A_985 = arith.addf %mul3A_980, %add3A_984 : vector<128x512xf32>
    %ge3A_986 = arith.constant 0.000000e+00 : f32
    %ge3A_987 = vector.broadcast %ge3A_986 : f32 to vector<128x512xf32>
    %ge3A_988 = arith.cmpf oge, %add3A_985, %ge3A_987 : vector<128x512xf32>
    %mul3A_989 = arith.constant 2.000000e-01 : f32
    %mul3A_990 = vector.broadcast %mul3A_989 : f32 to vector<128x512xf32>
    %mul3A_991 = arith.mulf %mul3A_990, %add3A_985 : vector<128x512xf32>
    %select_n3A_992 = arith.select %ge3A_988, %add3A_985, %mul3A_991 : vector<128x512xi1>, vector<128x512xf32>
    %get3A_993 = arith.constant 0 : index
    %get3A_994 = arith.constant 0 : index
    %get3A_995 = vector.load %arg10[%get3A_993, %get3A_994] : memref<128x128xf32, #tpu.memory_space<vmem>>, vector<128x128xf32>
    %dot_general3A_996 = arith.constant dense<0.000000e+00> : vector<128x512xf32>
    %dot_general3A_997 = tpu.matmul %get3A_995, %select_n3A_992, %dot_general3A_996 {dimension_numbers = #tpu.dot_dimension_numbers<[1], [0], [0], [1], [0, 0, 1, 1], [], []>, transpose_lhs_hint = false} : vector<128x128xf32>, vector<128x512xf32>, vector<128x512xf32> -> vector<128x512xf32>
    %get3A_998 = arith.constant 0 : index
    %get3A_999 = arith.constant 0 : index
    %get3A_1000 = vector.load %arg11[%get3A_998, %get3A_999] : memref<128x1xf32, #tpu.memory_space<vmem>>, vector<128x1xf32>
    %add3A_1001 = vector.broadcast %get3A_1000 : vector<128x1xf32> to vector<128x512xf32>
    %add3A_1002 = arith.addf %dot_general3A_997, %add3A_1001 : vector<128x512xf32>
    %swap3A_1003 = arith.constant 7 : index
    %swap3A_1004 = arith.constant 0 : index
    %swap3A_1005 = arith.constant 0 : index
    %swap3A_1006 = vector.load %arg12[%swap3A_1003, %swap3A_1004, %swap3A_1005] : memref<8x128x512xf32, #tpu.memory_space<vmem>>, vector<1x128x512xf32>
    %swap3A_1007 = vector.shape_cast %swap3A_1006 : vector<1x128x512xf32> to vector<128x512xf32>
    %swap3A_1008 = vector.shape_cast %add3A_1002 : vector<128x512xf32> to vector<1x128x512xf32>
    tpu.vector_store %arg12[%swap3A_1003, %swap3A_1004, %swap3A_1005], %swap3A_1008 {strides = array<i32>} : memref<8x128x512xf32, #tpu.memory_space<vmem>>, vector<1x128x512xf32>,
    return
  }
}

</mosaic_0001>

<sc_bundles>
// kernel: kernel.5.cloned.1.call-start
scs
__scs_entry_jumppad:
0x0: {  	(pc) =	sbr.rel $0x88, $3  }
0x1: {  	(tag) =	ssettag $0x0;
	lr =	simm.s32 $0x1  }
0x2: {  	[smem:$0x3F95] =	sst lr;
	_ =	strace $0xD0000000  }
0x3: {  	_ = 	snop  }
0x4: {  	_ = 	snop  }
0x5: {  	_ = 	snop  }
0x6: {  	_ = 	snop  }
0x7: {  	_ = 	snop  }
__scs_overlays_trampoline_lowered:
0x8: {  	[smem:$0x3FA4] =	sst s0  }
0x9: {  	[smem:$0x3FA5] =	sst s1  }
0xa: {  	[smem:$0x3FA6] =	sst s2  }
0xb: {  	[smem:$0x3FA7] =	sst s3  }
0xc: {  	[smem:$0x3FA8] =	sst s4  }
0xd: {  	[smem:$0x3FA9] =	sst s5  }
0xe: {  	[smem:$0x3FAA] =	sst s6  }
0xf: {  	[smem:$0x3FAB] =	sst s7  }
0x10: {  	[smem:$0x3FAC] =	sst s8  }
0x11: {  	[smem:$0x3FAD] =	sst s9;
	s0 =	simm.s32 @!p0 $0x0  }
0x12: {  	s1 =	sld [smem:$0x3F93];
	s0 =	simm.s32 @p0 $0x1  }
0x13: {  	[smem:$0x3FAE] =	sst s0;
	s0 =	simm.s32 @!p1 $0x0  }
0x14: {  	s2 =	sld [smem:$0x3F92];
	s0 =	simm.s32 @p1 $0x1  }
0x15: {  	[smem:$0x3FAF] =	sst s0;
	s0 =	simm.s32 @!p2 $0x0  }
0x16: {  	s3 =	sld [smem:$0x3FDB];
	s0 =	simm.s32 @p2 $0x1  }
0x17: {  	s4 =	simm.s32 $0x1BF5;
	[smem:$0x3FB1] =	sst s0  }
0x18: {  	s0 =	sld [smem:$0x3F94];
	_ =	swait.ge [sflag:s4], $0x0  }
0x19: {  	s7 =	sld [smem:$0x3F95]  }
0x1a: {  	s8 =	sadd.s32 $0xFFFFE003, lr  }
0x1b: {  	s9 =	sadd.s32 $0xFFFFFEF7, lr;
	s5 =	simm.s32 $0xFFFFFFFF;
	p2 =	slt.u32 s8, $0xFFFFF086  }
0x1c: {  	p1 =	slt.u32 s9, $0xF7A;
	s5 =	simm.s32 @!p2 $0x0  }
0x1d: {  	s5 =	simm.s32 @p1 $0x1;
	p0 =	seq.s32 s7, s2  }
0x1e: {  	s7 =	smul.u32 @!p0 $0xF7A, s2;
	p2 =	seq.s32 @!p0 s5, $0x0  }
0x1f: {  	s9 =	smul.u32 $0xF7A, s1;
	s8 =	simm.s32 @!p0 $0x1BF5;
	p2 =	por !p2, p0  }
0x20: {  	[sflag:s8] =	ssyncset.s32 @!p0 $0xFFFFF086;
	s6 =	sadd.s32 @!p0 s3, s7;
	s7 =	simm.s32 @!p0 $0x108  }
0x21: {  	s3 =	sadd.s32 s3, s9;
	s6 =	sadd.s32 @!p0 $0x88, s6;
	s7 =	simm.s32 @p2 $0x1082  }
0x22: {  	[simem:s7], [sflag:s8] =	dma.local @!p0 [hbm:s6], $0xF7A  }
0x23: {  	s9 =	sor.u32 $0xD0000000, s2;
	s6 =	simm.s32 $0x108;
	_ =	swait.ge @!p0 [sflag:s8], $0x0  }
0x24: {  	s3 =	sadd.s32 $0x88, s3;
	s6 =	simm.s32 @!p1 $0x1082;
	[sflag:s4] =	ssyncset.s32 $0xFFFFF086  }
0x25: {  	[simem:s6], [sflag:s4] =	dma.local [hbm:s3], $0xF7A  }
0x26: {  	[smem:$0x3F95] =	sst s1;
	(tag) =	ssettag s2;
	_ =	strace s9  }
0x27: {  	s1 =	sld [smem:$0x3FA5]  }
0x28: {  	s2 =	sld [smem:$0x3FA6]  }
0x29: {  	s4 =	sld [smem:$0x3FA8]  }
0x2a: {  	p0 =	seq.s32 s5, $0x0;
	s5 =	sld [smem:$0x3FA9]  }
0x2b: {  	s6 =	sld [smem:$0x3FAA]  }
0x2c: {  	s7 =	sld [smem:$0x3FAB]  }
0x2d: {  	s3 =	simm.s32 $0x108;
	s8 =	sld [smem:$0x3FAC]  }
0x2e: {  	s3 =	simm.s32 @!p0 $0x1082;
	s9 =	sld [smem:$0x3FAD]  }
0x2f: {  	lr =	sadd.s32 s0, s3;
	s0 =	sld [smem:$0x3FA4]  }
0x30: {  	s3 =	sld [smem:$0x3FA7]  }
0x31: {  	[smem:$0x3FB0] =	sst s10  }
0x32: {  	s10 =	sld [smem:$0x3FAE];
	_ =	sdelay $0x3  }
0x33: {  	p0 =	seq.s32 s10, $0x1;
	s10 =	sld [smem:$0x3FB0];
	_ =	sdelay $0x3  }
0x34: {  	[smem:$0x3FB0] =	sst s10  }
0x35: {  	s10 =	sld [smem:$0x3FAF];
	_ =	sdelay $0x3  }
0x36: {  	p1 =	seq.s32 s10, $0x1;
	s10 =	sld [smem:$0x3FB0];
	_ =	sdelay $0x3  }
0x37: {  	[smem:$0x3FB0] =	sst s10  }
0x38: {  	s10 =	sld [smem:$0x3FB1]  }
0x39: {  	_ = 	snop;
	(pc) =	sbr.ind lr, $3  }
0x3a: {  	_ = 	snop  }
0x3b: {  	_ = 	snop  }
0x3c: {  	p2 =	seq.s32 s10, $0x1;
	s10 =	sld [smem:$0x3FB0]  }
0x3d: {  	_ =	shalt  }
0x3e: {  	_ =	shalt  }
0x3f: {  	_ =	shalt  }
0x40: {  	_ =	shalt  }
0x41: {  	_ =	shalt  }
0x42: {  	_ =	shalt  }
0x43: {  	_ =	shalt  }
0x44: {  	_ =	shalt  }
0x45: {  	_ =	shalt  }
0x46: {  	_ =	shalt  }
0x47: {  	_ =	shalt  }
0x48: {  	_ =	shalt  }
0x49: {  	_ =	shalt  }
0x4a: {  	_ =	shalt  }
0x4b: {  	_ =	shalt  }
0x4c: {  	_ =	shalt  }
0x4d: {  	_ =	shalt  }
0x4e: {  	_ =	shalt  }
0x4f: {  	_ =	shalt  }
0x50: {  	_ =	shalt  }
0x51: {  	_ =	shalt  }
0x52: {  	_ =	shalt  }
0x53: {  	_ =	shalt  }
0x54: {  	_ =	shalt  }
0x55: {  	_ =	shalt  }
0x56: {  	_ =	shalt  }
0x57: {  	_ =	shalt  }
0x58: {  	_ =	shalt  }
0x59: {  	_ =	shalt  }
0x5a: {  	_ =	shalt  }
0x5b: {  	_ =	shalt  }
0x5c: {  	_ =	shalt  }
0x5d: {  	_ =	shalt  }
0x5e: {  	_ =	shalt  }
0x5f: {  	_ =	shalt  }
0x60: {  	_ =	shalt  }
0x61: {  	_ =	shalt  }
0x62: {  	_ =	shalt  }
0x63: {  	_ =	shalt  }
0x64: {  	_ =	shalt  }
0x65: {  	_ =	shalt  }
0x66: {  	_ =	shalt  }
0x67: {  	_ =	shalt  }
0x68: {  	_ =	shalt  }
0x69: {  	_ =	shalt  }
0x6a: {  	_ =	shalt  }
0x6b: {  	_ =	shalt  }
0x6c: {  	_ =	shalt  }
0x6d: {  	_ =	shalt  }
0x6e: {  	_ =	shalt  }
0x6f: {  	_ =	shalt  }
0x70: {  	_ =	shalt  }
0x71: {  	_ =	shalt  }
0x72: {  	_ =	shalt  }
0x73: {  	_ =	shalt  }
0x74: {  	_ =	shalt  }
0x75: {  	_ =	shalt  }
0x76: {  	_ =	shalt  }
0x77: {  	_ =	shalt  }
0x78: {  	_ =	shalt  }
0x79: {  	_ =	shalt  }
0x7a: {  	_ =	shalt  }
0x7b: {  	_ =	shalt  }
0x7c: {  	_ =	shalt  }
0x7d: {  	_ =	shalt  }
0x7e: {  	_ =	shalt  }
0x7f: {  	_ =	shalt  }
0x80: {  	_ =	shalt  }
0x81: {  	_ =	shalt  }
0x82: {  	_ =	shalt  }
0x83: {  	_ =	shalt  }
0x84: {  	_ =	shalt  }
0x85: {  	_ =	shalt  }
0x86: {  	_ =	shalt  }
0x87: {  	_ =	shalt  }
.Lfunc_end0:
.L_simem_size_0:
called_computation_lowered:
.L_overlay_start_0:
0x88: {  	s2 =	sld [smem:$0x3FD9]  }
0x89: {  	s3 =	sld [smem:$0x3FFE];
	_ =	sdelay $0x1  }
0x8a: {  	s1 =	srdreg.scid  }
0x8b: {  	s0 =	sand.u32 $0x1, s1  }
0x8c: {  	s14 =	sshll.u32 s0, $0xA;
	s2 =	sadd.s32 s3, s2  }
0x8d: {  	s2 =	sadd.s32 s2, s14  }
0x8e: {  	[smem:$0x3FBC] =	sst s2  }
0x8f: {  	_ = 	snop  }
0x90: {  	s2 =	sld [smem:$0x3FD0];
	_ =	sdelay $0x2  }
0x91: {  	s15 =	simm.s32 $0xA;
	s4 =	simm.s32 $0x10  }
0x92: {  	[smem:s4], [sflag:s15] =	dma.local [hbm:s2], $0x1  }
0x93: {  	_ =	swait.eq [sflag:s15], $0x1  }
0x94: {  	[sflag:s15] =	ssyncset.done $0x0  }
0x95: {  	[sflag:s15] =	ssyncadd.s32 $0xFFFFFFFF  }
0x96: {  	s16 =	sld [smem:$0x10];
	(tm) =	ssettm $0x1  }
0x97: {  	s17 =	sld [smem:$0x3FFB];
	_ =	sdelay $0x3  }
0x98: {  	_ =	strace s17  }
0x99: {  	s3 =	sld [smem:$0x3FFC];
	_ =	sdelay $0x3  }
0x9a: {  	_ =	strace s3  }
0x9b: {  	s3 =	sld [smem:$0x3FFD];
	_ =	sdelay $0x3  }
0x9c: {  	_ =	strace s3  }
0x9d: {  	_ =	strace $0x8FFFFFFF  }
0x9e: {  	s18 =	sld [smem:$0x3FDB];
	_ =	sdelay $0x1  }
0x9f: {  	s19 =	simm.s32 $_scs_section_size  }
0xa0: {  	s5 =	simm.s32 $_size__tile_overlayer_lowered;
	s6 =	simm.s32 $_tile_overlayer_lowered  }
0xa1: {  	s22 =	simm.s32 $0x1BFF;
	s21 =	sshll.u32 s6, $0x1;
	s3 =	sadd.s32 s19, s18  }
0xa2: {  	s7 =	simm.s32 $0x0;
	s20 =	sshll.u32 s5, $0x1;
	s5 =	sadd.s32 s21, s3  }
0xa3: {  	[timem:s7], [sflag:s22] =	dma.local [hbm:s5], s20  }
0xa4: {  	_ =	swait.ge [sflag:s22], s20  }
0xa5: {  	s4 =	ssub.s32 $0x0, s20;
	[sflag:s22] =	ssyncset.done $0x0  }
0xa6: {  	[sflag:s22] =	ssyncadd.s32 s4;
	_ =	sdelay $0x1  }
0xa7: {  	s23 =	simm.s32 $0x1B8B  }
0xa8: {  	_ =	swait.ge [sflag:s23], $0x1  }
0xa9: {  	[sflag:s23] =	ssyncset.done $0x0  }
0xaa: {  	s25 =	simm.s32 $0x1B8E;
	s24 =	sld [smem:$0x3FFE];
	[sflag:s23] =	ssyncadd.s32 $0xFFFFFFFF  }
0xab: {  	s26 =	simm.s32 $execute0_lowered;
	[smem:$0x3FD2] =	sst s25  }
0xac: {  	s5 =	sshll.u32 s26, $0x1;
	_ =	strace $0x80000046;
	[dreg:$0x1] =	wrdreg $0xFFFFFFFF  }
0xad: {  	s28 =	simm.s32 $_size_execute0_lowered;
	s3 =	sadd.s32 s3, s5;
	[dreg:$0x0] =	wrdreg $0x0  }
0xae: {  	s5 =	sshll.u32 s28, $0x1;
	[dreg:$0x2] =	wrdreg s3  }
0xaf: {  	[dreg:$0x3] =	wrdreg s5  }
0xb0: {  	[dreg:$0x4] =	wrdreg $0xC0  }
0xb1: {  	_ =	task [dreg:s7], $0x5FFFF  }
0xb2: {  	[dreg:$0x1] =	wrdreg $0xFFFFFFFF  }
0xb3: {  	[dreg:$0x0] =	wrdreg $0x60  }
0xb4: {  	[dreg:$0x2] =	wrdreg s24  }
0xb5: {  	[dreg:$0x3] =	wrdreg s16  }
0xb6: {  	[dreg:$0x4] =	wrdreg $0x9  }
0xb7: {  	_ =	task.clear_ibuf [dreg:s7], $0x5FFFF;
	_ =	strace $0x90000046  }
0xb8: {  	s29 =	simm.s32 $0x9;
	_ =	strace $0x80000048  }
0xb9: {  	_ =	swait.ge [sflag:s29], $0x1  }
0xba: {  	[sflag:s29] =	ssyncadd.s32 $0xFFFFFFFF  }
0xbb: {  	_ =	strace $0x90000048  }
0xbc: {  	_ =	sfence  }
0xbd: {  	s30 =	sld [smem:$0x0];
	_ =	sdelay $0x2  }
0xbe: {  	s31 =	sshll.u32 s1, $0xD;
	s1 =	sshrl.u32 s1, $0x2  }
0xbf: {  	s3 =	sand.u32 $0x4000, s31;
	s1 =	sadd.s32 s1, s30  }
0xc0: {  	s0 =	sor.u32 s3, s0;
	s1 =	sshll.u32 s1, $0x11  }
0xc1: {  	s0 =	sor.u32 s1, s0  }
0xc2: {  	s0 =	sadd.s32 $0x8F2B, s0  }
0xc3: {  	[sflag:s0] =	ssyncadd.remote.s32 $0x1  }
0xc4: {  	_ =	sfence.sel $0xFFFF  }
0xc5: {  	[dreg:$0x0] =	wrdreg $0xFFFFFFFF;
	(pc) =	sbr.abs _section_cstart, $3  }
0xc6: {  	[dreg:$0x1] =	wrdreg $0xFFFFFFFF  }
0xc7: {  	_ =	task.clear_ibuf [dreg:s7], $0x2FFFF;
	_ =	strace $0x9FFFFFFF  }
0xc8: {  	(tm) =	ssettm $0x7FFFFFFF  }
0xc9: {  	_ =	shalt  }
tec
execute0_lowered:
.L_overlay_start_1:
0x0: {  	(tag) =	ssettag $0x1  }
0x1: {  	s1 =	srdreg.scid  }
0x2: {  	s0 =	stileid.u32;
	s6 =	sand.u32 $0x1, s1  }
0x3: {  	s5 =	rddreg [dreg:$0x0];
	s30 =	sshll.u32 s0, $0x8;
	s2 =	sshll.u32 s6, $0x7  }
0x4: {  	s8 =	rddreg [dreg:$0x1];
	s9 =	sor.u32 s2, s30  }
0x5: {  	s1 =	rddreg [dreg:$0x2];
	s2 =	simm.s32 $0x0;
	s3 =	sshrl.u32 s9, $0x3  }
0x6: {  	s10 =	ssub.s32 $0x2, s6;
	[smem:$0x7FF] =	sst s2;
	s3 =	sadd.s32 s3, s5  }
0x7: {  	_ =	strace $0x80000047;
	s4 =	sadd.s32 $0x2200, s3;
	s3 =	simm.s32 $0x2  }
0x8: {  	[tilespmem:s2], [sflag:$0x2] =	stream.linear.gather [hbm4b:s4+s2], $0x80, $0x38;
	[tilespmem:$0x4080] =	vst v63  }
0x9: {  	s7 =	simm.s32 $0x1;
	s11 =	sshrl.u32 s10, $0x1;
	_ =	swait.ge [sflag:s3], $0x80  }
0xa: {  	s6 =	simm.s32 $0x80;
	s10 =	ssub.s32 s10, s11;
	[sflag:s3] =	ssyncset.done $0x0  }
0xb: {  	s5 =	sadd.s32 $0x2400, s5;
	s31 =	smax.u32 s10, $0x1;
	[sflag:s3] =	ssyncadd.s32 $0xFFFFFF80  }
0xc: {  	[tilespmem:s6], [sflag:$0x1] =	stream.indirect.gather [hbm4b:s5+s6], $0x80, s2, s6, $0xb8;
	[tilespmem:$0x4080] =	vst v63  }
0xd: {  	p0 =	sne.s32 s31, $0x1;
	_ =	swait.ge [sflag:s7], $0x4000  }
.Ltmp0:
0xe: {  	s9 =	sshll.u32 s9, $0x4;
	[sflag:s7] =	ssyncset.done $0x0;
	(pc) =	sbr.rel @!p0 .LBB2_2-.Ltmp0, $4  }
0xf: {  	s8 =	sadd.s32 s8, s9;
	[sflag:s7] =	ssyncadd.s32 $0xFFFFC000  }
0x10: {  	[hbm4b:s8+s2] =	stream.linear.scatter [tilespmem:s6], [sflag:$0x2], $0x4000, $0x38;
	[tilespmem:$0x4080] =	vst v63  }
0x11: {  	_ =	swait.ge [sflag:s3], $0x4000  }
0x12: {  	s9 =	sadd.s32 $0xFFFFFFFF, s31;
	[sflag:s3] =	ssyncset.done $0x0  }
.LBB2_1:
0x13: {  	p0 =	sne.s32 s9, $0x1;
	s9 =	sadd.s32 $0xFFFFFFFF, s9;
	[sflag:s3] =	ssyncadd.s32 $0xFFFFC000  }
0x14: {  	[tilespmem:s2], [sflag:$0x2] =	stream.linear.gather [hbm4b:s4+s2], $0x80, $0x38;
	[tilespmem:$0x4080] =	vst v63  }
0x15: {  	_ =	swait.ge [sflag:s3], $0x80  }
0x16: {  	[sflag:s3] =	ssyncset.done $0x0  }
0x17: {  	[sflag:s3] =	ssyncadd.s32 $0xFFFFFF80  }
0x18: {  	[tilespmem:s6], [sflag:$0x1] =	stream.indirect.gather [hbm4b:s5+s6], $0x80, s2, s6, $0xb8;
	[tilespmem:$0x4080] =	vst v63  }
0x19: {  	_ =	swait.ge [sflag:s7], $0x4000  }
.Ltmp1:
0x1a: {  	[sflag:s7] =	ssyncset.done $0x0;
	(pc) =	sbr.rel @p0 .LBB2_1-.Ltmp1, $4  }
0x1b: {  	[sflag:s7] =	ssyncadd.s32 $0xFFFFC000  }
0x1c: {  	[hbm4b:s8+s2] =	stream.linear.scatter [tilespmem:s6], [sflag:$0x2], $0x4000, $0x38;
	[tilespmem:$0x4080] =	vst v63  }
0x1d: {  	_ =	swait.ge [sflag:s3], $0x4000  }
0x1e: {  	[sflag:s3] =	ssyncset.done $0x0  }
.LBB2_2:
0x1f: {  	[sflag:s3] =	ssyncadd.s32 $0xFFFFC000  }
0x20: {  	_ =	sfence.sel $0x180000  }
0x21: {  	[bflag:$0x0] =	sbarrier.arrive $0xFFFF  }
0x22: {  	p0 =	sne.s32 s0, $0x0;
	_ =	strace $0x90000047  }
0x23: {  	s0 =	sadd.s32 @!p0 $0x100000, s1;
	[bflag:$0x2] =	sbarrier.arrive $0xFFFF  }
0x24: {  	[sflag:s0] =	ssyncadd.tile.s32 @!p0 $0x1;
	_ =	shalt  }
.Lfunc_end2:
_tile_overlayer_lowered:
.L_overlay_start_2:
0x25: {  	(tag) =	ssettag $0x2  }
0x26: {  	s0 =	rddreg [dreg:$0x0];
	s2 =	stileid.u32  }
0x27: {  	s1 =	rddreg [dreg:$0x1];
	p0 =	sne.s32 s2, $0x0  }
0x28: {  	s3 =	rddreg [dreg:$0x2];
	[bflag:$0x3] =	sbarrier.arrive $0xFFFF;
	s2 =	simm.s32 @!p0 $0x1C02  }
0x29: {  	[timem:s3], [sflag:s2] =	dma.local @!p0 [hbm:s0], s1  }
0x2a: {  	s0 =	simm.s32 @!p0 $0x2  }
0x2b: {  	_ =	swait.ge @!p0 [sflag:s0], s1  }
0x2c: {  	s1 =	ssub.s32 @!p0 $0x0, s1;
	[sflag:s0] =	ssyncset.done @!p0 $0x0  }
0x2d: {  	[sflag:s0] =	ssyncadd.s32 @!p0 s1  }
0x2e: {  	[bflag:$0x3] =	sbarrier.arrive $0xFFFF  }
0x2f: {  	_ =	shalt  }

</sc_bundles>
